<compile_context>
chip_gen: v7x
topology: tpu7x:2x2x1
jax: 0.10.2.dev20260603
libtpu: 0.0.44.dev20260713+nightly
codegen_flags: <defaults>
</compile_context>

<pallas_src>
import jax
import jax.numpy as jnp
from jax import lax
from jax.experimental import pallas as pl
from jax.experimental.pallas import tpu as pltpu
from jax.experimental.pallas import tpu_sc as plsc

_N = 10000
_E = 320000
_D = 128
_R = 3
_G = 100
_NP = 10240
_NC = 2
_NT = 16
_NH = _N // _NC
_NHP = 5120
_CH = 125
_EPT = _E // _NT
_NCHUNK = _EPT // _CH
_NDUMP = 128
_ROWS = _NHP + _NDUMP
_ZPT = _ROWS // _NT
_OPT = _NHP // _NT
_NB = 1000
_NBLK = _N // _NB
_NBP = 1024
_TBLK = _NP // _NBP


def _prep_body(x_ref, wr_ref, tw_ref, tv_ref):
    x = x_ref[...]
    tw_ref[0] = jnp.dot(x, wr_ref[0, 0], preferred_element_type=jnp.float32)
    tv_ref[0] = jnp.dot(x, wr_ref[1, 0], preferred_element_type=jnp.float32)


def _tc_prep(x, wrel2):
    return pl.pallas_call(
        _prep_body,
        grid=(_R, _TBLK),
        in_specs=[
            pl.BlockSpec((_NBP, _D), lambda r, i: (i, 0)),
            pl.BlockSpec((2, 1, _D, _D), lambda r, i: (0, r, 0, 0)),
        ],
        out_specs=[
            pl.BlockSpec((1, _NBP, _D), lambda r, i: (r, i, 0)),
            pl.BlockSpec((1, _NBP, _D), lambda r, i: (r, i, 0)),
        ],
        out_shape=[
            jax.ShapeDtypeStruct((_R, _NP, _D), jnp.float32),
            jax.ShapeDtypeStruct((_R, _NP, _D), jnp.float32),
        ],
    )(x, wrel2)


_NRING = 4
_NSTAGE = 2
_SCHUNK = _NCHUNK // _NSTAGE


def _sc_body(tab, gidx, sidx, zrows, out,
             gidx_v, sidx_v, buf0, buf1, buf2, buf3, acc,
             gs0, gs1, gs2, gs3, ss0, ss1, ss2, ss3):
    c = lax.axis_index("c")
    s = lax.axis_index("s")
    bufs = (buf0, buf1, buf2, buf3)
    gsems = (gs0, gs1, gs2, gs3)
    ssems = (ss0, ss1, ss2, ss3)

    pltpu.sync_copy(zrows, acc.at[pl.ds(s * _ZPT, _ZPT)])
    plsc.subcore_barrier()

    def gather(j, k):
        pltpu.async_copy(tab.at[gidx_v.at[j]], bufs[k], gsems[k])

    def gather_wait(j, k):
        pltpu.make_async_copy(tab.at[gidx_v.at[j]], bufs[k],
                              gsems[k]).wait()

    def scatter(j, k):
        pltpu.async_copy(bufs[k], acc.at[sidx_v.at[j]], ssems[k],
                         add=True)

    def scatter_wait(j, k):
        pltpu.make_async_copy(bufs[k], acc.at[sidx_v.at[j]],
                              ssems[k]).wait()

    for st in range(_NSTAGE):
        pltpu.sync_copy(gidx.at[s, pl.ds(st * _SCHUNK, _SCHUNK)], gidx_v)
        pltpu.sync_copy(sidx.at[c, s, pl.ds(st * _SCHUNK, _SCHUNK)], sidx_v)

        for k in range(_NRING - 1):
            gather(k, k)

        def body(i, _):
            for k in range(_NRING):
                j = _NRING * i + k
                kn = (k + _NRING - 1) % _NRING
                gather_wait(j, k)
                scatter(j, k)

                @pl.when(j + _NRING - 1 < _SCHUNK)
                def _():
                    @pl.when(j >= 1)
                    def _():
                        scatter_wait(j - 1, kn)

                    gather(j + _NRING - 1, kn)

            return 0

        lax.fori_loop(0, _SCHUNK // _NRING, body, 0)

        for t in range(_NRING):
            j = _SCHUNK - _NRING + t
            scatter_wait(j, j % _NRING)

    plsc.subcore_barrier()
    pltpu.sync_copy(acc.at[pl.ds(s * _OPT, _OPT)],
                    out.at[c, pl.ds(s * _OPT, _OPT)])


def _sc_aggregate(tab, gidx3, sidx4, zrows):
    mesh = plsc.VectorSubcoreMesh(core_axis_name="c", subcore_axis_name="s")
    return pl.kernel(
        _sc_body,
        out_type=jax.ShapeDtypeStruct((_NC, _NHP, _D), jnp.float32),
        mesh=mesh,
        scratch_types=[
            pltpu.VMEM((_SCHUNK, _CH), jnp.int32),
            pltpu.VMEM((_SCHUNK, _CH), jnp.int32),
            pltpu.VMEM((_CH, _D), jnp.float32),
            pltpu.VMEM((_CH, _D), jnp.float32),
            pltpu.VMEM((_CH, _D), jnp.float32),
            pltpu.VMEM((_CH, _D), jnp.float32),
            pltpu.VMEM_SHARED((_ROWS, _D), jnp.float32),
            pltpu.SemaphoreType.DMA,
            pltpu.SemaphoreType.DMA,
            pltpu.SemaphoreType.DMA,
            pltpu.SemaphoreType.DMA,
            pltpu.SemaphoreType.DMA,
            pltpu.SemaphoreType.DMA,
            pltpu.SemaphoreType.DMA,
            pltpu.SemaphoreType.DMA,
        ],
    )(tab, gidx3, sidx4, zrows)


def _tc_body(x_ref, aggw_ref, aggv_ref, wself_ref, b2_ref, wff2_ref,
             bff_ref, qs_ref, nt_ref, asg_ref, gid_ref, out_ref):
    i = pl.program_id(0)
    x = x_ref[...]

    hw = jnp.dot(x, wself_ref[0], preferred_element_type=jnp.float32)
    hv = jnp.dot(x, wself_ref[1], preferred_element_type=jnp.float32)
    hw = jnp.maximum(hw + aggw_ref[0] + b2_ref[0], 0.0)
    hv = jnp.maximum(hv + aggv_ref[0] + b2_ref[1], 0.0)

    w = jnp.abs(jnp.sum(hw * wff2_ref[0], axis=1, keepdims=True)
                + bff_ref[0, 0])
    v = (jnp.sum(hv * wff2_ref[1], axis=1, keepdims=True)
         + bff_ref[0, 1])

    mask = (nt_ref[...] == 1) & (asg_ref[...] == 1)
    s = jnp.where(mask, w * qs_ref[...] + v, 0.0)

    cols = lax.broadcasted_iota(jnp.int32, (_NB, _D), 1)
    onehot = cols == gid_ref[...]
    part = jnp.sum(jnp.where(onehot, s, 0.0), axis=0, keepdims=True)
    part8 = jnp.broadcast_to(part, (8, _D))

    @pl.when(i == 0)
    def _():
        out_ref[...] = part8

    @pl.when(i > 0)
    def _():
        out_ref[...] += part8


def _tc_finish(x, aggw, aggv, wself2, b2, wff2, bff2, qs2, nt2, asg2, gid2):
    full = lambda shape: pl.BlockSpec(shape, lambda i: (0,) * len(shape))
    agg_spec = pl.BlockSpec((1, _NB, _D), lambda i: (i // 5, i % 5, 0))
    col_spec = pl.BlockSpec((_NB, 1), lambda i: (i, 0))
    return pl.pallas_call(
        _tc_body,
        grid=(_NBLK,),
        in_specs=[
            pl.BlockSpec((_NB, _D), lambda i: (i, 0)),
            agg_spec,
            agg_spec,
            full((2, _D, _D)),
            full((2, 1, _D)),
            full((2, 1, _D)),
            pl.BlockSpec(memory_space=pltpu.SMEM),
            col_spec,
            col_spec,
            col_spec,
            col_spec,
        ],
        out_specs=pl.BlockSpec((8, _D), lambda i: (0, 0)),
        out_shape=jax.ShapeDtypeStruct((8, _D), jnp.float32),
    )(x, aggw, aggv, wself2, b2, wff2, bff2, qs2, nt2, asg2, gid2)


def kernel(node_feature, qs, edge_index, edge_type, node_type, assignment,
           graph_ids, Wself_w, Wrel_w, b_w, Wff_w, bff_w,
           Wself_v, Wrel_v, b_v, Wff_v, bff_v):
    src = edge_index[0]
    dst = edge_index[1]
    gidx3 = (edge_type * _NP + src).astype(jnp.int32)
    gidx3 = gidx3.reshape(_NT, _NCHUNK, _CH)
    half = dst // _NH
    local = (dst - half * _NH).astype(jnp.int32)
    dump = (_NHP + (dst % _NDUMP)).astype(jnp.int32)
    sidx4 = jnp.stack([jnp.where(half == 0, local, dump),
                       jnp.where(half == 1, local, dump)])
    sidx4 = sidx4.reshape(_NC, _NT, _NCHUNK, _CH)
    zrows = jnp.zeros((_ZPT, _D), jnp.float32)

    wrel2 = jnp.stack([Wrel_w, Wrel_v])
    tw, tv = _tc_prep(node_feature, wrel2)
    tw = tw.reshape(_R * _NP, _D)
    tv = tv.reshape(_R * _NP, _D)

    aggw = _sc_aggregate(tw, gidx3, sidx4, zrows)
    aggv = _sc_aggregate(tv, gidx3, sidx4, zrows)

    wself2 = jnp.stack([Wself_w, Wself_v])
    b2 = jnp.stack([b_w, b_v]).reshape(2, 1, _D)
    wff2 = jnp.stack([Wff_w[:, 0], Wff_v[:, 0]]).reshape(2, 1, _D)
    bff2 = jnp.stack([bff_w[0], bff_v[0]]).reshape(1, 2)

    qs2 = qs.reshape(_N, 1)
    nt2 = node_type.reshape(_N, 1)
    asg2 = assignment.reshape(_N, 1)
    gid2 = graph_ids.reshape(_N, 1)

    out8 = _tc_finish(node_feature, aggw, aggv, wself2, b2, wff2, bff2,
                      qs2, nt2, asg2, gid2)
    return out8[0, :_G]

# --- scband reference (transcript-rebuilt; emitter-appended) ---
"""Pipeline reference for scband-sub-qmixer-50491635532296 (READ-ONLY COPY).

The authoritative reference and input builder live on the scoring server;
editing this copy changes nothing except your own understanding.
"""

import jax, jax.numpy as jnp
import numpy as np

N = 10000
E = 320000
D = 128
R = 3
G = 100
NODE_ALLY = 1
TARGET_ASSIGNMENT = 1


def setup_inputs(seed: int = 0) -> dict:
    key = jax.random.key(seed)
    ks = jax.random.split(key, 20)
    node_feature = jax.random.normal(ks[0], (N, D), dtype=jnp.float32)
    qs = jax.random.normal(ks[1], (N,), dtype=jnp.float32)
    edge_index = jax.random.randint(ks[2], (2, E), 0, N, dtype=jnp.int32)
    edge_type = jax.random.randint(ks[3], (E,), 0, R, dtype=jnp.int32)
    node_type = jax.random.randint(ks[4], (N,), 0, 3, dtype=jnp.int32)
    assignment = jax.random.randint(ks[5], (N,), 0, 4, dtype=jnp.int32)
    graph_ids = jnp.sort(jax.random.randint(ks[6], (N,), 0, G, dtype=jnp.int32))
    s = 0.05
    params = {
        'Wself_w': jax.random.normal(ks[7], (D, D), jnp.float32) * s,
        'Wrel_w': jax.random.normal(ks[8], (R, D, D), jnp.float32) * s,
        'b_w': jnp.zeros((D,), jnp.float32),
        'Wff_w': jax.random.normal(ks[9], (D, 1), jnp.float32) * s,
        'bff_w': jnp.zeros((1,), jnp.float32),
        'Wself_v': jax.random.normal(ks[10], (D, D), jnp.float32) * s,
        'Wrel_v': jax.random.normal(ks[11], (R, D, D), jnp.float32) * s,
        'b_v': jnp.zeros((D,), jnp.float32),
        'Wff_v': jax.random.normal(ks[12], (D, 1), jnp.float32) * s,
        'bff_v': jnp.zeros((1,), jnp.float32),
    }
    inp = {
        'node_feature': node_feature,
        'qs': qs,
        'edge_index': edge_index,
        'edge_type': edge_type,
        'node_type': node_type,
        'assignment': assignment,
        'graph_ids': graph_ids,
    }
    inp.update(params)
    return inp


def _rgn(x, edge_index, edge_type, Wself, Wrel, b):
    # Relational graph network layer: self transform + per-relation
    # gather (src) -> segment_sum (dst) -> relation-specific projection.
    h = x @ Wself
    src_feat = jnp.take(x, edge_index[0], axis=0)
    dst = edge_index[1]
    for r in range(R):
        mask = (edge_type == r)[:, None]
        msg = jnp.where(mask, src_feat, 0.0)
        agg = jax.ops.segment_sum(msg, dst, num_segments=x.shape[0])
        h = h + agg @ Wrel[r]
    return jax.nn.relu(h + b)


def reference(node_feature, qs, edge_index, edge_type, node_type, assignment,
              graph_ids, Wself_w, Wrel_w, b_w, Wff_w, bff_w,
              Wself_v, Wrel_v, b_v, Wff_v, bff_v):
    # w branch
    w_emb = _rgn(node_feature, edge_index, edge_type, Wself_w, Wrel_w, b_w)
    w = jnp.abs(w_emb @ Wff_w + bff_w)  # [N, 1], rectifier='abs'
    # target ally selection (mask semantics of filtered-index scatter)
    target_mask = (node_type == NODE_ALLY) & (assignment == TARGET_ASSIGNMENT)
    _qs = jnp.where(target_mask, w[:, 0] * qs, 0.0)
    q_tot = jax.ops.segment_sum(_qs, graph_ids, num_segments=G)  # dgl.sum_nodes
    # v branch
    v_emb = _rgn(node_feature, edge_index, edge_type, Wself_v, Wrel_v, b_v)
    v = v_emb @ Wff_v + bff_v  # [N, 1]
    _v = jnp.where(target_mask, v[:, 0], 0.0)
    v_tot = jax.ops.segment_sum(_v, graph_ids, num_segments=G)
    return (q_tot + v_tot).reshape(-1)

if __name__ == "__main__":
    import jax
    _d = setup_inputs()
    print(jax.jit(kernel)(*tuple(_d.values())))

</pallas_src>

<mosaic_0001>
#map = affine_map<(d0, d1) -> (0, 0)>
#map1 = affine_map<(d0, d1) -> (0, 0, 0)>
#map2 = affine_map<(d0, d1) -> (0, 0, 0, 0)>
module attributes {stable_mosaic.version = 14 : i64} {
  func.func @_sc_body(%arg0: i32, %arg1: i32, %arg2: memref<30720x128xf32, #tpu.memory_space<hbm>>, %arg3: memref<16x160x125xi32, #tpu.memory_space<hbm>>, %arg4: memref<2x16x160x125xi32, #tpu.memory_space<hbm>>, %arg5: memref<328x128xf32, #tpu.memory_space<hbm>>, %arg6: memref<2x5120x128xf32, #tpu.memory_space<hbm>>, %arg7: memref<80x125xi32, #tpu.memory_space<vmem>>, %arg8: memref<80x125xi32, #tpu.memory_space<vmem>>, %arg9: memref<125x128xf32, #tpu.memory_space<vmem>>, %arg10: memref<125x128xf32, #tpu.memory_space<vmem>>, %arg11: memref<125x128xf32, #tpu.memory_space<vmem>>, %arg12: memref<125x128xf32, #tpu.memory_space<vmem>>, %arg13: memref<5248x128xf32, #tpu.memory_space<vmem_shared>>, %arg14: memref<!tpu.dma_semaphore, #tpu.memory_space<semaphore_mem>>, %arg15: memref<!tpu.dma_semaphore, #tpu.memory_space<semaphore_mem>>, %arg16: memref<!tpu.dma_semaphore, #tpu.memory_space<semaphore_mem>>, %arg17: memref<!tpu.dma_semaphore, #tpu.memory_space<semaphore_mem>>, %arg18: memref<!tpu.dma_semaphore, #tpu.memory_space<semaphore_mem>>, %arg19: memref<!tpu.dma_semaphore, #tpu.memory_space<semaphore_mem>>, %arg20: memref<!tpu.dma_semaphore, #tpu.memory_space<semaphore_mem>>, %arg21: memref<!tpu.dma_semaphore, #tpu.memory_space<semaphore_mem>>) attributes {dimension_semantics = [#tpu.dimension_semantics<core_parallel>, #tpu.dimension_semantics<subcore_parallel>], iteration_bounds = array<i64: 2, 16>, scalar_prefetch = 0 : i64, scratch_operands = 15 : i64, tpu.core_type = #tpu.core_type<sc_vector_subcore>, window_params = [{transform_indices = #map}, {transform_indices = #map1}, {transform_indices = #map2}, {transform_indices = #map}, {transform_indices = #map1}]} {
    %mul3A = arith.constant 328 : i32
    %mul3A_0 = arith.muli %arg1, %mul3A : i32
    "tpu.region"() ({
      %run_scoped3A = tpu.sem_alloc : memref<!tpu.dma_semaphore, #tpu.memory_space<semaphore_mem>>
      %dma_start3A_115 = arith.constant 0 : i32
      %dma_start3A_116 = tpu.memref_slice %arg13[%mul3A_0, %dma_start3A_115] : memref<5248x128xf32, #tpu.memory_space<vmem_shared>> -> memref<328x128xf32, #tpu.memory_space<vmem_shared>>
      tpu.enqueue_dma source(%arg5 : memref<328x128xf32, #tpu.memory_space<hbm>>) target(%dma_start3A_116 : memref<328x128xf32, #tpu.memory_space<vmem_shared>>) target_semaphore(%run_scoped3A : memref<!tpu.dma_semaphore, #tpu.memory_space<semaphore_mem>>)
      %dma_wait3A_117 = arith.constant 0 : i32
      %dma_wait3A_118 = tpu.memref_slice %arg13[%mul3A_0, %dma_wait3A_117] : memref<5248x128xf32, #tpu.memory_space<vmem_shared>> -> memref<328x128xf32, #tpu.memory_space<vmem_shared>>
      tpu.wait_dma2 semaphore(%run_scoped3A : memref<!tpu.dma_semaphore, #tpu.memory_space<semaphore_mem>>) src(%arg5 : memref<328x128xf32, #tpu.memory_space<hbm>>) dst(%dma_wait3A_118 : memref<328x128xf32, #tpu.memory_space<vmem_shared>>)
      tpu.yield
    }) : () -> ()
    %barrier3A = arith.constant 0 : index
    tpu.barrier barrier_id(%barrier3A)
    "tpu.region"() ({
      %run_scoped3A = tpu.sem_alloc : memref<!tpu.dma_semaphore, #tpu.memory_space<semaphore_mem>>
      %dma_start3A_115 = arith.constant 0 : i32
      %dma_start3A_116 = arith.constant 0 : i32
      %dma_start3A_117 = tpu.memref_slice %arg3[%arg1, %dma_start3A_115, %dma_start3A_116] : memref<16x160x125xi32, #tpu.memory_space<hbm>> -> memref<1x80x125xi32, #tpu.memory_space<hbm>>
      %dma_start3A_118 = tpu.memref_squeeze %dma_start3A_117 : memref<1x80x125xi32, #tpu.memory_space<hbm>> -> memref<80x125xi32, #tpu.memory_space<hbm>>
      %dma_start3A_119 = arith.constant 0 : i32
      %dma_start3A_120 = arith.constant 0 : i32
      %dma_start3A_121 = tpu.memref_slice %arg3[%arg1, %dma_start3A_119, %dma_start3A_120] : memref<16x160x125xi32, #tpu.memory_space<hbm>> -> memref<1x80x125xi32, #tpu.memory_space<hbm>>
      %dma_start3A_122 = tpu.memref_squeeze %dma_start3A_121 : memref<1x80x125xi32, #tpu.memory_space<hbm>> -> memref<80x125xi32, #tpu.memory_space<hbm>>
      tpu.enqueue_dma source(%dma_start3A_122 : memref<80x125xi32, #tpu.memory_space<hbm>>) target(%arg7 : memref<80x125xi32, #tpu.memory_space<vmem>>) target_semaphore(%run_scoped3A : memref<!tpu.dma_semaphore, #tpu.memory_space<semaphore_mem>>)
      %dma_wait3A_123 = arith.constant 0 : i32
      %dma_wait3A_124 = arith.constant 0 : i32
      %dma_wait3A_125 = tpu.memref_slice %arg3[%arg1, %dma_wait3A_123, %dma_wait3A_124] : memref<16x160x125xi32, #tpu.memory_space<hbm>> -> memref<1x80x125xi32, #tpu.memory_space<hbm>>
      %dma_wait3A_126 = tpu.memref_squeeze %dma_wait3A_125 : memref<1x80x125xi32, #tpu.memory_space<hbm>> -> memref<80x125xi32, #tpu.memory_space<hbm>>
      %dma_wait3A_127 = arith.constant 0 : i32
      %dma_wait3A_128 = arith.constant 0 : i32
      %dma_wait3A_129 = tpu.memref_slice %arg3[%arg1, %dma_wait3A_127, %dma_wait3A_128] : memref<16x160x125xi32, #tpu.memory_space<hbm>> -> memref<1x80x125xi32, #tpu.memory_space<hbm>>
      %dma_wait3A_130 = tpu.memref_squeeze %dma_wait3A_129 : memref<1x80x125xi32, #tpu.memory_space<hbm>> -> memref<80x125xi32, #tpu.memory_space<hbm>>
      tpu.wait_dma2 semaphore(%run_scoped3A : memref<!tpu.dma_semaphore, #tpu.memory_space<semaphore_mem>>) src(%dma_wait3A_130 : memref<80x125xi32, #tpu.memory_space<hbm>>) dst(%arg7 : memref<80x125xi32, #tpu.memory_space<vmem>>)
      tpu.yield
    }) : () -> ()
    "tpu.region"() ({
      %run_scoped3A = tpu.sem_alloc : memref<!tpu.dma_semaphore, #tpu.memory_space<semaphore_mem>>
      %dma_start3A_115 = arith.constant 0 : i32
      %dma_start3A_116 = arith.constant 0 : i32
      %dma_start3A_117 = tpu.memref_slice %arg4[%arg0, %arg1, %dma_start3A_115, %dma_start3A_116] : memref<2x16x160x125xi32, #tpu.memory_space<hbm>> -> memref<1x1x80x125xi32, #tpu.memory_space<hbm>>
      %dma_start3A_118 = tpu.memref_squeeze %dma_start3A_117 : memref<1x1x80x125xi32, #tpu.memory_space<hbm>> -> memref<80x125xi32, #tpu.memory_space<hbm>>
      %dma_start3A_119 = arith.constant 0 : i32
      %dma_start3A_120 = arith.constant 0 : i32
      %dma_start3A_121 = tpu.memref_slice %arg4[%arg0, %arg1, %dma_start3A_119, %dma_start3A_120] : memref<2x16x160x125xi32, #tpu.memory_space<hbm>> -> memref<1x1x80x125xi32, #tpu.memory_space<hbm>>
      %dma_start3A_122 = tpu.memref_squeeze %dma_start3A_121 : memref<1x1x80x125xi32, #tpu.memory_space<hbm>> -> memref<80x125xi32, #tpu.memory_space<hbm>>
      tpu.enqueue_dma source(%dma_start3A_122 : memref<80x125xi32, #tpu.memory_space<hbm>>) target(%arg8 : memref<80x125xi32, #tpu.memory_space<vmem>>) target_semaphore(%run_scoped3A : memref<!tpu.dma_semaphore, #tpu.memory_space<semaphore_mem>>)
      %dma_wait3A_123 = arith.constant 0 : i32
      %dma_wait3A_124 = arith.constant 0 : i32
      %dma_wait3A_125 = tpu.memref_slice %arg4[%arg0, %arg1, %dma_wait3A_123, %dma_wait3A_124] : memref<2x16x160x125xi32, #tpu.memory_space<hbm>> -> memref<1x1x80x125xi32, #tpu.memory_space<hbm>>
      %dma_wait3A_126 = tpu.memref_squeeze %dma_wait3A_125 : memref<1x1x80x125xi32, #tpu.memory_space<hbm>> -> memref<80x125xi32, #tpu.memory_space<hbm>>
      %dma_wait3A_127 = arith.constant 0 : i32
      %dma_wait3A_128 = arith.constant 0 : i32
      %dma_wait3A_129 = tpu.memref_slice %arg4[%arg0, %arg1, %dma_wait3A_127, %dma_wait3A_128] : memref<2x16x160x125xi32, #tpu.memory_space<hbm>> -> memref<1x1x80x125xi32, #tpu.memory_space<hbm>>
      %dma_wait3A_130 = tpu.memref_squeeze %dma_wait3A_129 : memref<1x1x80x125xi32, #tpu.memory_space<hbm>> -> memref<80x125xi32, #tpu.memory_space<hbm>>
      tpu.wait_dma2 semaphore(%run_scoped3A : memref<!tpu.dma_semaphore, #tpu.memory_space<semaphore_mem>>) src(%dma_wait3A_130 : memref<80x125xi32, #tpu.memory_space<hbm>>) dst(%arg8 : memref<80x125xi32, #tpu.memory_space<vmem>>)
      tpu.yield
    }) : () -> ()
    %dma_start3A = arith.constant 0 : i32
    %dma_start3A_1 = arith.constant 0 : i32
    %dma_start3A_2 = tpu.memref_slice %arg7[%dma_start3A, %dma_start3A_1] : memref<80x125xi32, #tpu.memory_space<vmem>> -> memref<1x125xi32, #tpu.memory_space<vmem>>
    %dma_start3A_3 = tpu.memref_squeeze %dma_start3A_2 : memref<1x125xi32, #tpu.memory_space<vmem>> -> memref<125xi32, #tpu.memory_space<vmem>>
    %dma_start3A_4 = arith.constant 0 : i32
    %dma_start3A_5 = arith.constant 0 : i32
    %dma_start3A_6 = tpu.memref_slice %arg2[%dma_start3A_4, %dma_start3A_5] : memref<30720x128xf32, #tpu.memory_space<hbm>> -> memref<30720x128xf32, #tpu.memory_space<hbm>>
    tpu.enqueue_indirect_dma source(%dma_start3A_6 : memref<30720x128xf32, #tpu.memory_space<hbm>>) target(%arg9 : memref<125x128xf32, #tpu.memory_space<vmem>>) offsets(%dma_start3A_3 : memref<125xi32, #tpu.memory_space<vmem>>) semaphore(%arg14 : memref<!tpu.dma_semaphore, #tpu.memory_space<semaphore_mem>>)
    %dma_start3A_7 = arith.constant 1 : i32
    %dma_start3A_8 = arith.constant 0 : i32
    %dma_start3A_9 = tpu.memref_slice %arg7[%dma_start3A_7, %dma_start3A_8] : memref<80x125xi32, #tpu.memory_space<vmem>> -> memref<1x125xi32, #tpu.memory_space<vmem>>
    %dma_start3A_10 = tpu.memref_squeeze %dma_start3A_9 : memref<1x125xi32, #tpu.memory_space<vmem>> -> memref<125xi32, #tpu.memory_space<vmem>>
    %dma_start3A_11 = arith.constant 0 : i32
    %dma_start3A_12 = arith.constant 0 : i32
    %dma_start3A_13 = tpu.memref_slice %arg2[%dma_start3A_11, %dma_start3A_12] : memref<30720x128xf32, #tpu.memory_space<hbm>> -> memref<30720x128xf32, #tpu.memory_space<hbm>>
    tpu.enqueue_indirect_dma source(%dma_start3A_13 : memref<30720x128xf32, #tpu.memory_space<hbm>>) target(%arg10 : memref<125x128xf32, #tpu.memory_space<vmem>>) offsets(%dma_start3A_10 : memref<125xi32, #tpu.memory_space<vmem>>) semaphore(%arg15 : memref<!tpu.dma_semaphore, #tpu.memory_space<semaphore_mem>>)
    %dma_start3A_14 = arith.constant 2 : i32
    %dma_start3A_15 = arith.constant 0 : i32
    %dma_start3A_16 = tpu.memref_slice %arg7[%dma_start3A_14, %dma_start3A_15] : memref<80x125xi32, #tpu.memory_space<vmem>> -> memref<1x125xi32, #tpu.memory_space<vmem>>
    %dma_start3A_17 = tpu.memref_squeeze %dma_start3A_16 : memref<1x125xi32, #tpu.memory_space<vmem>> -> memref<125xi32, #tpu.memory_space<vmem>>
    %dma_start3A_18 = arith.constant 0 : i32
    %dma_start3A_19 = arith.constant 0 : i32
    %dma_start3A_20 = tpu.memref_slice %arg2[%dma_start3A_18, %dma_start3A_19] : memref<30720x128xf32, #tpu.memory_space<hbm>> -> memref<30720x128xf32, #tpu.memory_space<hbm>>
    tpu.enqueue_indirect_dma source(%dma_start3A_20 : memref<30720x128xf32, #tpu.memory_space<hbm>>) target(%arg11 : memref<125x128xf32, #tpu.memory_space<vmem>>) offsets(%dma_start3A_17 : memref<125xi32, #tpu.memory_space<vmem>>) semaphore(%arg16 : memref<!tpu.dma_semaphore, #tpu.memory_space<semaphore_mem>>)
    %scan3A = arith.constant 0 : i32
    %scan3A_21 = arith.constant 0 : i32
    %scan3A_22 = arith.constant 20 : i32
    %scan3A_23 = arith.addi %scan3A_21, %scan3A_22 : i32
    %scan3A_24 = arith.constant 1 : i32
    %scan3A_25 = scf.for %scan3A_115 = %scan3A_21 to %scan3A_23 step %scan3A_24 iter_args(%scan3A_116 = %scan3A) -> (i32)  : i32 {
      %mul3A_117 = arith.constant 4 : i32
      %mul3A_118 = arith.muli %mul3A_117, %scan3A_115 : i32
      %add3A = arith.constant 0 : i32
      %add3A_119 = arith.addi %mul3A_118, %add3A : i32
      %dma_wait3A_120 = arith.constant 0 : i32
      %dma_wait3A_121 = tpu.memref_slice %arg7[%add3A_119, %dma_wait3A_120] : memref<80x125xi32, #tpu.memory_space<vmem>> -> memref<1x125xi32, #tpu.memory_space<vmem>>
      %dma_wait3A_122 = tpu.memref_squeeze %dma_wait3A_121 : memref<1x125xi32, #tpu.memory_space<vmem>> -> memref<125xi32, #tpu.memory_space<vmem>>
      %dma_wait3A_123 = arith.constant 0 : i32
      %dma_wait3A_124 = arith.constant 0 : i32
      %dma_wait3A_125 = tpu.memref_slice %arg2[%dma_wait3A_123, %dma_wait3A_124] : memref<30720x128xf32, #tpu.memory_space<hbm>> -> memref<30720x128xf32, #tpu.memory_space<hbm>>
      tpu.wait_indirect_dma semaphore(%arg14 : memref<!tpu.dma_semaphore, #tpu.memory_space<semaphore_mem>>) src(%dma_wait3A_125 : memref<30720x128xf32, #tpu.memory_space<hbm>>) dst(%arg9 : memref<125x128xf32, #tpu.memory_space<vmem>>)
      %dma_start3A_126 = arith.constant 0 : i32
      %dma_start3A_127 = tpu.memref_slice %arg8[%add3A_119, %dma_start3A_126] : memref<80x125xi32, #tpu.memory_space<vmem>> -> memref<1x125xi32, #tpu.memory_space<vmem>>
      %dma_start3A_128 = tpu.memref_squeeze %dma_start3A_127 : memref<1x125xi32, #tpu.memory_space<vmem>> -> memref<125xi32, #tpu.memory_space<vmem>>
      %dma_start3A_129 = arith.constant 0 : i32
      %dma_start3A_130 = arith.constant 0 : i32
      %dma_start3A_131 = tpu.memref_slice %arg13[%dma_start3A_129, %dma_start3A_130] : memref<5248x128xf32, #tpu.memory_space<vmem_shared>> -> memref<5248x128xf32, #tpu.memory_space<vmem_shared>>
      tpu.enqueue_indirect_dma source(%arg9 : memref<125x128xf32, #tpu.memory_space<vmem>>) target(%dma_start3A_131 : memref<5248x128xf32, #tpu.memory_space<vmem_shared>>) offsets(%dma_start3A_128 : memref<125xi32, #tpu.memory_space<vmem>>) semaphore(%arg18 : memref<!tpu.dma_semaphore, #tpu.memory_space<semaphore_mem>>) {add = true}
      %add3A_132 = arith.constant 4 : i32
      %add3A_133 = arith.addi %add3A_119, %add3A_132 : i32
      %sub3A = arith.constant 1 : i32
      %sub3A_134 = arith.subi %add3A_133, %sub3A : i32
      %lt3A = arith.constant 80 : i32
      %lt3A_135 = arith.cmpi slt, %sub3A_134, %lt3A : i32
      %convert_element_type3A = arith.extui %lt3A_135 : i1 to i32
      %cond3A = arith.constant 0 : i32
      %cond3A_136 = arith.cmpi ne, %convert_element_type3A, %cond3A : i32
      scf.if %cond3A_136 {
        %ge3A = arith.constant 1 : i32
        %ge3A_213 = arith.cmpi sge, %add3A_119, %ge3A : i32
        %convert_element_type3A_214 = arith.extui %ge3A_213 : i1 to i32
        %cond3A_215 = arith.constant 0 : i32
        %cond3A_216 = arith.cmpi ne, %convert_element_type3A_214, %cond3A_215 : i32
        scf.if %cond3A_216 {
          %sub3A_227 = arith.constant 1 : i32
          %sub3A_228 = arith.subi %add3A_119, %sub3A_227 : i32
          %dma_wait3A_229 = arith.constant 0 : i32
          %dma_wait3A_230 = tpu.memref_slice %arg8[%sub3A_228, %dma_wait3A_229] : memref<80x125xi32, #tpu.memory_space<vmem>> -> memref<1x125xi32, #tpu.memory_space<vmem>>
          %dma_wait3A_231 = tpu.memref_squeeze %dma_wait3A_230 : memref<1x125xi32, #tpu.memory_space<vmem>> -> memref<125xi32, #tpu.memory_space<vmem>>
          %dma_wait3A_232 = arith.constant 0 : i32
          %dma_wait3A_233 = arith.constant 0 : i32
          %dma_wait3A_234 = tpu.memref_slice %arg13[%dma_wait3A_232, %dma_wait3A_233] : memref<5248x128xf32, #tpu.memory_space<vmem_shared>> -> memref<5248x128xf32, #tpu.memory_space<vmem_shared>>
          tpu.wait_indirect_dma semaphore(%arg21 : memref<!tpu.dma_semaphore, #tpu.memory_space<semaphore_mem>>) src(%arg12 : memref<125x128xf32, #tpu.memory_space<vmem>>) dst(%dma_wait3A_234 : memref<5248x128xf32, #tpu.memory_space<vmem_shared>>)
        } else {
        }
        %add3A_217 = arith.constant 4 : i32
        %add3A_218 = arith.addi %add3A_119, %add3A_217 : i32
        %sub3A_219 = arith.constant 1 : i32
        %sub3A_220 = arith.subi %add3A_218, %sub3A_219 : i32
        %dma_start3A_221 = arith.constant 0 : i32
        %dma_start3A_222 = tpu.memref_slice %arg7[%sub3A_220, %dma_start3A_221] : memref<80x125xi32, #tpu.memory_space<vmem>> -> memref<1x125xi32, #tpu.memory_space<vmem>>
        %dma_start3A_223 = tpu.memref_squeeze %dma_start3A_222 : memref<1x125xi32, #tpu.memory_space<vmem>> -> memref<125xi32, #tpu.memory_space<vmem>>
        %dma_start3A_224 = arith.constant 0 : i32
        %dma_start3A_225 = arith.constant 0 : i32
        %dma_start3A_226 = tpu.memref_slice %arg2[%dma_start3A_224, %dma_start3A_225] : memref<30720x128xf32, #tpu.memory_space<hbm>> -> memref<30720x128xf32, #tpu.memory_space<hbm>>
        tpu.enqueue_indirect_dma source(%dma_start3A_226 : memref<30720x128xf32, #tpu.memory_space<hbm>>) target(%arg12 : memref<125x128xf32, #tpu.memory_space<vmem>>) offsets(%dma_start3A_223 : memref<125xi32, #tpu.memory_space<vmem>>) semaphore(%arg17 : memref<!tpu.dma_semaphore, #tpu.memory_space<semaphore_mem>>)
      } else {
      }
      %mul3A_137 = arith.constant 4 : i32
      %mul3A_138 = arith.muli %mul3A_137, %scan3A_115 : i32
      %add3A_139 = arith.constant 1 : i32
      %add3A_140 = arith.addi %mul3A_138, %add3A_139 : i32
      %dma_wait3A_141 = arith.constant 0 : i32
      %dma_wait3A_142 = tpu.memref_slice %arg7[%add3A_140, %dma_wait3A_141] : memref<80x125xi32, #tpu.memory_space<vmem>> -> memref<1x125xi32, #tpu.memory_space<vmem>>
      %dma_wait3A_143 = tpu.memref_squeeze %dma_wait3A_142 : memref<1x125xi32, #tpu.memory_space<vmem>> -> memref<125xi32, #tpu.memory_space<vmem>>
      %dma_wait3A_144 = arith.constant 0 : i32
      %dma_wait3A_145 = arith.constant 0 : i32
      %dma_wait3A_146 = tpu.memref_slice %arg2[%dma_wait3A_144, %dma_wait3A_145] : memref<30720x128xf32, #tpu.memory_space<hbm>> -> memref<30720x128xf32, #tpu.memory_space<hbm>>
      tpu.wait_indirect_dma semaphore(%arg15 : memref<!tpu.dma_semaphore, #tpu.memory_space<semaphore_mem>>) src(%dma_wait3A_146 : memref<30720x128xf32, #tpu.memory_space<hbm>>) dst(%arg10 : memref<125x128xf32, #tpu.memory_space<vmem>>)
      %dma_start3A_147 = arith.constant 0 : i32
      %dma_start3A_148 = tpu.memref_slice %arg8[%add3A_140, %dma_start3A_147] : memref<80x125xi32, #tpu.memory_space<vmem>> -> memref<1x125xi32, #tpu.memory_space<vmem>>
      %dma_start3A_149 = tpu.memref_squeeze %dma_start3A_148 : memref<1x125xi32, #tpu.memory_space<vmem>> -> memref<125xi32, #tpu.memory_space<vmem>>
      %dma_start3A_150 = arith.constant 0 : i32
      %dma_start3A_151 = arith.constant 0 : i32
      %dma_start3A_152 = tpu.memref_slice %arg13[%dma_start3A_150, %dma_start3A_151] : memref<5248x128xf32, #tpu.memory_space<vmem_shared>> -> memref<5248x128xf32, #tpu.memory_space<vmem_shared>>
      tpu.enqueue_indirect_dma source(%arg10 : memref<125x128xf32, #tpu.memory_space<vmem>>) target(%dma_start3A_152 : memref<5248x128xf32, #tpu.memory_space<vmem_shared>>) offsets(%dma_start3A_149 : memref<125xi32, #tpu.memory_space<vmem>>) semaphore(%arg19 : memref<!tpu.dma_semaphore, #tpu.memory_space<semaphore_mem>>) {add = true}
      %add3A_153 = arith.constant 4 : i32
      %add3A_154 = arith.addi %add3A_140, %add3A_153 : i32
      %sub3A_155 = arith.constant 1 : i32
      %sub3A_156 = arith.subi %add3A_154, %sub3A_155 : i32
      %lt3A_157 = arith.constant 80 : i32
      %lt3A_158 = arith.cmpi slt, %sub3A_156, %lt3A_157 : i32
      %convert_element_type3A_159 = arith.extui %lt3A_158 : i1 to i32
      %cond3A_160 = arith.constant 0 : i32
      %cond3A_161 = arith.cmpi ne, %convert_element_type3A_159, %cond3A_160 : i32
      scf.if %cond3A_161 {
        %ge3A = arith.constant 1 : i32
        %ge3A_213 = arith.cmpi sge, %add3A_140, %ge3A : i32
        %convert_element_type3A_214 = arith.extui %ge3A_213 : i1 to i32
        %cond3A_215 = arith.constant 0 : i32
        %cond3A_216 = arith.cmpi ne, %convert_element_type3A_214, %cond3A_215 : i32
        scf.if %cond3A_216 {
          %sub3A_227 = arith.constant 1 : i32
          %sub3A_228 = arith.subi %add3A_140, %sub3A_227 : i32
          %dma_wait3A_229 = arith.constant 0 : i32
          %dma_wait3A_230 = tpu.memref_slice %arg8[%sub3A_228, %dma_wait3A_229] : memref<80x125xi32, #tpu.memory_space<vmem>> -> memref<1x125xi32, #tpu.memory_space<vmem>>
          %dma_wait3A_231 = tpu.memref_squeeze %dma_wait3A_230 : memref<1x125xi32, #tpu.memory_space<vmem>> -> memref<125xi32, #tpu.memory_space<vmem>>
          %dma_wait3A_232 = arith.constant 0 : i32
          %dma_wait3A_233 = arith.constant 0 : i32
          %dma_wait3A_234 = tpu.memref_slice %arg13[%dma_wait3A_232, %dma_wait3A_233] : memref<5248x128xf32, #tpu.memory_space<vmem_shared>> -> memref<5248x128xf32, #tpu.memory_space<vmem_shared>>
          tpu.wait_indirect_dma semaphore(%arg18 : memref<!tpu.dma_semaphore, #tpu.memory_space<semaphore_mem>>) src(%arg9 : memref<125x128xf32, #tpu.memory_space<vmem>>) dst(%dma_wait3A_234 : memref<5248x128xf32, #tpu.memory_space<vmem_shared>>)
        } else {
        }
        %add3A_217 = arith.constant 4 : i32
        %add3A_218 = arith.addi %add3A_140, %add3A_217 : i32
        %sub3A_219 = arith.constant 1 : i32
        %sub3A_220 = arith.subi %add3A_218, %sub3A_219 : i32
        %dma_start3A_221 = arith.constant 0 : i32
        %dma_start3A_222 = tpu.memref_slice %arg7[%sub3A_220, %dma_start3A_221] : memref<80x125xi32, #tpu.memory_space<vmem>> -> memref<1x125xi32, #tpu.memory_space<vmem>>
        %dma_start3A_223 = tpu.memref_squeeze %dma_start3A_222 : memref<1x125xi32, #tpu.memory_space<vmem>> -> memref<125xi32, #tpu.memory_space<vmem>>
        %dma_start3A_224 = arith.constant 0 : i32
        %dma_start3A_225 = arith.constant 0 : i32
        %dma_start3A_226 = tpu.memref_slice %arg2[%dma_start3A_224, %dma_start3A_225] : memref<30720x128xf32, #tpu.memory_space<hbm>> -> memref<30720x128xf32, #tpu.memory_space<hbm>>
        tpu.enqueue_indirect_dma source(%dma_start3A_226 : memref<30720x128xf32, #tpu.memory_space<hbm>>) target(%arg9 : memref<125x128xf32, #tpu.memory_space<vmem>>) offsets(%dma_start3A_223 : memref<125xi32, #tpu.memory_space<vmem>>) semaphore(%arg14 : memref<!tpu.dma_semaphore, #tpu.memory_space<semaphore_mem>>)
      } else {
      }
      %mul3A_162 = arith.constant 4 : i32
      %mul3A_163 = arith.muli %mul3A_162, %scan3A_115 : i32
      %add3A_164 = arith.constant 2 : i32
      %add3A_165 = arith.addi %mul3A_163, %add3A_164 : i32
      %dma_wait3A_166 = arith.constant 0 : i32
      %dma_wait3A_167 = tpu.memref_slice %arg7[%add3A_165, %dma_wait3A_166] : memref<80x125xi32, #tpu.memory_space<vmem>> -> memref<1x125xi32, #tpu.memory_space<vmem>>
      %dma_wait3A_168 = tpu.memref_squeeze %dma_wait3A_167 : memref<1x125xi32, #tpu.memory_space<vmem>> -> memref<125xi32, #tpu.memory_space<vmem>>
      %dma_wait3A_169 = arith.constant 0 : i32
      %dma_wait3A_170 = arith.constant 0 : i32
      %dma_wait3A_171 = tpu.memref_slice %arg2[%dma_wait3A_169, %dma_wait3A_170] : memref<30720x128xf32, #tpu.memory_space<hbm>> -> memref<30720x128xf32, #tpu.memory_space<hbm>>
      tpu.wait_indirect_dma semaphore(%arg16 : memref<!tpu.dma_semaphore, #tpu.memory_space<semaphore_mem>>) src(%dma_wait3A_171 : memref<30720x128xf32, #tpu.memory_space<hbm>>) dst(%arg11 : memref<125x128xf32, #tpu.memory_space<vmem>>)
      %dma_start3A_172 = arith.constant 0 : i32
      %dma_start3A_173 = tpu.memref_slice %arg8[%add3A_165, %dma_start3A_172] : memref<80x125xi32, #tpu.memory_space<vmem>> -> memref<1x125xi32, #tpu.memory_space<vmem>>
      %dma_start3A_174 = tpu.memref_squeeze %dma_start3A_173 : memref<1x125xi32, #tpu.memory_space<vmem>> -> memref<125xi32, #tpu.memory_space<vmem>>
      %dma_start3A_175 = arith.constant 0 : i32
      %dma_start3A_176 = arith.constant 0 : i32
      %dma_start3A_177 = tpu.memref_slice %arg13[%dma_start3A_175, %dma_start3A_176] : memref<5248x128xf32, #tpu.memory_space<vmem_shared>> -> memref<5248x128xf32, #tpu.memory_space<vmem_shared>>
      tpu.enqueue_indirect_dma source(%arg11 : memref<125x128xf32, #tpu.memory_space<vmem>>) target(%dma_start3A_177 : memref<5248x128xf32, #tpu.memory_space<vmem_shared>>) offsets(%dma_start3A_174 : memref<125xi32, #tpu.memory_space<vmem>>) semaphore(%arg20 : memref<!tpu.dma_semaphore, #tpu.memory_space<semaphore_mem>>) {add = true}
      %add3A_178 = arith.constant 4 : i32
      %add3A_179 = arith.addi %add3A_165, %add3A_178 : i32
      %sub3A_180 = arith.constant 1 : i32
      %sub3A_181 = arith.subi %add3A_179, %sub3A_180 : i32
      %lt3A_182 = arith.constant 80 : i32
      %lt3A_183 = arith.cmpi slt, %sub3A_181, %lt3A_182 : i32
      %convert_element_type3A_184 = arith.extui %lt3A_183 : i1 to i32
      %cond3A_185 = arith.constant 0 : i32
      %cond3A_186 = arith.cmpi ne, %convert_element_type3A_184, %cond3A_185 : i32
      scf.if %cond3A_186 {
        %ge3A = arith.constant 1 : i32
        %ge3A_213 = arith.cmpi sge, %add3A_165, %ge3A : i32
        %convert_element_type3A_214 = arith.extui %ge3A_213 : i1 to i32
        %cond3A_215 = arith.constant 0 : i32
        %cond3A_216 = arith.cmpi ne, %convert_element_type3A_214, %cond3A_215 : i32
        scf.if %cond3A_216 {
          %sub3A_227 = arith.constant 1 : i32
          %sub3A_228 = arith.subi %add3A_165, %sub3A_227 : i32
          %dma_wait3A_229 = arith.constant 0 : i32
          %dma_wait3A_230 = tpu.memref_slice %arg8[%sub3A_228, %dma_wait3A_229] : memref<80x125xi32, #tpu.memory_space<vmem>> -> memref<1x125xi32, #tpu.memory_space<vmem>>
          %dma_wait3A_231 = tpu.memref_squeeze %dma_wait3A_230 : memref<1x125xi32, #tpu.memory_space<vmem>> -> memref<125xi32, #tpu.memory_space<vmem>>
          %dma_wait3A_232 = arith.constant 0 : i32
          %dma_wait3A_233 = arith.constant 0 : i32
          %dma_wait3A_234 = tpu.memref_slice %arg13[%dma_wait3A_232, %dma_wait3A_233] : memref<5248x128xf32, #tpu.memory_space<vmem_shared>> -> memref<5248x128xf32, #tpu.memory_space<vmem_shared>>
          tpu.wait_indirect_dma semaphore(%arg19 : memref<!tpu.dma_semaphore, #tpu.memory_space<semaphore_mem>>) src(%arg10 : memref<125x128xf32, #tpu.memory_space<vmem>>) dst(%dma_wait3A_234 : memref<5248x128xf32, #tpu.memory_space<vmem_shared>>)
        } else {
        }
        %add3A_217 = arith.constant 4 : i32
        %add3A_218 = arith.addi %add3A_165, %add3A_217 : i32
        %sub3A_219 = arith.constant 1 : i32
        %sub3A_220 = arith.subi %add3A_218, %sub3A_219 : i32
        %dma_start3A_221 = arith.constant 0 : i32
        %dma_start3A_222 = tpu.memref_slice %arg7[%sub3A_220, %dma_start3A_221] : memref<80x125xi32, #tpu.memory_space<vmem>> -> memref<1x125xi32, #tpu.memory_space<vmem>>
        %dma_start3A_223 = tpu.memref_squeeze %dma_start3A_222 : memref<1x125xi32, #tpu.memory_space<vmem>> -> memref<125xi32, #tpu.memory_space<vmem>>
        %dma_start3A_224 = arith.constant 0 : i32
        %dma_start3A_225 = arith.constant 0 : i32
        %dma_start3A_226 = tpu.memref_slice %arg2[%dma_start3A_224, %dma_start3A_225] : memref<30720x128xf32, #tpu.memory_space<hbm>> -> memref<30720x128xf32, #tpu.memory_space<hbm>>
        tpu.enqueue_indirect_dma source(%dma_start3A_226 : memref<30720x128xf32, #tpu.memory_space<hbm>>) target(%arg10 : memref<125x128xf32, #tpu.memory_space<vmem>>) offsets(%dma_start3A_223 : memref<125xi32, #tpu.memory_space<vmem>>) semaphore(%arg15 : memref<!tpu.dma_semaphore, #tpu.memory_space<semaphore_mem>>)
      } else {
      }
      %mul3A_187 = arith.constant 4 : i32
      %mul3A_188 = arith.muli %mul3A_187, %scan3A_115 : i32
      %add3A_189 = arith.constant 3 : i32
      %add3A_190 = arith.addi %mul3A_188, %add3A_189 : i32
      %dma_wait3A_191 = arith.constant 0 : i32
      %dma_wait3A_192 = tpu.memref_slice %arg7[%add3A_190, %dma_wait3A_191] : memref<80x125xi32, #tpu.memory_space<vmem>> -> memref<1x125xi32, #tpu.memory_space<vmem>>
      %dma_wait3A_193 = tpu.memref_squeeze %dma_wait3A_192 : memref<1x125xi32, #tpu.memory_space<vmem>> -> memref<125xi32, #tpu.memory_space<vmem>>
      %dma_wait3A_194 = arith.constant 0 : i32
      %dma_wait3A_195 = arith.constant 0 : i32
      %dma_wait3A_196 = tpu.memref_slice %arg2[%dma_wait3A_194, %dma_wait3A_195] : memref<30720x128xf32, #tpu.memory_space<hbm>> -> memref<30720x128xf32, #tpu.memory_space<hbm>>
      tpu.wait_indirect_dma semaphore(%arg17 : memref<!tpu.dma_semaphore, #tpu.memory_space<semaphore_mem>>) src(%dma_wait3A_196 : memref<30720x128xf32, #tpu.memory_space<hbm>>) dst(%arg12 : memref<125x128xf32, #tpu.memory_space<vmem>>)
      %dma_start3A_197 = arith.constant 0 : i32
      %dma_start3A_198 = tpu.memref_slice %arg8[%add3A_190, %dma_start3A_197] : memref<80x125xi32, #tpu.memory_space<vmem>> -> memref<1x125xi32, #tpu.memory_space<vmem>>
      %dma_start3A_199 = tpu.memref_squeeze %dma_start3A_198 : memref<1x125xi32, #tpu.memory_space<vmem>> -> memref<125xi32, #tpu.memory_space<vmem>>
      %dma_start3A_200 = arith.constant 0 : i32
      %dma_start3A_201 = arith.constant 0 : i32
      %dma_start3A_202 = tpu.memref_slice %arg13[%dma_start3A_200, %dma_start3A_201] : memref<5248x128xf32, #tpu.memory_space<vmem_shared>> -> memref<5248x128xf32, #tpu.memory_space<vmem_shared>>
      tpu.enqueue_indirect_dma source(%arg12 : memref<125x128xf32, #tpu.memory_space<vmem>>) target(%dma_start3A_202 : memref<5248x128xf32, #tpu.memory_space<vmem_shared>>) offsets(%dma_start3A_199 : memref<125xi32, #tpu.memory_space<vmem>>) semaphore(%arg21 : memref<!tpu.dma_semaphore, #tpu.memory_space<semaphore_mem>>) {add = true}
      %add3A_203 = arith.constant 4 : i32
      %add3A_204 = arith.addi %add3A_190, %add3A_203 : i32
      %sub3A_205 = arith.constant 1 : i32
      %sub3A_206 = arith.subi %add3A_204, %sub3A_205 : i32
      %lt3A_207 = arith.constant 80 : i32
      %lt3A_208 = arith.cmpi slt, %sub3A_206, %lt3A_207 : i32
      %convert_element_type3A_209 = arith.extui %lt3A_208 : i1 to i32
      %cond3A_210 = arith.constant 0 : i32
      %cond3A_211 = arith.cmpi ne, %convert_element_type3A_209, %cond3A_210 : i32
      scf.if %cond3A_211 {
        %ge3A = arith.constant 1 : i32
        %ge3A_213 = arith.cmpi sge, %add3A_190, %ge3A : i32
        %convert_element_type3A_214 = arith.extui %ge3A_213 : i1 to i32
        %cond3A_215 = arith.constant 0 : i32
        %cond3A_216 = arith.cmpi ne, %convert_element_type3A_214, %cond3A_215 : i32
        scf.if %cond3A_216 {
          %sub3A_227 = arith.constant 1 : i32
          %sub3A_228 = arith.subi %add3A_190, %sub3A_227 : i32
          %dma_wait3A_229 = arith.constant 0 : i32
          %dma_wait3A_230 = tpu.memref_slice %arg8[%sub3A_228, %dma_wait3A_229] : memref<80x125xi32, #tpu.memory_space<vmem>> -> memref<1x125xi32, #tpu.memory_space<vmem>>
          %dma_wait3A_231 = tpu.memref_squeeze %dma_wait3A_230 : memref<1x125xi32, #tpu.memory_space<vmem>> -> memref<125xi32, #tpu.memory_space<vmem>>
          %dma_wait3A_232 = arith.constant 0 : i32
          %dma_wait3A_233 = arith.constant 0 : i32
          %dma_wait3A_234 = tpu.memref_slice %arg13[%dma_wait3A_232, %dma_wait3A_233] : memref<5248x128xf32, #tpu.memory_space<vmem_shared>> -> memref<5248x128xf32, #tpu.memory_space<vmem_shared>>
          tpu.wait_indirect_dma semaphore(%arg20 : memref<!tpu.dma_semaphore, #tpu.memory_space<semaphore_mem>>) src(%arg11 : memref<125x128xf32, #tpu.memory_space<vmem>>) dst(%dma_wait3A_234 : memref<5248x128xf32, #tpu.memory_space<vmem_shared>>)
        } else {
        }
        %add3A_217 = arith.constant 4 : i32
        %add3A_218 = arith.addi %add3A_190, %add3A_217 : i32
        %sub3A_219 = arith.constant 1 : i32
        %sub3A_220 = arith.subi %add3A_218, %sub3A_219 : i32
        %dma_start3A_221 = arith.constant 0 : i32
        %dma_start3A_222 = tpu.memref_slice %arg7[%sub3A_220, %dma_start3A_221] : memref<80x125xi32, #tpu.memory_space<vmem>> -> memref<1x125xi32, #tpu.memory_space<vmem>>
        %dma_start3A_223 = tpu.memref_squeeze %dma_start3A_222 : memref<1x125xi32, #tpu.memory_space<vmem>> -> memref<125xi32, #tpu.memory_space<vmem>>
        %dma_start3A_224 = arith.constant 0 : i32
        %dma_start3A_225 = arith.constant 0 : i32
        %dma_start3A_226 = tpu.memref_slice %arg2[%dma_start3A_224, %dma_start3A_225] : memref<30720x128xf32, #tpu.memory_space<hbm>> -> memref<30720x128xf32, #tpu.memory_space<hbm>>
        tpu.enqueue_indirect_dma source(%dma_start3A_226 : memref<30720x128xf32, #tpu.memory_space<hbm>>) target(%arg11 : memref<125x128xf32, #tpu.memory_space<vmem>>) offsets(%dma_start3A_223 : memref<125xi32, #tpu.memory_space<vmem>>) semaphore(%arg16 : memref<!tpu.dma_semaphore, #tpu.memory_space<semaphore_mem>>)
      } else {
      }
      %scan3A_212 = arith.constant 0 : i32
      scf.yield %scan3A_212 : i32
    }
    %scan3A_26 = arith.constant 20 : i32
    %dma_wait3A = arith.constant 76 : i32
    %dma_wait3A_27 = arith.constant 0 : i32
    %dma_wait3A_28 = tpu.memref_slice %arg8[%dma_wait3A, %dma_wait3A_27] : memref<80x125xi32, #tpu.memory_space<vmem>> -> memref<1x125xi32, #tpu.memory_space<vmem>>
    %dma_wait3A_29 = tpu.memref_squeeze %dma_wait3A_28 : memref<1x125xi32, #tpu.memory_space<vmem>> -> memref<125xi32, #tpu.memory_space<vmem>>
    %dma_wait3A_30 = arith.constant 0 : i32
    %dma_wait3A_31 = arith.constant 0 : i32
    %dma_wait3A_32 = tpu.memref_slice %arg13[%dma_wait3A_30, %dma_wait3A_31] : memref<5248x128xf32, #tpu.memory_space<vmem_shared>> -> memref<5248x128xf32, #tpu.memory_space<vmem_shared>>
    tpu.wait_indirect_dma semaphore(%arg18 : memref<!tpu.dma_semaphore, #tpu.memory_space<semaphore_mem>>) src(%arg9 : memref<125x128xf32, #tpu.memory_space<vmem>>) dst(%dma_wait3A_32 : memref<5248x128xf32, #tpu.memory_space<vmem_shared>>)
    %dma_wait3A_33 = arith.constant 77 : i32
    %dma_wait3A_34 = arith.constant 0 : i32
    %dma_wait3A_35 = tpu.memref_slice %arg8[%dma_wait3A_33, %dma_wait3A_34] : memref<80x125xi32, #tpu.memory_space<vmem>> -> memref<1x125xi32, #tpu.memory_space<vmem>>
    %dma_wait3A_36 = tpu.memref_squeeze %dma_wait3A_35 : memref<1x125xi32, #tpu.memory_space<vmem>> -> memref<125xi32, #tpu.memory_space<vmem>>
    %dma_wait3A_37 = arith.constant 0 : i32
    %dma_wait3A_38 = arith.constant 0 : i32
    %dma_wait3A_39 = tpu.memref_slice %arg13[%dma_wait3A_37, %dma_wait3A_38] : memref<5248x128xf32, #tpu.memory_space<vmem_shared>> -> memref<5248x128xf32, #tpu.memory_space<vmem_shared>>
    tpu.wait_indirect_dma semaphore(%arg19 : memref<!tpu.dma_semaphore, #tpu.memory_space<semaphore_mem>>) src(%arg10 : memref<125x128xf32, #tpu.memory_space<vmem>>) dst(%dma_wait3A_39 : memref<5248x128xf32, #tpu.memory_space<vmem_shared>>)
    %dma_wait3A_40 = arith.constant 78 : i32
    %dma_wait3A_41 = arith.constant 0 : i32
    %dma_wait3A_42 = tpu.memref_slice %arg8[%dma_wait3A_40, %dma_wait3A_41] : memref<80x125xi32, #tpu.memory_space<vmem>> -> memref<1x125xi32, #tpu.memory_space<vmem>>
    %dma_wait3A_43 = tpu.memref_squeeze %dma_wait3A_42 : memref<1x125xi32, #tpu.memory_space<vmem>> -> memref<125xi32, #tpu.memory_space<vmem>>
    %dma_wait3A_44 = arith.constant 0 : i32
    %dma_wait3A_45 = arith.constant 0 : i32
    %dma_wait3A_46 = tpu.memref_slice %arg13[%dma_wait3A_44, %dma_wait3A_45] : memref<5248x128xf32, #tpu.memory_space<vmem_shared>> -> memref<5248x128xf32, #tpu.memory_space<vmem_shared>>
    tpu.wait_indirect_dma semaphore(%arg20 : memref<!tpu.dma_semaphore, #tpu.memory_space<semaphore_mem>>) src(%arg11 : memref<125x128xf32, #tpu.memory_space<vmem>>) dst(%dma_wait3A_46 : memref<5248x128xf32, #tpu.memory_space<vmem_shared>>)
    %dma_wait3A_47 = arith.constant 79 : i32
    %dma_wait3A_48 = arith.constant 0 : i32
    %dma_wait3A_49 = tpu.memref_slice %arg8[%dma_wait3A_47, %dma_wait3A_48] : memref<80x125xi32, #tpu.memory_space<vmem>> -> memref<1x125xi32, #tpu.memory_space<vmem>>
    %dma_wait3A_50 = tpu.memref_squeeze %dma_wait3A_49 : memref<1x125xi32, #tpu.memory_space<vmem>> -> memref<125xi32, #tpu.memory_space<vmem>>
    %dma_wait3A_51 = arith.constant 0 : i32
    %dma_wait3A_52 = arith.constant 0 : i32
    %dma_wait3A_53 = tpu.memref_slice %arg13[%dma_wait3A_51, %dma_wait3A_52] : memref<5248x128xf32, #tpu.memory_space<vmem_shared>> -> memref<5248x128xf32, #tpu.memory_space<vmem_shared>>
    tpu.wait_indirect_dma semaphore(%arg21 : memref<!tpu.dma_semaphore, #tpu.memory_space<semaphore_mem>>) src(%arg12 : memref<125x128xf32, #tpu.memory_space<vmem>>) dst(%dma_wait3A_53 : memref<5248x128xf32, #tpu.memory_space<vmem_shared>>)
    "tpu.region"() ({
      %run_scoped3A = tpu.sem_alloc : memref<!tpu.dma_semaphore, #tpu.memory_space<semaphore_mem>>
      %dma_start3A_115 = arith.constant 80 : i32
      %dma_start3A_116 = arith.constant 0 : i32
      %dma_start3A_117 = tpu.memref_slice %arg3[%arg1, %dma_start3A_115, %dma_start3A_116] : memref<16x160x125xi32, #tpu.memory_space<hbm>> -> memref<1x80x125xi32, #tpu.memory_space<hbm>>
      %dma_start3A_118 = tpu.memref_squeeze %dma_start3A_117 : memref<1x80x125xi32, #tpu.memory_space<hbm>> -> memref<80x125xi32, #tpu.memory_space<hbm>>
      %dma_start3A_119 = arith.constant 80 : i32
      %dma_start3A_120 = arith.constant 0 : i32
      %dma_start3A_121 = tpu.memref_slice %arg3[%arg1, %dma_start3A_119, %dma_start3A_120] : memref<16x160x125xi32, #tpu.memory_space<hbm>> -> memref<1x80x125xi32, #tpu.memory_space<hbm>>
      %dma_start3A_122 = tpu.memref_squeeze %dma_start3A_121 : memref<1x80x125xi32, #tpu.memory_space<hbm>> -> memref<80x125xi32, #tpu.memory_space<hbm>>
      tpu.enqueue_dma source(%dma_start3A_122 : memref<80x125xi32, #tpu.memory_space<hbm>>) target(%arg7 : memref<80x125xi32, #tpu.memory_space<vmem>>) target_semaphore(%run_scoped3A : memref<!tpu.dma_semaphore, #tpu.memory_space<semaphore_mem>>)
      %dma_wait3A_123 = arith.constant 80 : i32
      %dma_wait3A_124 = arith.constant 0 : i32
      %dma_wait3A_125 = tpu.memref_slice %arg3[%arg1, %dma_wait3A_123, %dma_wait3A_124] : memref<16x160x125xi32, #tpu.memory_space<hbm>> -> memref<1x80x125xi32, #tpu.memory_space<hbm>>
      %dma_wait3A_126 = tpu.memref_squeeze %dma_wait3A_125 : memref<1x80x125xi32, #tpu.memory_space<hbm>> -> memref<80x125xi32, #tpu.memory_space<hbm>>
      %dma_wait3A_127 = arith.constant 80 : i32
      %dma_wait3A_128 = arith.constant 0 : i32
      %dma_wait3A_129 = tpu.memref_slice %arg3[%arg1, %dma_wait3A_127, %dma_wait3A_128] : memref<16x160x125xi32, #tpu.memory_space<hbm>> -> memref<1x80x125xi32, #tpu.memory_space<hbm>>
      %dma_wait3A_130 = tpu.memref_squeeze %dma_wait3A_129 : memref<1x80x125xi32, #tpu.memory_space<hbm>> -> memref<80x125xi32, #tpu.memory_space<hbm>>
      tpu.wait_dma2 semaphore(%run_scoped3A : memref<!tpu.dma_semaphore, #tpu.memory_space<semaphore_mem>>) src(%dma_wait3A_130 : memref<80x125xi32, #tpu.memory_space<hbm>>) dst(%arg7 : memref<80x125xi32, #tpu.memory_space<vmem>>)
      tpu.yield
    }) : () -> ()
    "tpu.region"() ({
      %run_scoped3A = tpu.sem_alloc : memref<!tpu.dma_semaphore, #tpu.memory_space<semaphore_mem>>
      %dma_start3A_115 = arith.constant 80 : i32
      %dma_start3A_116 = arith.constant 0 : i32
      %dma_start3A_117 = tpu.memref_slice %arg4[%arg0, %arg1, %dma_start3A_115, %dma_start3A_116] : memref<2x16x160x125xi32, #tpu.memory_space<hbm>> -> memref<1x1x80x125xi32, #tpu.memory_space<hbm>>
      %dma_start3A_118 = tpu.memref_squeeze %dma_start3A_117 : memref<1x1x80x125xi32, #tpu.memory_space<hbm>> -> memref<80x125xi32, #tpu.memory_space<hbm>>
      %dma_start3A_119 = arith.constant 80 : i32
      %dma_start3A_120 = arith.constant 0 : i32
      %dma_start3A_121 = tpu.memref_slice %arg4[%arg0, %arg1, %dma_start3A_119, %dma_start3A_120] : memref<2x16x160x125xi32, #tpu.memory_space<hbm>> -> memref<1x1x80x125xi32, #tpu.memory_space<hbm>>
      %dma_start3A_122 = tpu.memref_squeeze %dma_start3A_121 : memref<1x1x80x125xi32, #tpu.memory_space<hbm>> -> memref<80x125xi32, #tpu.memory_space<hbm>>
      tpu.enqueue_dma source(%dma_start3A_122 : memref<80x125xi32, #tpu.memory_space<hbm>>) target(%arg8 : memref<80x125xi32, #tpu.memory_space<vmem>>) target_semaphore(%run_scoped3A : memref<!tpu.dma_semaphore, #tpu.memory_space<semaphore_mem>>)
      %dma_wait3A_123 = arith.constant 80 : i32
      %dma_wait3A_124 = arith.constant 0 : i32
      %dma_wait3A_125 = tpu.memref_slice %arg4[%arg0, %arg1, %dma_wait3A_123, %dma_wait3A_124] : memref<2x16x160x125xi32, #tpu.memory_space<hbm>> -> memref<1x1x80x125xi32, #tpu.memory_space<hbm>>
      %dma_wait3A_126 = tpu.memref_squeeze %dma_wait3A_125 : memref<1x1x80x125xi32, #tpu.memory_space<hbm>> -> memref<80x125xi32, #tpu.memory_space<hbm>>
      %dma_wait3A_127 = arith.constant 80 : i32
      %dma_wait3A_128 = arith.constant 0 : i32
      %dma_wait3A_129 = tpu.memref_slice %arg4[%arg0, %arg1, %dma_wait3A_127, %dma_wait3A_128] : memref<2x16x160x125xi32, #tpu.memory_space<hbm>> -> memref<1x1x80x125xi32, #tpu.memory_space<hbm>>
      %dma_wait3A_130 = tpu.memref_squeeze %dma_wait3A_129 : memref<1x1x80x125xi32, #tpu.memory_space<hbm>> -> memref<80x125xi32, #tpu.memory_space<hbm>>
      tpu.wait_dma2 semaphore(%run_scoped3A : memref<!tpu.dma_semaphore, #tpu.memory_space<semaphore_mem>>) src(%dma_wait3A_130 : memref<80x125xi32, #tpu.memory_space<hbm>>) dst(%arg8 : memref<80x125xi32, #tpu.memory_space<vmem>>)
      tpu.yield
    }) : () -> ()
    %dma_start3A_54 = arith.constant 0 : i32
    %dma_start3A_55 = arith.constant 0 : i32
    %dma_start3A_56 = tpu.memref_slice %arg7[%dma_start3A_54, %dma_start3A_55] : memref<80x125xi32, #tpu.memory_space<vmem>> -> memref<1x125xi32, #tpu.memory_space<vmem>>
    %dma_start3A_57 = tpu.memref_squeeze %dma_start3A_56 : memref<1x125xi32, #tpu.memory_space<vmem>> -> memref<125xi32, #tpu.memory_space<vmem>>
    %dma_start3A_58 = arith.constant 0 : i32
    %dma_start3A_59 = arith.constant 0 : i32
    %dma_start3A_60 = tpu.memref_slice %arg2[%dma_start3A_58, %dma_start3A_59] : memref<30720x128xf32, #tpu.memory_space<hbm>> -> memref<30720x128xf32, #tpu.memory_space<hbm>>
    tpu.enqueue_indirect_dma source(%dma_start3A_60 : memref<30720x128xf32, #tpu.memory_space<hbm>>) target(%arg9 : memref<125x128xf32, #tpu.memory_space<vmem>>) offsets(%dma_start3A_57 : memref<125xi32, #tpu.memory_space<vmem>>) semaphore(%arg14 : memref<!tpu.dma_semaphore, #tpu.memory_space<semaphore_mem>>)
    %dma_start3A_61 = arith.constant 1 : i32
    %dma_start3A_62 = arith.constant 0 : i32
    %dma_start3A_63 = tpu.memref_slice %arg7[%dma_start3A_61, %dma_start3A_62] : memref<80x125xi32, #tpu.memory_space<vmem>> -> memref<1x125xi32, #tpu.memory_space<vmem>>
    %dma_start3A_64 = tpu.memref_squeeze %dma_start3A_63 : memref<1x125xi32, #tpu.memory_space<vmem>> -> memref<125xi32, #tpu.memory_space<vmem>>
    %dma_start3A_65 = arith.constant 0 : i32
    %dma_start3A_66 = arith.constant 0 : i32
    %dma_start3A_67 = tpu.memref_slice %arg2[%dma_start3A_65, %dma_start3A_66] : memref<30720x128xf32, #tpu.memory_space<hbm>> -> memref<30720x128xf32, #tpu.memory_space<hbm>>
    tpu.enqueue_indirect_dma source(%dma_start3A_67 : memref<30720x128xf32, #tpu.memory_space<hbm>>) target(%arg10 : memref<125x128xf32, #tpu.memory_space<vmem>>) offsets(%dma_start3A_64 : memref<125xi32, #tpu.memory_space<vmem>>) semaphore(%arg15 : memref<!tpu.dma_semaphore, #tpu.memory_space<semaphore_mem>>)
    %dma_start3A_68 = arith.constant 2 : i32
    %dma_start3A_69 = arith.constant 0 : i32
    %dma_start3A_70 = tpu.memref_slice %arg7[%dma_start3A_68, %dma_start3A_69] : memref<80x125xi32, #tpu.memory_space<vmem>> -> memref<1x125xi32, #tpu.memory_space<vmem>>
    %dma_start3A_71 = tpu.memref_squeeze %dma_start3A_70 : memref<1x125xi32, #tpu.memory_space<vmem>> -> memref<125xi32, #tpu.memory_space<vmem>>
    %dma_start3A_72 = arith.constant 0 : i32
    %dma_start3A_73 = arith.constant 0 : i32
    %dma_start3A_74 = tpu.memref_slice %arg2[%dma_start3A_72, %dma_start3A_73] : memref<30720x128xf32, #tpu.memory_space<hbm>> -> memref<30720x128xf32, #tpu.memory_space<hbm>>
    tpu.enqueue_indirect_dma source(%dma_start3A_74 : memref<30720x128xf32, #tpu.memory_space<hbm>>) target(%arg11 : memref<125x128xf32, #tpu.memory_space<vmem>>) offsets(%dma_start3A_71 : memref<125xi32, #tpu.memory_space<vmem>>) semaphore(%arg16 : memref<!tpu.dma_semaphore, #tpu.memory_space<semaphore_mem>>)
    %scan3A_75 = arith.constant 0 : i32
    %scan3A_76 = arith.constant 0 : i32
    %scan3A_77 = arith.constant 20 : i32
    %scan3A_78 = arith.addi %scan3A_76, %scan3A_77 : i32
    %scan3A_79 = arith.constant 1 : i32
    %scan3A_80 = scf.for %scan3A_115 = %scan3A_76 to %scan3A_78 step %scan3A_79 iter_args(%scan3A_116 = %scan3A_75) -> (i32)  : i32 {
      %mul3A_117 = arith.constant 4 : i32
      %mul3A_118 = arith.muli %mul3A_117, %scan3A_115 : i32
      %add3A = arith.constant 0 : i32
      %add3A_119 = arith.addi %mul3A_118, %add3A : i32
      %dma_wait3A_120 = arith.constant 0 : i32
      %dma_wait3A_121 = tpu.memref_slice %arg7[%add3A_119, %dma_wait3A_120] : memref<80x125xi32, #tpu.memory_space<vmem>> -> memref<1x125xi32, #tpu.memory_space<vmem>>
      %dma_wait3A_122 = tpu.memref_squeeze %dma_wait3A_121 : memref<1x125xi32, #tpu.memory_space<vmem>> -> memref<125xi32, #tpu.memory_space<vmem>>
      %dma_wait3A_123 = arith.constant 0 : i32
      %dma_wait3A_124 = arith.constant 0 : i32
      %dma_wait3A_125 = tpu.memref_slice %arg2[%dma_wait3A_123, %dma_wait3A_124] : memref<30720x128xf32, #tpu.memory_space<hbm>> -> memref<30720x128xf32, #tpu.memory_space<hbm>>
      tpu.wait_indirect_dma semaphore(%arg14 : memref<!tpu.dma_semaphore, #tpu.memory_space<semaphore_mem>>) src(%dma_wait3A_125 : memref<30720x128xf32, #tpu.memory_space<hbm>>) dst(%arg9 : memref<125x128xf32, #tpu.memory_space<vmem>>)
      %dma_start3A_126 = arith.constant 0 : i32
      %dma_start3A_127 = tpu.memref_slice %arg8[%add3A_119, %dma_start3A_126] : memref<80x125xi32, #tpu.memory_space<vmem>> -> memref<1x125xi32, #tpu.memory_space<vmem>>
      %dma_start3A_128 = tpu.memref_squeeze %dma_start3A_127 : memref<1x125xi32, #tpu.memory_space<vmem>> -> memref<125xi32, #tpu.memory_space<vmem>>
      %dma_start3A_129 = arith.constant 0 : i32
      %dma_start3A_130 = arith.constant 0 : i32
      %dma_start3A_131 = tpu.memref_slice %arg13[%dma_start3A_129, %dma_start3A_130] : memref<5248x128xf32, #tpu.memory_space<vmem_shared>> -> memref<5248x128xf32, #tpu.memory_space<vmem_shared>>
      tpu.enqueue_indirect_dma source(%arg9 : memref<125x128xf32, #tpu.memory_space<vmem>>) target(%dma_start3A_131 : memref<5248x128xf32, #tpu.memory_space<vmem_shared>>) offsets(%dma_start3A_128 : memref<125xi32, #tpu.memory_space<vmem>>) semaphore(%arg18 : memref<!tpu.dma_semaphore, #tpu.memory_space<semaphore_mem>>) {add = true}
      %add3A_132 = arith.constant 4 : i32
      %add3A_133 = arith.addi %add3A_119, %add3A_132 : i32
      %sub3A = arith.constant 1 : i32
      %sub3A_134 = arith.subi %add3A_133, %sub3A : i32
      %lt3A = arith.constant 80 : i32
      %lt3A_135 = arith.cmpi slt, %sub3A_134, %lt3A : i32
      %convert_element_type3A = arith.extui %lt3A_135 : i1 to i32
      %cond3A = arith.constant 0 : i32
      %cond3A_136 = arith.cmpi ne, %convert_element_type3A, %cond3A : i32
      scf.if %cond3A_136 {
        %ge3A = arith.constant 1 : i32
        %ge3A_213 = arith.cmpi sge, %add3A_119, %ge3A : i32
        %convert_element_type3A_214 = arith.extui %ge3A_213 : i1 to i32
        %cond3A_215 = arith.constant 0 : i32
        %cond3A_216 = arith.cmpi ne, %convert_element_type3A_214, %cond3A_215 : i32
        scf.if %cond3A_216 {
          %sub3A_227 = arith.constant 1 : i32
          %sub3A_228 = arith.subi %add3A_119, %sub3A_227 : i32
          %dma_wait3A_229 = arith.constant 0 : i32
          %dma_wait3A_230 = tpu.memref_slice %arg8[%sub3A_228, %dma_wait3A_229] : memref<80x125xi32, #tpu.memory_space<vmem>> -> memref<1x125xi32, #tpu.memory_space<vmem>>
          %dma_wait3A_231 = tpu.memref_squeeze %dma_wait3A_230 : memref<1x125xi32, #tpu.memory_space<vmem>> -> memref<125xi32, #tpu.memory_space<vmem>>
          %dma_wait3A_232 = arith.constant 0 : i32
          %dma_wait3A_233 = arith.constant 0 : i32
          %dma_wait3A_234 = tpu.memref_slice %arg13[%dma_wait3A_232, %dma_wait3A_233] : memref<5248x128xf32, #tpu.memory_space<vmem_shared>> -> memref<5248x128xf32, #tpu.memory_space<vmem_shared>>
          tpu.wait_indirect_dma semaphore(%arg21 : memref<!tpu.dma_semaphore, #tpu.memory_space<semaphore_mem>>) src(%arg12 : memref<125x128xf32, #tpu.memory_space<vmem>>) dst(%dma_wait3A_234 : memref<5248x128xf32, #tpu.memory_space<vmem_shared>>)
        } else {
        }
        %add3A_217 = arith.constant 4 : i32
        %add3A_218 = arith.addi %add3A_119, %add3A_217 : i32
        %sub3A_219 = arith.constant 1 : i32
        %sub3A_220 = arith.subi %add3A_218, %sub3A_219 : i32
        %dma_start3A_221 = arith.constant 0 : i32
        %dma_start3A_222 = tpu.memref_slice %arg7[%sub3A_220, %dma_start3A_221] : memref<80x125xi32, #tpu.memory_space<vmem>> -> memref<1x125xi32, #tpu.memory_space<vmem>>
        %dma_start3A_223 = tpu.memref_squeeze %dma_start3A_222 : memref<1x125xi32, #tpu.memory_space<vmem>> -> memref<125xi32, #tpu.memory_space<vmem>>
        %dma_start3A_224 = arith.constant 0 : i32
        %dma_start3A_225 = arith.constant 0 : i32
        %dma_start3A_226 = tpu.memref_slice %arg2[%dma_start3A_224, %dma_start3A_225] : memref<30720x128xf32, #tpu.memory_space<hbm>> -> memref<30720x128xf32, #tpu.memory_space<hbm>>
        tpu.enqueue_indirect_dma source(%dma_start3A_226 : memref<30720x128xf32, #tpu.memory_space<hbm>>) target(%arg12 : memref<125x128xf32, #tpu.memory_space<vmem>>) offsets(%dma_start3A_223 : memref<125xi32, #tpu.memory_space<vmem>>) semaphore(%arg17 : memref<!tpu.dma_semaphore, #tpu.memory_space<semaphore_mem>>)
      } else {
      }
      %mul3A_137 = arith.constant 4 : i32
      %mul3A_138 = arith.muli %mul3A_137, %scan3A_115 : i32
      %add3A_139 = arith.constant 1 : i32
      %add3A_140 = arith.addi %mul3A_138, %add3A_139 : i32
      %dma_wait3A_141 = arith.constant 0 : i32
      %dma_wait3A_142 = tpu.memref_slice %arg7[%add3A_140, %dma_wait3A_141] : memref<80x125xi32, #tpu.memory_space<vmem>> -> memref<1x125xi32, #tpu.memory_space<vmem>>
      %dma_wait3A_143 = tpu.memref_squeeze %dma_wait3A_142 : memref<1x125xi32, #tpu.memory_space<vmem>> -> memref<125xi32, #tpu.memory_space<vmem>>
      %dma_wait3A_144 = arith.constant 0 : i32
      %dma_wait3A_145 = arith.constant 0 : i32
      %dma_wait3A_146 = tpu.memref_slice %arg2[%dma_wait3A_144, %dma_wait3A_145] : memref<30720x128xf32, #tpu.memory_space<hbm>> -> memref<30720x128xf32, #tpu.memory_space<hbm>>
      tpu.wait_indirect_dma semaphore(%arg15 : memref<!tpu.dma_semaphore, #tpu.memory_space<semaphore_mem>>) src(%dma_wait3A_146 : memref<30720x128xf32, #tpu.memory_space<hbm>>) dst(%arg10 : memref<125x128xf32, #tpu.memory_space<vmem>>)
      %dma_start3A_147 = arith.constant 0 : i32
      %dma_start3A_148 = tpu.memref_slice %arg8[%add3A_140, %dma_start3A_147] : memref<80x125xi32, #tpu.memory_space<vmem>> -> memref<1x125xi32, #tpu.memory_space<vmem>>
      %dma_start3A_149 = tpu.memref_squeeze %dma_start3A_148 : memref<1x125xi32, #tpu.memory_space<vmem>> -> memref<125xi32, #tpu.memory_space<vmem>>
      %dma_start3A_150 = arith.constant 0 : i32
      %dma_start3A_151 = arith.constant 0 : i32
      %dma_start3A_152 = tpu.memref_slice %arg13[%dma_start3A_150, %dma_start3A_151] : memref<5248x128xf32, #tpu.memory_space<vmem_shared>> -> memref<5248x128xf32, #tpu.memory_space<vmem_shared>>
      tpu.enqueue_indirect_dma source(%arg10 : memref<125x128xf32, #tpu.memory_space<vmem>>) target(%dma_start3A_152 : memref<5248x128xf32, #tpu.memory_space<vmem_shared>>) offsets(%dma_start3A_149 : memref<125xi32, #tpu.memory_space<vmem>>) semaphore(%arg19 : memref<!tpu.dma_semaphore, #tpu.memory_space<semaphore_mem>>) {add = true}
      %add3A_153 = arith.constant 4 : i32
      %add3A_154 = arith.addi %add3A_140, %add3A_153 : i32
      %sub3A_155 = arith.constant 1 : i32
      %sub3A_156 = arith.subi %add3A_154, %sub3A_155 : i32
      %lt3A_157 = arith.constant 80 : i32
      %lt3A_158 = arith.cmpi slt, %sub3A_156, %lt3A_157 : i32
      %convert_element_type3A_159 = arith.extui %lt3A_158 : i1 to i32
      %cond3A_160 = arith.constant 0 : i32
      %cond3A_161 = arith.cmpi ne, %convert_element_type3A_159, %cond3A_160 : i32
      scf.if %cond3A_161 {
        %ge3A = arith.constant 1 : i32
        %ge3A_213 = arith.cmpi sge, %add3A_140, %ge3A : i32
        %convert_element_type3A_214 = arith.extui %ge3A_213 : i1 to i32
        %cond3A_215 = arith.constant 0 : i32
        %cond3A_216 = arith.cmpi ne, %convert_element_type3A_214, %cond3A_215 : i32
        scf.if %cond3A_216 {
          %sub3A_227 = arith.constant 1 : i32
          %sub3A_228 = arith.subi %add3A_140, %sub3A_227 : i32
          %dma_wait3A_229 = arith.constant 0 : i32
          %dma_wait3A_230 = tpu.memref_slice %arg8[%sub3A_228, %dma_wait3A_229] : memref<80x125xi32, #tpu.memory_space<vmem>> -> memref<1x125xi32, #tpu.memory_space<vmem>>
          %dma_wait3A_231 = tpu.memref_squeeze %dma_wait3A_230 : memref<1x125xi32, #tpu.memory_space<vmem>> -> memref<125xi32, #tpu.memory_space<vmem>>
          %dma_wait3A_232 = arith.constant 0 : i32
          %dma_wait3A_233 = arith.constant 0 : i32
          %dma_wait3A_234 = tpu.memref_slice %arg13[%dma_wait3A_232, %dma_wait3A_233] : memref<5248x128xf32, #tpu.memory_space<vmem_shared>> -> memref<5248x128xf32, #tpu.memory_space<vmem_shared>>
          tpu.wait_indirect_dma semaphore(%arg18 : memref<!tpu.dma_semaphore, #tpu.memory_space<semaphore_mem>>) src(%arg9 : memref<125x128xf32, #tpu.memory_space<vmem>>) dst(%dma_wait3A_234 : memref<5248x128xf32, #tpu.memory_space<vmem_shared>>)
        } else {
        }
        %add3A_217 = arith.constant 4 : i32
        %add3A_218 = arith.addi %add3A_140, %add3A_217 : i32
        %sub3A_219 = arith.constant 1 : i32
        %sub3A_220 = arith.subi %add3A_218, %sub3A_219 : i32
        %dma_start3A_221 = arith.constant 0 : i32
        %dma_start3A_222 = tpu.memref_slice %arg7[%sub3A_220, %dma_start3A_221] : memref<80x125xi32, #tpu.memory_space<vmem>> -> memref<1x125xi32, #tpu.memory_space<vmem>>
        %dma_start3A_223 = tpu.memref_squeeze %dma_start3A_222 : memref<1x125xi32, #tpu.memory_space<vmem>> -> memref<125xi32, #tpu.memory_space<vmem>>
        %dma_start3A_224 = arith.constant 0 : i32
        %dma_start3A_225 = arith.constant 0 : i32
        %dma_start3A_226 = tpu.memref_slice %arg2[%dma_start3A_224, %dma_start3A_225] : memref<30720x128xf32, #tpu.memory_space<hbm>> -> memref<30720x128xf32, #tpu.memory_space<hbm>>
        tpu.enqueue_indirect_dma source(%dma_start3A_226 : memref<30720x128xf32, #tpu.memory_space<hbm>>) target(%arg9 : memref<125x128xf32, #tpu.memory_space<vmem>>) offsets(%dma_start3A_223 : memref<125xi32, #tpu.memory_space<vmem>>) semaphore(%arg14 : memref<!tpu.dma_semaphore, #tpu.memory_space<semaphore_mem>>)
      } else {
      }
      %mul3A_162 = arith.constant 4 : i32
      %mul3A_163 = arith.muli %mul3A_162, %scan3A_115 : i32
      %add3A_164 = arith.constant 2 : i32
      %add3A_165 = arith.addi %mul3A_163, %add3A_164 : i32
      %dma_wait3A_166 = arith.constant 0 : i32
      %dma_wait3A_167 = tpu.memref_slice %arg7[%add3A_165, %dma_wait3A_166] : memref<80x125xi32, #tpu.memory_space<vmem>> -> memref<1x125xi32, #tpu.memory_space<vmem>>
      %dma_wait3A_168 = tpu.memref_squeeze %dma_wait3A_167 : memref<1x125xi32, #tpu.memory_space<vmem>> -> memref<125xi32, #tpu.memory_space<vmem>>
      %dma_wait3A_169 = arith.constant 0 : i32
      %dma_wait3A_170 = arith.constant 0 : i32
      %dma_wait3A_171 = tpu.memref_slice %arg2[%dma_wait3A_169, %dma_wait3A_170] : memref<30720x128xf32, #tpu.memory_space<hbm>> -> memref<30720x128xf32, #tpu.memory_space<hbm>>
      tpu.wait_indirect_dma semaphore(%arg16 : memref<!tpu.dma_semaphore, #tpu.memory_space<semaphore_mem>>) src(%dma_wait3A_171 : memref<30720x128xf32, #tpu.memory_space<hbm>>) dst(%arg11 : memref<125x128xf32, #tpu.memory_space<vmem>>)
      %dma_start3A_172 = arith.constant 0 : i32
      %dma_start3A_173 = tpu.memref_slice %arg8[%add3A_165, %dma_start3A_172] : memref<80x125xi32, #tpu.memory_space<vmem>> -> memref<1x125xi32, #tpu.memory_space<vmem>>
      %dma_start3A_174 = tpu.memref_squeeze %dma_start3A_173 : memref<1x125xi32, #tpu.memory_space<vmem>> -> memref<125xi32, #tpu.memory_space<vmem>>
      %dma_start3A_175 = arith.constant 0 : i32
      %dma_start3A_176 = arith.constant 0 : i32
      %dma_start3A_177 = tpu.memref_slice %arg13[%dma_start3A_175, %dma_start3A_176] : memref<5248x128xf32, #tpu.memory_space<vmem_shared>> -> memref<5248x128xf32, #tpu.memory_space<vmem_shared>>
      tpu.enqueue_indirect_dma source(%arg11 : memref<125x128xf32, #tpu.memory_space<vmem>>) target(%dma_start3A_177 : memref<5248x128xf32, #tpu.memory_space<vmem_shared>>) offsets(%dma_start3A_174 : memref<125xi32, #tpu.memory_space<vmem>>) semaphore(%arg20 : memref<!tpu.dma_semaphore, #tpu.memory_space<semaphore_mem>>) {add = true}
      %add3A_178 = arith.constant 4 : i32
      %add3A_179 = arith.addi %add3A_165, %add3A_178 : i32
      %sub3A_180 = arith.constant 1 : i32
      %sub3A_181 = arith.subi %add3A_179, %sub3A_180 : i32
      %lt3A_182 = arith.constant 80 : i32
      %lt3A_183 = arith.cmpi slt, %sub3A_181, %lt3A_182 : i32
      %convert_element_type3A_184 = arith.extui %lt3A_183 : i1 to i32
      %cond3A_185 = arith.constant 0 : i32
      %cond3A_186 = arith.cmpi ne, %convert_element_type3A_184, %cond3A_185 : i32
      scf.if %cond3A_186 {
        %ge3A = arith.constant 1 : i32
        %ge3A_213 = arith.cmpi sge, %add3A_165, %ge3A : i32
        %convert_element_type3A_214 = arith.extui %ge3A_213 : i1 to i32
        %cond3A_215 = arith.constant 0 : i32
        %cond3A_216 = arith.cmpi ne, %convert_element_type3A_214, %cond3A_215 : i32
        scf.if %cond3A_216 {
          %sub3A_227 = arith.constant 1 : i32
          %sub3A_228 = arith.subi %add3A_165, %sub3A_227 : i32
          %dma_wait3A_229 = arith.constant 0 : i32
          %dma_wait3A_230 = tpu.memref_slice %arg8[%sub3A_228, %dma_wait3A_229] : memref<80x125xi32, #tpu.memory_space<vmem>> -> memref<1x125xi32, #tpu.memory_space<vmem>>
          %dma_wait3A_231 = tpu.memref_squeeze %dma_wait3A_230 : memref<1x125xi32, #tpu.memory_space<vmem>> -> memref<125xi32, #tpu.memory_space<vmem>>
          %dma_wait3A_232 = arith.constant 0 : i32
          %dma_wait3A_233 = arith.constant 0 : i32
          %dma_wait3A_234 = tpu.memref_slice %arg13[%dma_wait3A_232, %dma_wait3A_233] : memref<5248x128xf32, #tpu.memory_space<vmem_shared>> -> memref<5248x128xf32, #tpu.memory_space<vmem_shared>>
          tpu.wait_indirect_dma semaphore(%arg19 : memref<!tpu.dma_semaphore, #tpu.memory_space<semaphore_mem>>) src(%arg10 : memref<125x128xf32, #tpu.memory_space<vmem>>) dst(%dma_wait3A_234 : memref<5248x128xf32, #tpu.memory_space<vmem_shared>>)
        } else {
        }
        %add3A_217 = arith.constant 4 : i32
        %add3A_218 = arith.addi %add3A_165, %add3A_217 : i32
        %sub3A_219 = arith.constant 1 : i32
        %sub3A_220 = arith.subi %add3A_218, %sub3A_219 : i32
        %dma_start3A_221 = arith.constant 0 : i32
        %dma_start3A_222 = tpu.memref_slice %arg7[%sub3A_220, %dma_start3A_221] : memref<80x125xi32, #tpu.memory_space<vmem>> -> memref<1x125xi32, #tpu.memory_space<vmem>>
        %dma_start3A_223 = tpu.memref_squeeze %dma_start3A_222 : memref<1x125xi32, #tpu.memory_space<vmem>> -> memref<125xi32, #tpu.memory_space<vmem>>
        %dma_start3A_224 = arith.constant 0 : i32
        %dma_start3A_225 = arith.constant 0 : i32
        %dma_start3A_226 = tpu.memref_slice %arg2[%dma_start3A_224, %dma_start3A_225] : memref<30720x128xf32, #tpu.memory_space<hbm>> -> memref<30720x128xf32, #tpu.memory_space<hbm>>
        tpu.enqueue_indirect_dma source(%dma_start3A_226 : memref<30720x128xf32, #tpu.memory_space<hbm>>) target(%arg10 : memref<125x128xf32, #tpu.memory_space<vmem>>) offsets(%dma_start3A_223 : memref<125xi32, #tpu.memory_space<vmem>>) semaphore(%arg15 : memref<!tpu.dma_semaphore, #tpu.memory_space<semaphore_mem>>)
      } else {
      }
      %mul3A_187 = arith.constant 4 : i32
      %mul3A_188 = arith.muli %mul3A_187, %scan3A_115 : i32
      %add3A_189 = arith.constant 3 : i32
      %add3A_190 = arith.addi %mul3A_188, %add3A_189 : i32
      %dma_wait3A_191 = arith.constant 0 : i32
      %dma_wait3A_192 = tpu.memref_slice %arg7[%add3A_190, %dma_wait3A_191] : memref<80x125xi32, #tpu.memory_space<vmem>> -> memref<1x125xi32, #tpu.memory_space<vmem>>
      %dma_wait3A_193 = tpu.memref_squeeze %dma_wait3A_192 : memref<1x125xi32, #tpu.memory_space<vmem>> -> memref<125xi32, #tpu.memory_space<vmem>>
      %dma_wait3A_194 = arith.constant 0 : i32
      %dma_wait3A_195 = arith.constant 0 : i32
      %dma_wait3A_196 = tpu.memref_slice %arg2[%dma_wait3A_194, %dma_wait3A_195] : memref<30720x128xf32, #tpu.memory_space<hbm>> -> memref<30720x128xf32, #tpu.memory_space<hbm>>
      tpu.wait_indirect_dma semaphore(%arg17 : memref<!tpu.dma_semaphore, #tpu.memory_space<semaphore_mem>>) src(%dma_wait3A_196 : memref<30720x128xf32, #tpu.memory_space<hbm>>) dst(%arg12 : memref<125x128xf32, #tpu.memory_space<vmem>>)
      %dma_start3A_197 = arith.constant 0 : i32
      %dma_start3A_198 = tpu.memref_slice %arg8[%add3A_190, %dma_start3A_197] : memref<80x125xi32, #tpu.memory_space<vmem>> -> memref<1x125xi32, #tpu.memory_space<vmem>>
      %dma_start3A_199 = tpu.memref_squeeze %dma_start3A_198 : memref<1x125xi32, #tpu.memory_space<vmem>> -> memref<125xi32, #tpu.memory_space<vmem>>
      %dma_start3A_200 = arith.constant 0 : i32
      %dma_start3A_201 = arith.constant 0 : i32
      %dma_start3A_202 = tpu.memref_slice %arg13[%dma_start3A_200, %dma_start3A_201] : memref<5248x128xf32, #tpu.memory_space<vmem_shared>> -> memref<5248x128xf32, #tpu.memory_space<vmem_shared>>
      tpu.enqueue_indirect_dma source(%arg12 : memref<125x128xf32, #tpu.memory_space<vmem>>) target(%dma_start3A_202 : memref<5248x128xf32, #tpu.memory_space<vmem_shared>>) offsets(%dma_start3A_199 : memref<125xi32, #tpu.memory_space<vmem>>) semaphore(%arg21 : memref<!tpu.dma_semaphore, #tpu.memory_space<semaphore_mem>>) {add = true}
      %add3A_203 = arith.constant 4 : i32
      %add3A_204 = arith.addi %add3A_190, %add3A_203 : i32
      %sub3A_205 = arith.constant 1 : i32
      %sub3A_206 = arith.subi %add3A_204, %sub3A_205 : i32
      %lt3A_207 = arith.constant 80 : i32
      %lt3A_208 = arith.cmpi slt, %sub3A_206, %lt3A_207 : i32
      %convert_element_type3A_209 = arith.extui %lt3A_208 : i1 to i32
      %cond3A_210 = arith.constant 0 : i32
      %cond3A_211 = arith.cmpi ne, %convert_element_type3A_209, %cond3A_210 : i32
      scf.if %cond3A_211 {
        %ge3A = arith.constant 1 : i32
        %ge3A_213 = arith.cmpi sge, %add3A_190, %ge3A : i32
        %convert_element_type3A_214 = arith.extui %ge3A_213 : i1 to i32
        %cond3A_215 = arith.constant 0 : i32
        %cond3A_216 = arith.cmpi ne, %convert_element_type3A_214, %cond3A_215 : i32
        scf.if %cond3A_216 {
          %sub3A_227 = arith.constant 1 : i32
          %sub3A_228 = arith.subi %add3A_190, %sub3A_227 : i32
          %dma_wait3A_229 = arith.constant 0 : i32
          %dma_wait3A_230 = tpu.memref_slice %arg8[%sub3A_228, %dma_wait3A_229] : memref<80x125xi32, #tpu.memory_space<vmem>> -> memref<1x125xi32, #tpu.memory_space<vmem>>
          %dma_wait3A_231 = tpu.memref_squeeze %dma_wait3A_230 : memref<1x125xi32, #tpu.memory_space<vmem>> -> memref<125xi32, #tpu.memory_space<vmem>>
          %dma_wait3A_232 = arith.constant 0 : i32
          %dma_wait3A_233 = arith.constant 0 : i32
          %dma_wait3A_234 = tpu.memref_slice %arg13[%dma_wait3A_232, %dma_wait3A_233] : memref<5248x128xf32, #tpu.memory_space<vmem_shared>> -> memref<5248x128xf32, #tpu.memory_space<vmem_shared>>
          tpu.wait_indirect_dma semaphore(%arg20 : memref<!tpu.dma_semaphore, #tpu.memory_space<semaphore_mem>>) src(%arg11 : memref<125x128xf32, #tpu.memory_space<vmem>>) dst(%dma_wait3A_234 : memref<5248x128xf32, #tpu.memory_space<vmem_shared>>)
        } else {
        }
        %add3A_217 = arith.constant 4 : i32
        %add3A_218 = arith.addi %add3A_190, %add3A_217 : i32
        %sub3A_219 = arith.constant 1 : i32
        %sub3A_220 = arith.subi %add3A_218, %sub3A_219 : i32
        %dma_start3A_221 = arith.constant 0 : i32
        %dma_start3A_222 = tpu.memref_slice %arg7[%sub3A_220, %dma_start3A_221] : memref<80x125xi32, #tpu.memory_space<vmem>> -> memref<1x125xi32, #tpu.memory_space<vmem>>
        %dma_start3A_223 = tpu.memref_squeeze %dma_start3A_222 : memref<1x125xi32, #tpu.memory_space<vmem>> -> memref<125xi32, #tpu.memory_space<vmem>>
        %dma_start3A_224 = arith.constant 0 : i32
        %dma_start3A_225 = arith.constant 0 : i32
        %dma_start3A_226 = tpu.memref_slice %arg2[%dma_start3A_224, %dma_start3A_225] : memref<30720x128xf32, #tpu.memory_space<hbm>> -> memref<30720x128xf32, #tpu.memory_space<hbm>>
        tpu.enqueue_indirect_dma source(%dma_start3A_226 : memref<30720x128xf32, #tpu.memory_space<hbm>>) target(%arg11 : memref<125x128xf32, #tpu.memory_space<vmem>>) offsets(%dma_start3A_223 : memref<125xi32, #tpu.memory_space<vmem>>) semaphore(%arg16 : memref<!tpu.dma_semaphore, #tpu.memory_space<semaphore_mem>>)
      } else {
      }
      %scan3A_212 = arith.constant 0 : i32
      scf.yield %scan3A_212 : i32
    }
    %scan3A_81 = arith.constant 20 : i32
    %dma_wait3A_82 = arith.constant 76 : i32
    %dma_wait3A_83 = arith.constant 0 : i32
    %dma_wait3A_84 = tpu.memref_slice %arg8[%dma_wait3A_82, %dma_wait3A_83] : memref<80x125xi32, #tpu.memory_space<vmem>> -> memref<1x125xi32, #tpu.memory_space<vmem>>
    %dma_wait3A_85 = tpu.memref_squeeze %dma_wait3A_84 : memref<1x125xi32, #tpu.memory_space<vmem>> -> memref<125xi32, #tpu.memory_space<vmem>>
    %dma_wait3A_86 = arith.constant 0 : i32
    %dma_wait3A_87 = arith.constant 0 : i32
    %dma_wait3A_88 = tpu.memref_slice %arg13[%dma_wait3A_86, %dma_wait3A_87] : memref<5248x128xf32, #tpu.memory_space<vmem_shared>> -> memref<5248x128xf32, #tpu.memory_space<vmem_shared>>
    tpu.wait_indirect_dma semaphore(%arg18 : memref<!tpu.dma_semaphore, #tpu.memory_space<semaphore_mem>>) src(%arg9 : memref<125x128xf32, #tpu.memory_space<vmem>>) dst(%dma_wait3A_88 : memref<5248x128xf32, #tpu.memory_space<vmem_shared>>)
    %dma_wait3A_89 = arith.constant 77 : i32
    %dma_wait3A_90 = arith.constant 0 : i32
    %dma_wait3A_91 = tpu.memref_slice %arg8[%dma_wait3A_89, %dma_wait3A_90] : memref<80x125xi32, #tpu.memory_space<vmem>> -> memref<1x125xi32, #tpu.memory_space<vmem>>
    %dma_wait3A_92 = tpu.memref_squeeze %dma_wait3A_91 : memref<1x125xi32, #tpu.memory_space<vmem>> -> memref<125xi32, #tpu.memory_space<vmem>>
    %dma_wait3A_93 = arith.constant 0 : i32
    %dma_wait3A_94 = arith.constant 0 : i32
    %dma_wait3A_95 = tpu.memref_slice %arg13[%dma_wait3A_93, %dma_wait3A_94] : memref<5248x128xf32, #tpu.memory_space<vmem_shared>> -> memref<5248x128xf32, #tpu.memory_space<vmem_shared>>
    tpu.wait_indirect_dma semaphore(%arg19 : memref<!tpu.dma_semaphore, #tpu.memory_space<semaphore_mem>>) src(%arg10 : memref<125x128xf32, #tpu.memory_space<vmem>>) dst(%dma_wait3A_95 : memref<5248x128xf32, #tpu.memory_space<vmem_shared>>)
    %dma_wait3A_96 = arith.constant 78 : i32
    %dma_wait3A_97 = arith.constant 0 : i32
    %dma_wait3A_98 = tpu.memref_slice %arg8[%dma_wait3A_96, %dma_wait3A_97] : memref<80x125xi32, #tpu.memory_space<vmem>> -> memref<1x125xi32, #tpu.memory_space<vmem>>
    %dma_wait3A_99 = tpu.memref_squeeze %dma_wait3A_98 : memref<1x125xi32, #tpu.memory_space<vmem>> -> memref<125xi32, #tpu.memory_space<vmem>>
    %dma_wait3A_100 = arith.constant 0 : i32
    %dma_wait3A_101 = arith.constant 0 : i32
    %dma_wait3A_102 = tpu.memref_slice %arg13[%dma_wait3A_100, %dma_wait3A_101] : memref<5248x128xf32, #tpu.memory_space<vmem_shared>> -> memref<5248x128xf32, #tpu.memory_space<vmem_shared>>
    tpu.wait_indirect_dma semaphore(%arg20 : memref<!tpu.dma_semaphore, #tpu.memory_space<semaphore_mem>>) src(%arg11 : memref<125x128xf32, #tpu.memory_space<vmem>>) dst(%dma_wait3A_102 : memref<5248x128xf32, #tpu.memory_space<vmem_shared>>)
    %dma_wait3A_103 = arith.constant 79 : i32
    %dma_wait3A_104 = arith.constant 0 : i32
    %dma_wait3A_105 = tpu.memref_slice %arg8[%dma_wait3A_103, %dma_wait3A_104] : memref<80x125xi32, #tpu.memory_space<vmem>> -> memref<1x125xi32, #tpu.memory_space<vmem>>
    %dma_wait3A_106 = tpu.memref_squeeze %dma_wait3A_105 : memref<1x125xi32, #tpu.memory_space<vmem>> -> memref<125xi32, #tpu.memory_space<vmem>>
    %dma_wait3A_107 = arith.constant 0 : i32
    %dma_wait3A_108 = arith.constant 0 : i32
    %dma_wait3A_109 = tpu.memref_slice %arg13[%dma_wait3A_107, %dma_wait3A_108] : memref<5248x128xf32, #tpu.memory_space<vmem_shared>> -> memref<5248x128xf32, #tpu.memory_space<vmem_shared>>
    tpu.wait_indirect_dma semaphore(%arg21 : memref<!tpu.dma_semaphore, #tpu.memory_space<semaphore_mem>>) src(%arg12 : memref<125x128xf32, #tpu.memory_space<vmem>>) dst(%dma_wait3A_109 : memref<5248x128xf32, #tpu.memory_space<vmem_shared>>)
    %barrier3A_110 = arith.constant 0 : index
    tpu.barrier barrier_id(%barrier3A_110)
    %mul3A_111 = arith.constant 320 : i32
    %mul3A_112 = arith.muli %arg1, %mul3A_111 : i32
    %mul3A_113 = arith.constant 320 : i32
    %mul3A_114 = arith.muli %arg1, %mul3A_113 : i32
    "tpu.region"() ({
      %run_scoped3A = tpu.sem_alloc : memref<!tpu.dma_semaphore, #tpu.memory_space<semaphore_mem>>
      %dma_start3A_115 = arith.constant 0 : i32
      %dma_start3A_116 = tpu.memref_slice %arg6[%arg0, %mul3A_114, %dma_start3A_115] : memref<2x5120x128xf32, #tpu.memory_space<hbm>> -> memref<1x320x128xf32, #tpu.memory_space<hbm>>
      %dma_start3A_117 = tpu.memref_squeeze %dma_start3A_116 : memref<1x320x128xf32, #tpu.memory_space<hbm>> -> memref<320x128xf32, #tpu.memory_space<hbm>>
      %dma_start3A_118 = arith.constant 0 : i32
      %dma_start3A_119 = tpu.memref_slice %arg13[%mul3A_112, %dma_start3A_118] : memref<5248x128xf32, #tpu.memory_space<vmem_shared>> -> memref<320x128xf32, #tpu.memory_space<vmem_shared>>
      tpu.enqueue_dma source(%dma_start3A_119 : memref<320x128xf32, #tpu.memory_space<vmem_shared>>) target(%dma_start3A_117 : memref<320x128xf32, #tpu.memory_space<hbm>>) target_semaphore(%run_scoped3A : memref<!tpu.dma_semaphore, #tpu.memory_space<semaphore_mem>>)
      %dma_wait3A_120 = arith.constant 0 : i32
      %dma_wait3A_121 = tpu.memref_slice %arg6[%arg0, %mul3A_114, %dma_wait3A_120] : memref<2x5120x128xf32, #tpu.memory_space<hbm>> -> memref<1x320x128xf32, #tpu.memory_space<hbm>>
      %dma_wait3A_122 = tpu.memref_squeeze %dma_wait3A_121 : memref<1x320x128xf32, #tpu.memory_space<hbm>> -> memref<320x128xf32, #tpu.memory_space<hbm>>
      %dma_wait3A_123 = arith.constant 0 : i32
      %dma_wait3A_124 = tpu.memref_slice %arg13[%mul3A_112, %dma_wait3A_123] : memref<5248x128xf32, #tpu.memory_space<vmem_shared>> -> memref<320x128xf32, #tpu.memory_space<vmem_shared>>
      tpu.wait_dma2 semaphore(%run_scoped3A : memref<!tpu.dma_semaphore, #tpu.memory_space<semaphore_mem>>) src(%dma_wait3A_124 : memref<320x128xf32, #tpu.memory_space<vmem_shared>>) dst(%dma_wait3A_122 : memref<320x128xf32, #tpu.memory_space<hbm>>)
      tpu.yield
    }) : () -> ()
    return
  }
}

#map = affine_map<(d0, d1) -> (0, 0)>
#map1 = affine_map<(d0, d1) -> (0, 0, 0)>
#map2 = affine_map<(d0, d1) -> (0, 0, 0, 0)>
module attributes {stable_mosaic.version = 14 : i64} {
  func.func @_sc_body(%arg0: i32, %arg1: i32, %arg2: memref<30720x128xf32, #tpu.memory_space<hbm>>, %arg3: memref<16x160x125xi32, #tpu.memory_space<hbm>>, %arg4: memref<2x16x160x125xi32, #tpu.memory_space<hbm>>, %arg5: memref<328x128xf32, #tpu.memory_space<hbm>>, %arg6: memref<2x5120x128xf32, #tpu.memory_space<hbm>>, %arg7: memref<80x125xi32, #tpu.memory_space<vmem>>, %arg8: memref<80x125xi32, #tpu.memory_space<vmem>>, %arg9: memref<125x128xf32, #tpu.memory_space<vmem>>, %arg10: memref<125x128xf32, #tpu.memory_space<vmem>>, %arg11: memref<125x128xf32, #tpu.memory_space<vmem>>, %arg12: memref<125x128xf32, #tpu.memory_space<vmem>>, %arg13: memref<5248x128xf32, #tpu.memory_space<vmem_shared>>, %arg14: memref<!tpu.dma_semaphore, #tpu.memory_space<semaphore_mem>>, %arg15: memref<!tpu.dma_semaphore, #tpu.memory_space<semaphore_mem>>, %arg16: memref<!tpu.dma_semaphore, #tpu.memory_space<semaphore_mem>>, %arg17: memref<!tpu.dma_semaphore, #tpu.memory_space<semaphore_mem>>, %arg18: memref<!tpu.dma_semaphore, #tpu.memory_space<semaphore_mem>>, %arg19: memref<!tpu.dma_semaphore, #tpu.memory_space<semaphore_mem>>, %arg20: memref<!tpu.dma_semaphore, #tpu.memory_space<semaphore_mem>>, %arg21: memref<!tpu.dma_semaphore, #tpu.memory_space<semaphore_mem>>) attributes {dimension_semantics = [#tpu.dimension_semantics<core_parallel>, #tpu.dimension_semantics<subcore_parallel>], iteration_bounds = array<i64: 2, 16>, scalar_prefetch = 0 : i64, scratch_operands = 15 : i64, tpu.core_type = #tpu.core_type<sc_vector_subcore>, window_params = [{transform_indices = #map}, {transform_indices = #map1}, {transform_indices = #map2}, {transform_indices = #map}, {transform_indices = #map1}]} {
    %mul3A = arith.constant 328 : i32
    %mul3A_0 = arith.muli %arg1, %mul3A : i32
    "tpu.region"() ({
      %run_scoped3A = tpu.sem_alloc : memref<!tpu.dma_semaphore, #tpu.memory_space<semaphore_mem>>
      %dma_start3A_115 = arith.constant 0 : i32
      %dma_start3A_116 = tpu.memref_slice %arg13[%mul3A_0, %dma_start3A_115] : memref<5248x128xf32, #tpu.memory_space<vmem_shared>> -> memref<328x128xf32, #tpu.memory_space<vmem_shared>>
      tpu.enqueue_dma source(%arg5 : memref<328x128xf32, #tpu.memory_space<hbm>>) target(%dma_start3A_116 : memref<328x128xf32, #tpu.memory_space<vmem_shared>>) target_semaphore(%run_scoped3A : memref<!tpu.dma_semaphore, #tpu.memory_space<semaphore_mem>>)
      %dma_wait3A_117 = arith.constant 0 : i32
      %dma_wait3A_118 = tpu.memref_slice %arg13[%mul3A_0, %dma_wait3A_117] : memref<5248x128xf32, #tpu.memory_space<vmem_shared>> -> memref<328x128xf32, #tpu.memory_space<vmem_shared>>
      tpu.wait_dma2 semaphore(%run_scoped3A : memref<!tpu.dma_semaphore, #tpu.memory_space<semaphore_mem>>) src(%arg5 : memref<328x128xf32, #tpu.memory_space<hbm>>) dst(%dma_wait3A_118 : memref<328x128xf32, #tpu.memory_space<vmem_shared>>)
      tpu.yield
    }) : () -> ()
    %barrier3A = arith.constant 0 : index
    tpu.barrier barrier_id(%barrier3A)
    "tpu.region"() ({
      %run_scoped3A = tpu.sem_alloc : memref<!tpu.dma_semaphore, #tpu.memory_space<semaphore_mem>>
      %dma_start3A_115 = arith.constant 0 : i32
      %dma_start3A_116 = arith.constant 0 : i32
      %dma_start3A_117 = tpu.memref_slice %arg3[%arg1, %dma_start3A_115, %dma_start3A_116] : memref<16x160x125xi32, #tpu.memory_space<hbm>> -> memref<1x80x125xi32, #tpu.memory_space<hbm>>
      %dma_start3A_118 = tpu.memref_squeeze %dma_start3A_117 : memref<1x80x125xi32, #tpu.memory_space<hbm>> -> memref<80x125xi32, #tpu.memory_space<hbm>>
      %dma_start3A_119 = arith.constant 0 : i32
      %dma_start3A_120 = arith.constant 0 : i32
      %dma_start3A_121 = tpu.memref_slice %arg3[%arg1, %dma_start3A_119, %dma_start3A_120] : memref<16x160x125xi32, #tpu.memory_space<hbm>> -> memref<1x80x125xi32, #tpu.memory_space<hbm>>
      %dma_start3A_122 = tpu.memref_squeeze %dma_start3A_121 : memref<1x80x125xi32, #tpu.memory_space<hbm>> -> memref<80x125xi32, #tpu.memory_space<hbm>>
      tpu.enqueue_dma source(%dma_start3A_122 : memref<80x125xi32, #tpu.memory_space<hbm>>) target(%arg7 : memref<80x125xi32, #tpu.memory_space<vmem>>) target_semaphore(%run_scoped3A : memref<!tpu.dma_semaphore, #tpu.memory_space<semaphore_mem>>)
      %dma_wait3A_123 = arith.constant 0 : i32
      %dma_wait3A_124 = arith.constant 0 : i32
      %dma_wait3A_125 = tpu.memref_slice %arg3[%arg1, %dma_wait3A_123, %dma_wait3A_124] : memref<16x160x125xi32, #tpu.memory_space<hbm>> -> memref<1x80x125xi32, #tpu.memory_space<hbm>>
      %dma_wait3A_126 = tpu.memref_squeeze %dma_wait3A_125 : memref<1x80x125xi32, #tpu.memory_space<hbm>> -> memref<80x125xi32, #tpu.memory_space<hbm>>
      %dma_wait3A_127 = arith.constant 0 : i32
      %dma_wait3A_128 = arith.constant 0 : i32
      %dma_wait3A_129 = tpu.memref_slice %arg3[%arg1, %dma_wait3A_127, %dma_wait3A_128] : memref<16x160x125xi32, #tpu.memory_space<hbm>> -> memref<1x80x125xi32, #tpu.memory_space<hbm>>
      %dma_wait3A_130 = tpu.memref_squeeze %dma_wait3A_129 : memref<1x80x125xi32, #tpu.memory_space<hbm>> -> memref<80x125xi32, #tpu.memory_space<hbm>>
      tpu.wait_dma2 semaphore(%run_scoped3A : memref<!tpu.dma_semaphore, #tpu.memory_space<semaphore_mem>>) src(%dma_wait3A_130 : memref<80x125xi32, #tpu.memory_space<hbm>>) dst(%arg7 : memref<80x125xi32, #tpu.memory_space<vmem>>)
      tpu.yield
    }) : () -> ()
    "tpu.region"() ({
      %run_scoped3A = tpu.sem_alloc : memref<!tpu.dma_semaphore, #tpu.memory_space<semaphore_mem>>
      %dma_start3A_115 = arith.constant 0 : i32
      %dma_start3A_116 = arith.constant 0 : i32
      %dma_start3A_117 = tpu.memref_slice %arg4[%arg0, %arg1, %dma_start3A_115, %dma_start3A_116] : memref<2x16x160x125xi32, #tpu.memory_space<hbm>> -> memref<1x1x80x125xi32, #tpu.memory_space<hbm>>
      %dma_start3A_118 = tpu.memref_squeeze %dma_start3A_117 : memref<1x1x80x125xi32, #tpu.memory_space<hbm>> -> memref<80x125xi32, #tpu.memory_space<hbm>>
      %dma_start3A_119 = arith.constant 0 : i32
      %dma_start3A_120 = arith.constant 0 : i32
      %dma_start3A_121 = tpu.memref_slice %arg4[%arg0, %arg1, %dma_start3A_119, %dma_start3A_120] : memref<2x16x160x125xi32, #tpu.memory_space<hbm>> -> memref<1x1x80x125xi32, #tpu.memory_space<hbm>>
      %dma_start3A_122 = tpu.memref_squeeze %dma_start3A_121 : memref<1x1x80x125xi32, #tpu.memory_space<hbm>> -> memref<80x125xi32, #tpu.memory_space<hbm>>
      tpu.enqueue_dma source(%dma_start3A_122 : memref<80x125xi32, #tpu.memory_space<hbm>>) target(%arg8 : memref<80x125xi32, #tpu.memory_space<vmem>>) target_semaphore(%run_scoped3A : memref<!tpu.dma_semaphore, #tpu.memory_space<semaphore_mem>>)
      %dma_wait3A_123 = arith.constant 0 : i32
      %dma_wait3A_124 = arith.constant 0 : i32
      %dma_wait3A_125 = tpu.memref_slice %arg4[%arg0, %arg1, %dma_wait3A_123, %dma_wait3A_124] : memref<2x16x160x125xi32, #tpu.memory_space<hbm>> -> memref<1x1x80x125xi32, #tpu.memory_space<hbm>>
      %dma_wait3A_126 = tpu.memref_squeeze %dma_wait3A_125 : memref<1x1x80x125xi32, #tpu.memory_space<hbm>> -> memref<80x125xi32, #tpu.memory_space<hbm>>
      %dma_wait3A_127 = arith.constant 0 : i32
      %dma_wait3A_128 = arith.constant 0 : i32
      %dma_wait3A_129 = tpu.memref_slice %arg4[%arg0, %arg1, %dma_wait3A_127, %dma_wait3A_128] : memref<2x16x160x125xi32, #tpu.memory_space<hbm>> -> memref<1x1x80x125xi32, #tpu.memory_space<hbm>>
      %dma_wait3A_130 = tpu.memref_squeeze %dma_wait3A_129 : memref<1x1x80x125xi32, #tpu.memory_space<hbm>> -> memref<80x125xi32, #tpu.memory_space<hbm>>
      tpu.wait_dma2 semaphore(%run_scoped3A : memref<!tpu.dma_semaphore, #tpu.memory_space<semaphore_mem>>) src(%dma_wait3A_130 : memref<80x125xi32, #tpu.memory_space<hbm>>) dst(%arg8 : memref<80x125xi32, #tpu.memory_space<vmem>>)
      tpu.yield
    }) : () -> ()
    %dma_start3A = arith.constant 0 : i32
    %dma_start3A_1 = arith.constant 0 : i32
    %dma_start3A_2 = tpu.memref_slice %arg7[%dma_start3A, %dma_start3A_1] : memref<80x125xi32, #tpu.memory_space<vmem>> -> memref<1x125xi32, #tpu.memory_space<vmem>>
    %dma_start3A_3 = tpu.memref_squeeze %dma_start3A_2 : memref<1x125xi32, #tpu.memory_space<vmem>> -> memref<125xi32, #tpu.memory_space<vmem>>
    %dma_start3A_4 = arith.constant 0 : i32
    %dma_start3A_5 = arith.constant 0 : i32
    %dma_start3A_6 = tpu.memref_slice %arg2[%dma_start3A_4, %dma_start3A_5] : memref<30720x128xf32, #tpu.memory_space<hbm>> -> memref<30720x128xf32, #tpu.memory_space<hbm>>
    tpu.enqueue_indirect_dma source(%dma_start3A_6 : memref<30720x128xf32, #tpu.memory_space<hbm>>) target(%arg9 : memref<125x128xf32, #tpu.memory_space<vmem>>) offsets(%dma_start3A_3 : memref<125xi32, #tpu.memory_space<vmem>>) semaphore(%arg14 : memref<!tpu.dma_semaphore, #tpu.memory_space<semaphore_mem>>)
    %dma_start3A_7 = arith.constant 1 : i32
    %dma_start3A_8 = arith.constant 0 : i32
    %dma_start3A_9 = tpu.memref_slice %arg7[%dma_start3A_7, %dma_start3A_8] : memref<80x125xi32, #tpu.memory_space<vmem>> -> memref<1x125xi32, #tpu.memory_space<vmem>>
    %dma_start3A_10 = tpu.memref_squeeze %dma_start3A_9 : memref<1x125xi32, #tpu.memory_space<vmem>> -> memref<125xi32, #tpu.memory_space<vmem>>
    %dma_start3A_11 = arith.constant 0 : i32
    %dma_start3A_12 = arith.constant 0 : i32
    %dma_start3A_13 = tpu.memref_slice %arg2[%dma_start3A_11, %dma_start3A_12] : memref<30720x128xf32, #tpu.memory_space<hbm>> -> memref<30720x128xf32, #tpu.memory_space<hbm>>
    tpu.enqueue_indirect_dma source(%dma_start3A_13 : memref<30720x128xf32, #tpu.memory_space<hbm>>) target(%arg10 : memref<125x128xf32, #tpu.memory_space<vmem>>) offsets(%dma_start3A_10 : memref<125xi32, #tpu.memory_space<vmem>>) semaphore(%arg15 : memref<!tpu.dma_semaphore, #tpu.memory_space<semaphore_mem>>)
    %dma_start3A_14 = arith.constant 2 : i32
    %dma_start3A_15 = arith.constant 0 : i32
    %dma_start3A_16 = tpu.memref_slice %arg7[%dma_start3A_14, %dma_start3A_15] : memref<80x125xi32, #tpu.memory_space<vmem>> -> memref<1x125xi32, #tpu.memory_space<vmem>>
    %dma_start3A_17 = tpu.memref_squeeze %dma_start3A_16 : memref<1x125xi32, #tpu.memory_space<vmem>> -> memref<125xi32, #tpu.memory_space<vmem>>
    %dma_start3A_18 = arith.constant 0 : i32
    %dma_start3A_19 = arith.constant 0 : i32
    %dma_start3A_20 = tpu.memref_slice %arg2[%dma_start3A_18, %dma_start3A_19] : memref<30720x128xf32, #tpu.memory_space<hbm>> -> memref<30720x128xf32, #tpu.memory_space<hbm>>
    tpu.enqueue_indirect_dma source(%dma_start3A_20 : memref<30720x128xf32, #tpu.memory_space<hbm>>) target(%arg11 : memref<125x128xf32, #tpu.memory_space<vmem>>) offsets(%dma_start3A_17 : memref<125xi32, #tpu.memory_space<vmem>>) semaphore(%arg16 : memref<!tpu.dma_semaphore, #tpu.memory_space<semaphore_mem>>)
    %scan3A = arith.constant 0 : i32
    %scan3A_21 = arith.constant 0 : i32
    %scan3A_22 = arith.constant 20 : i32
    %scan3A_23 = arith.addi %scan3A_21, %scan3A_22 : i32
    %scan3A_24 = arith.constant 1 : i32
    %scan3A_25 = scf.for %scan3A_115 = %scan3A_21 to %scan3A_23 step %scan3A_24 iter_args(%scan3A_116 = %scan3A) -> (i32)  : i32 {
      %mul3A_117 = arith.constant 4 : i32
      %mul3A_118 = arith.muli %mul3A_117, %scan3A_115 : i32
      %add3A = arith.constant 0 : i32
      %add3A_119 = arith.addi %mul3A_118, %add3A : i32
      %dma_wait3A_120 = arith.constant 0 : i32
      %dma_wait3A_121 = tpu.memref_slice %arg7[%add3A_119, %dma_wait3A_120] : memref<80x125xi32, #tpu.memory_space<vmem>> -> memref<1x125xi32, #tpu.memory_space<vmem>>
      %dma_wait3A_122 = tpu.memref_squeeze %dma_wait3A_121 : memref<1x125xi32, #tpu.memory_space<vmem>> -> memref<125xi32, #tpu.memory_space<vmem>>
      %dma_wait3A_123 = arith.constant 0 : i32
      %dma_wait3A_124 = arith.constant 0 : i32
      %dma_wait3A_125 = tpu.memref_slice %arg2[%dma_wait3A_123, %dma_wait3A_124] : memref<30720x128xf32, #tpu.memory_space<hbm>> -> memref<30720x128xf32, #tpu.memory_space<hbm>>
      tpu.wait_indirect_dma semaphore(%arg14 : memref<!tpu.dma_semaphore, #tpu.memory_space<semaphore_mem>>) src(%dma_wait3A_125 : memref<30720x128xf32, #tpu.memory_space<hbm>>) dst(%arg9 : memref<125x128xf32, #tpu.memory_space<vmem>>)
      %dma_start3A_126 = arith.constant 0 : i32
      %dma_start3A_127 = tpu.memref_slice %arg8[%add3A_119, %dma_start3A_126] : memref<80x125xi32, #tpu.memory_space<vmem>> -> memref<1x125xi32, #tpu.memory_space<vmem>>
      %dma_start3A_128 = tpu.memref_squeeze %dma_start3A_127 : memref<1x125xi32, #tpu.memory_space<vmem>> -> memref<125xi32, #tpu.memory_space<vmem>>
      %dma_start3A_129 = arith.constant 0 : i32
      %dma_start3A_130 = arith.constant 0 : i32
      %dma_start3A_131 = tpu.memref_slice %arg13[%dma_start3A_129, %dma_start3A_130] : memref<5248x128xf32, #tpu.memory_space<vmem_shared>> -> memref<5248x128xf32, #tpu.memory_space<vmem_shared>>
      tpu.enqueue_indirect_dma source(%arg9 : memref<125x128xf32, #tpu.memory_space<vmem>>) target(%dma_start3A_131 : memref<5248x128xf32, #tpu.memory_space<vmem_shared>>) offsets(%dma_start3A_128 : memref<125xi32, #tpu.memory_space<vmem>>) semaphore(%arg18 : memref<!tpu.dma_semaphore, #tpu.memory_space<semaphore_mem>>) {add = true}
      %add3A_132 = arith.constant 4 : i32
      %add3A_133 = arith.addi %add3A_119, %add3A_132 : i32
      %sub3A = arith.constant 1 : i32
      %sub3A_134 = arith.subi %add3A_133, %sub3A : i32
      %lt3A = arith.constant 80 : i32
      %lt3A_135 = arith.cmpi slt, %sub3A_134, %lt3A : i32
      %convert_element_type3A = arith.extui %lt3A_135 : i1 to i32
      %cond3A = arith.constant 0 : i32
      %cond3A_136 = arith.cmpi ne, %convert_element_type3A, %cond3A : i32
      scf.if %cond3A_136 {
        %ge3A = arith.constant 1 : i32
        %ge3A_213 = arith.cmpi sge, %add3A_119, %ge3A : i32
        %convert_element_type3A_214 = arith.extui %ge3A_213 : i1 to i32
        %cond3A_215 = arith.constant 0 : i32
        %cond3A_216 = arith.cmpi ne, %convert_element_type3A_214, %cond3A_215 : i32
        scf.if %cond3A_216 {
          %sub3A_227 = arith.constant 1 : i32
          %sub3A_228 = arith.subi %add3A_119, %sub3A_227 : i32
          %dma_wait3A_229 = arith.constant 0 : i32
          %dma_wait3A_230 = tpu.memref_slice %arg8[%sub3A_228, %dma_wait3A_229] : memref<80x125xi32, #tpu.memory_space<vmem>> -> memref<1x125xi32, #tpu.memory_space<vmem>>
          %dma_wait3A_231 = tpu.memref_squeeze %dma_wait3A_230 : memref<1x125xi32, #tpu.memory_space<vmem>> -> memref<125xi32, #tpu.memory_space<vmem>>
          %dma_wait3A_232 = arith.constant 0 : i32
          %dma_wait3A_233 = arith.constant 0 : i32
          %dma_wait3A_234 = tpu.memref_slice %arg13[%dma_wait3A_232, %dma_wait3A_233] : memref<5248x128xf32, #tpu.memory_space<vmem_shared>> -> memref<5248x128xf32, #tpu.memory_space<vmem_shared>>
          tpu.wait_indirect_dma semaphore(%arg21 : memref<!tpu.dma_semaphore, #tpu.memory_space<semaphore_mem>>) src(%arg12 : memref<125x128xf32, #tpu.memory_space<vmem>>) dst(%dma_wait3A_234 : memref<5248x128xf32, #tpu.memory_space<vmem_shared>>)
        } else {
        }
        %add3A_217 = arith.constant 4 : i32
        %add3A_218 = arith.addi %add3A_119, %add3A_217 : i32
        %sub3A_219 = arith.constant 1 : i32
        %sub3A_220 = arith.subi %add3A_218, %sub3A_219 : i32
        %dma_start3A_221 = arith.constant 0 : i32
        %dma_start3A_222 = tpu.memref_slice %arg7[%sub3A_220, %dma_start3A_221] : memref<80x125xi32, #tpu.memory_space<vmem>> -> memref<1x125xi32, #tpu.memory_space<vmem>>
        %dma_start3A_223 = tpu.memref_squeeze %dma_start3A_222 : memref<1x125xi32, #tpu.memory_space<vmem>> -> memref<125xi32, #tpu.memory_space<vmem>>
        %dma_start3A_224 = arith.constant 0 : i32
        %dma_start3A_225 = arith.constant 0 : i32
        %dma_start3A_226 = tpu.memref_slice %arg2[%dma_start3A_224, %dma_start3A_225] : memref<30720x128xf32, #tpu.memory_space<hbm>> -> memref<30720x128xf32, #tpu.memory_space<hbm>>
        tpu.enqueue_indirect_dma source(%dma_start3A_226 : memref<30720x128xf32, #tpu.memory_space<hbm>>) target(%arg12 : memref<125x128xf32, #tpu.memory_space<vmem>>) offsets(%dma_start3A_223 : memref<125xi32, #tpu.memory_space<vmem>>) semaphore(%arg17 : memref<!tpu.dma_semaphore, #tpu.memory_space<semaphore_mem>>)
      } else {
      }
      %mul3A_137 = arith.constant 4 : i32
      %mul3A_138 = arith.muli %mul3A_137, %scan3A_115 : i32
      %add3A_139 = arith.constant 1 : i32
      %add3A_140 = arith.addi %mul3A_138, %add3A_139 : i32
      %dma_wait3A_141 = arith.constant 0 : i32
      %dma_wait3A_142 = tpu.memref_slice %arg7[%add3A_140, %dma_wait3A_141] : memref<80x125xi32, #tpu.memory_space<vmem>> -> memref<1x125xi32, #tpu.memory_space<vmem>>
      %dma_wait3A_143 = tpu.memref_squeeze %dma_wait3A_142 : memref<1x125xi32, #tpu.memory_space<vmem>> -> memref<125xi32, #tpu.memory_space<vmem>>
      %dma_wait3A_144 = arith.constant 0 : i32
      %dma_wait3A_145 = arith.constant 0 : i32
      %dma_wait3A_146 = tpu.memref_slice %arg2[%dma_wait3A_144, %dma_wait3A_145] : memref<30720x128xf32, #tpu.memory_space<hbm>> -> memref<30720x128xf32, #tpu.memory_space<hbm>>
      tpu.wait_indirect_dma semaphore(%arg15 : memref<!tpu.dma_semaphore, #tpu.memory_space<semaphore_mem>>) src(%dma_wait3A_146 : memref<30720x128xf32, #tpu.memory_space<hbm>>) dst(%arg10 : memref<125x128xf32, #tpu.memory_space<vmem>>)
      %dma_start3A_147 = arith.constant 0 : i32
      %dma_start3A_148 = tpu.memref_slice %arg8[%add3A_140, %dma_start3A_147] : memref<80x125xi32, #tpu.memory_space<vmem>> -> memref<1x125xi32, #tpu.memory_space<vmem>>
      %dma_start3A_149 = tpu.memref_squeeze %dma_start3A_148 : memref<1x125xi32, #tpu.memory_space<vmem>> -> memref<125xi32, #tpu.memory_space<vmem>>
      %dma_start3A_150 = arith.constant 0 : i32
      %dma_start3A_151 = arith.constant 0 : i32
      %dma_start3A_152 = tpu.memref_slice %arg13[%dma_start3A_150, %dma_start3A_151] : memref<5248x128xf32, #tpu.memory_space<vmem_shared>> -> memref<5248x128xf32, #tpu.memory_space<vmem_shared>>
      tpu.enqueue_indirect_dma source(%arg10 : memref<125x128xf32, #tpu.memory_space<vmem>>) target(%dma_start3A_152 : memref<5248x128xf32, #tpu.memory_space<vmem_shared>>) offsets(%dma_start3A_149 : memref<125xi32, #tpu.memory_space<vmem>>) semaphore(%arg19 : memref<!tpu.dma_semaphore, #tpu.memory_space<semaphore_mem>>) {add = true}
      %add3A_153 = arith.constant 4 : i32
      %add3A_154 = arith.addi %add3A_140, %add3A_153 : i32
      %sub3A_155 = arith.constant 1 : i32
      %sub3A_156 = arith.subi %add3A_154, %sub3A_155 : i32
      %lt3A_157 = arith.constant 80 : i32
      %lt3A_158 = arith.cmpi slt, %sub3A_156, %lt3A_157 : i32
      %convert_element_type3A_159 = arith.extui %lt3A_158 : i1 to i32
      %cond3A_160 = arith.constant 0 : i32
      %cond3A_161 = arith.cmpi ne, %convert_element_type3A_159, %cond3A_160 : i32
      scf.if %cond3A_161 {
        %ge3A = arith.constant 1 : i32
        %ge3A_213 = arith.cmpi sge, %add3A_140, %ge3A : i32
        %convert_element_type3A_214 = arith.extui %ge3A_213 : i1 to i32
        %cond3A_215 = arith.constant 0 : i32
        %cond3A_216 = arith.cmpi ne, %convert_element_type3A_214, %cond3A_215 : i32
        scf.if %cond3A_216 {
          %sub3A_227 = arith.constant 1 : i32
          %sub3A_228 = arith.subi %add3A_140, %sub3A_227 : i32
          %dma_wait3A_229 = arith.constant 0 : i32
          %dma_wait3A_230 = tpu.memref_slice %arg8[%sub3A_228, %dma_wait3A_229] : memref<80x125xi32, #tpu.memory_space<vmem>> -> memref<1x125xi32, #tpu.memory_space<vmem>>
          %dma_wait3A_231 = tpu.memref_squeeze %dma_wait3A_230 : memref<1x125xi32, #tpu.memory_space<vmem>> -> memref<125xi32, #tpu.memory_space<vmem>>
          %dma_wait3A_232 = arith.constant 0 : i32
          %dma_wait3A_233 = arith.constant 0 : i32
          %dma_wait3A_234 = tpu.memref_slice %arg13[%dma_wait3A_232, %dma_wait3A_233] : memref<5248x128xf32, #tpu.memory_space<vmem_shared>> -> memref<5248x128xf32, #tpu.memory_space<vmem_shared>>
          tpu.wait_indirect_dma semaphore(%arg18 : memref<!tpu.dma_semaphore, #tpu.memory_space<semaphore_mem>>) src(%arg9 : memref<125x128xf32, #tpu.memory_space<vmem>>) dst(%dma_wait3A_234 : memref<5248x128xf32, #tpu.memory_space<vmem_shared>>)
        } else {
        }
        %add3A_217 = arith.constant 4 : i32
        %add3A_218 = arith.addi %add3A_140, %add3A_217 : i32
        %sub3A_219 = arith.constant 1 : i32
        %sub3A_220 = arith.subi %add3A_218, %sub3A_219 : i32
        %dma_start3A_221 = arith.constant 0 : i32
        %dma_start3A_222 = tpu.memref_slice %arg7[%sub3A_220, %dma_start3A_221] : memref<80x125xi32, #tpu.memory_space<vmem>> -> memref<1x125xi32, #tpu.memory_space<vmem>>
        %dma_start3A_223 = tpu.memref_squeeze %dma_start3A_222 : memref<1x125xi32, #tpu.memory_space<vmem>> -> memref<125xi32, #tpu.memory_space<vmem>>
        %dma_start3A_224 = arith.constant 0 : i32
        %dma_start3A_225 = arith.constant 0 : i32
        %dma_start3A_226 = tpu.memref_slice %arg2[%dma_start3A_224, %dma_start3A_225] : memref<30720x128xf32, #tpu.memory_space<hbm>> -> memref<30720x128xf32, #tpu.memory_space<hbm>>
        tpu.enqueue_indirect_dma source(%dma_start3A_226 : memref<30720x128xf32, #tpu.memory_space<hbm>>) target(%arg9 : memref<125x128xf32, #tpu.memory_space<vmem>>) offsets(%dma_start3A_223 : memref<125xi32, #tpu.memory_space<vmem>>) semaphore(%arg14 : memref<!tpu.dma_semaphore, #tpu.memory_space<semaphore_mem>>)
      } else {
      }
      %mul3A_162 = arith.constant 4 : i32
      %mul3A_163 = arith.muli %mul3A_162, %scan3A_115 : i32
      %add3A_164 = arith.constant 2 : i32
      %add3A_165 = arith.addi %mul3A_163, %add3A_164 : i32
      %dma_wait3A_166 = arith.constant 0 : i32
      %dma_wait3A_167 = tpu.memref_slice %arg7[%add3A_165, %dma_wait3A_166] : memref<80x125xi32, #tpu.memory_space<vmem>> -> memref<1x125xi32, #tpu.memory_space<vmem>>
      %dma_wait3A_168 = tpu.memref_squeeze %dma_wait3A_167 : memref<1x125xi32, #tpu.memory_space<vmem>> -> memref<125xi32, #tpu.memory_space<vmem>>
      %dma_wait3A_169 = arith.constant 0 : i32
      %dma_wait3A_170 = arith.constant 0 : i32
      %dma_wait3A_171 = tpu.memref_slice %arg2[%dma_wait3A_169, %dma_wait3A_170] : memref<30720x128xf32, #tpu.memory_space<hbm>> -> memref<30720x128xf32, #tpu.memory_space<hbm>>
      tpu.wait_indirect_dma semaphore(%arg16 : memref<!tpu.dma_semaphore, #tpu.memory_space<semaphore_mem>>) src(%dma_wait3A_171 : memref<30720x128xf32, #tpu.memory_space<hbm>>) dst(%arg11 : memref<125x128xf32, #tpu.memory_space<vmem>>)
      %dma_start3A_172 = arith.constant 0 : i32
      %dma_start3A_173 = tpu.memref_slice %arg8[%add3A_165, %dma_start3A_172] : memref<80x125xi32, #tpu.memory_space<vmem>> -> memref<1x125xi32, #tpu.memory_space<vmem>>
      %dma_start3A_174 = tpu.memref_squeeze %dma_start3A_173 : memref<1x125xi32, #tpu.memory_space<vmem>> -> memref<125xi32, #tpu.memory_space<vmem>>
      %dma_start3A_175 = arith.constant 0 : i32
      %dma_start3A_176 = arith.constant 0 : i32
      %dma_start3A_177 = tpu.memref_slice %arg13[%dma_start3A_175, %dma_start3A_176] : memref<5248x128xf32, #tpu.memory_space<vmem_shared>> -> memref<5248x128xf32, #tpu.memory_space<vmem_shared>>
      tpu.enqueue_indirect_dma source(%arg11 : memref<125x128xf32, #tpu.memory_space<vmem>>) target(%dma_start3A_177 : memref<5248x128xf32, #tpu.memory_space<vmem_shared>>) offsets(%dma_start3A_174 : memref<125xi32, #tpu.memory_space<vmem>>) semaphore(%arg20 : memref<!tpu.dma_semaphore, #tpu.memory_space<semaphore_mem>>) {add = true}
      %add3A_178 = arith.constant 4 : i32
      %add3A_179 = arith.addi %add3A_165, %add3A_178 : i32
      %sub3A_180 = arith.constant 1 : i32
      %sub3A_181 = arith.subi %add3A_179, %sub3A_180 : i32
      %lt3A_182 = arith.constant 80 : i32
      %lt3A_183 = arith.cmpi slt, %sub3A_181, %lt3A_182 : i32
      %convert_element_type3A_184 = arith.extui %lt3A_183 : i1 to i32
      %cond3A_185 = arith.constant 0 : i32
      %cond3A_186 = arith.cmpi ne, %convert_element_type3A_184, %cond3A_185 : i32
      scf.if %cond3A_186 {
        %ge3A = arith.constant 1 : i32
        %ge3A_213 = arith.cmpi sge, %add3A_165, %ge3A : i32
        %convert_element_type3A_214 = arith.extui %ge3A_213 : i1 to i32
        %cond3A_215 = arith.constant 0 : i32
        %cond3A_216 = arith.cmpi ne, %convert_element_type3A_214, %cond3A_215 : i32
        scf.if %cond3A_216 {
          %sub3A_227 = arith.constant 1 : i32
          %sub3A_228 = arith.subi %add3A_165, %sub3A_227 : i32
          %dma_wait3A_229 = arith.constant 0 : i32
          %dma_wait3A_230 = tpu.memref_slice %arg8[%sub3A_228, %dma_wait3A_229] : memref<80x125xi32, #tpu.memory_space<vmem>> -> memref<1x125xi32, #tpu.memory_space<vmem>>
          %dma_wait3A_231 = tpu.memref_squeeze %dma_wait3A_230 : memref<1x125xi32, #tpu.memory_space<vmem>> -> memref<125xi32, #tpu.memory_space<vmem>>
          %dma_wait3A_232 = arith.constant 0 : i32
          %dma_wait3A_233 = arith.constant 0 : i32
          %dma_wait3A_234 = tpu.memref_slice %arg13[%dma_wait3A_232, %dma_wait3A_233] : memref<5248x128xf32, #tpu.memory_space<vmem_shared>> -> memref<5248x128xf32, #tpu.memory_space<vmem_shared>>
          tpu.wait_indirect_dma semaphore(%arg19 : memref<!tpu.dma_semaphore, #tpu.memory_space<semaphore_mem>>) src(%arg10 : memref<125x128xf32, #tpu.memory_space<vmem>>) dst(%dma_wait3A_234 : memref<5248x128xf32, #tpu.memory_space<vmem_shared>>)
        } else {
        }
        %add3A_217 = arith.constant 4 : i32
        %add3A_218 = arith.addi %add3A_165, %add3A_217 : i32
        %sub3A_219 = arith.constant 1 : i32
        %sub3A_220 = arith.subi %add3A_218, %sub3A_219 : i32
        %dma_start3A_221 = arith.constant 0 : i32
        %dma_start3A_222 = tpu.memref_slice %arg7[%sub3A_220, %dma_start3A_221] : memref<80x125xi32, #tpu.memory_space<vmem>> -> memref<1x125xi32, #tpu.memory_space<vmem>>
        %dma_start3A_223 = tpu.memref_squeeze %dma_start3A_222 : memref<1x125xi32, #tpu.memory_space<vmem>> -> memref<125xi32, #tpu.memory_space<vmem>>
        %dma_start3A_224 = arith.constant 0 : i32
        %dma_start3A_225 = arith.constant 0 : i32
        %dma_start3A_226 = tpu.memref_slice %arg2[%dma_start3A_224, %dma_start3A_225] : memref<30720x128xf32, #tpu.memory_space<hbm>> -> memref<30720x128xf32, #tpu.memory_space<hbm>>
        tpu.enqueue_indirect_dma source(%dma_start3A_226 : memref<30720x128xf32, #tpu.memory_space<hbm>>) target(%arg10 : memref<125x128xf32, #tpu.memory_space<vmem>>) offsets(%dma_start3A_223 : memref<125xi32, #tpu.memory_space<vmem>>) semaphore(%arg15 : memref<!tpu.dma_semaphore, #tpu.memory_space<semaphore_mem>>)
      } else {
      }
      %mul3A_187 = arith.constant 4 : i32
      %mul3A_188 = arith.muli %mul3A_187, %scan3A_115 : i32
      %add3A_189 = arith.constant 3 : i32
      %add3A_190 = arith.addi %mul3A_188, %add3A_189 : i32
      %dma_wait3A_191 = arith.constant 0 : i32
      %dma_wait3A_192 = tpu.memref_slice %arg7[%add3A_190, %dma_wait3A_191] : memref<80x125xi32, #tpu.memory_space<vmem>> -> memref<1x125xi32, #tpu.memory_space<vmem>>
      %dma_wait3A_193 = tpu.memref_squeeze %dma_wait3A_192 : memref<1x125xi32, #tpu.memory_space<vmem>> -> memref<125xi32, #tpu.memory_space<vmem>>
      %dma_wait3A_194 = arith.constant 0 : i32
      %dma_wait3A_195 = arith.constant 0 : i32
      %dma_wait3A_196 = tpu.memref_slice %arg2[%dma_wait3A_194, %dma_wait3A_195] : memref<30720x128xf32, #tpu.memory_space<hbm>> -> memref<30720x128xf32, #tpu.memory_space<hbm>>
      tpu.wait_indirect_dma semaphore(%arg17 : memref<!tpu.dma_semaphore, #tpu.memory_space<semaphore_mem>>) src(%dma_wait3A_196 : memref<30720x128xf32, #tpu.memory_space<hbm>>) dst(%arg12 : memref<125x128xf32, #tpu.memory_space<vmem>>)
      %dma_start3A_197 = arith.constant 0 : i32
      %dma_start3A_198 = tpu.memref_slice %arg8[%add3A_190, %dma_start3A_197] : memref<80x125xi32, #tpu.memory_space<vmem>> -> memref<1x125xi32, #tpu.memory_space<vmem>>
      %dma_start3A_199 = tpu.memref_squeeze %dma_start3A_198 : memref<1x125xi32, #tpu.memory_space<vmem>> -> memref<125xi32, #tpu.memory_space<vmem>>
      %dma_start3A_200 = arith.constant 0 : i32
      %dma_start3A_201 = arith.constant 0 : i32
      %dma_start3A_202 = tpu.memref_slice %arg13[%dma_start3A_200, %dma_start3A_201] : memref<5248x128xf32, #tpu.memory_space<vmem_shared>> -> memref<5248x128xf32, #tpu.memory_space<vmem_shared>>
      tpu.enqueue_indirect_dma source(%arg12 : memref<125x128xf32, #tpu.memory_space<vmem>>) target(%dma_start3A_202 : memref<5248x128xf32, #tpu.memory_space<vmem_shared>>) offsets(%dma_start3A_199 : memref<125xi32, #tpu.memory_space<vmem>>) semaphore(%arg21 : memref<!tpu.dma_semaphore, #tpu.memory_space<semaphore_mem>>) {add = true}
      %add3A_203 = arith.constant 4 : i32
      %add3A_204 = arith.addi %add3A_190, %add3A_203 : i32
      %sub3A_205 = arith.constant 1 : i32
      %sub3A_206 = arith.subi %add3A_204, %sub3A_205 : i32
      %lt3A_207 = arith.constant 80 : i32
      %lt3A_208 = arith.cmpi slt, %sub3A_206, %lt3A_207 : i32
      %convert_element_type3A_209 = arith.extui %lt3A_208 : i1 to i32
      %cond3A_210 = arith.constant 0 : i32
      %cond3A_211 = arith.cmpi ne, %convert_element_type3A_209, %cond3A_210 : i32
      scf.if %cond3A_211 {
        %ge3A = arith.constant 1 : i32
        %ge3A_213 = arith.cmpi sge, %add3A_190, %ge3A : i32
        %convert_element_type3A_214 = arith.extui %ge3A_213 : i1 to i32
        %cond3A_215 = arith.constant 0 : i32
        %cond3A_216 = arith.cmpi ne, %convert_element_type3A_214, %cond3A_215 : i32
        scf.if %cond3A_216 {
          %sub3A_227 = arith.constant 1 : i32
          %sub3A_228 = arith.subi %add3A_190, %sub3A_227 : i32
          %dma_wait3A_229 = arith.constant 0 : i32
          %dma_wait3A_230 = tpu.memref_slice %arg8[%sub3A_228, %dma_wait3A_229] : memref<80x125xi32, #tpu.memory_space<vmem>> -> memref<1x125xi32, #tpu.memory_space<vmem>>
          %dma_wait3A_231 = tpu.memref_squeeze %dma_wait3A_230 : memref<1x125xi32, #tpu.memory_space<vmem>> -> memref<125xi32, #tpu.memory_space<vmem>>
          %dma_wait3A_232 = arith.constant 0 : i32
          %dma_wait3A_233 = arith.constant 0 : i32
          %dma_wait3A_234 = tpu.memref_slice %arg13[%dma_wait3A_232, %dma_wait3A_233] : memref<5248x128xf32, #tpu.memory_space<vmem_shared>> -> memref<5248x128xf32, #tpu.memory_space<vmem_shared>>
          tpu.wait_indirect_dma semaphore(%arg20 : memref<!tpu.dma_semaphore, #tpu.memory_space<semaphore_mem>>) src(%arg11 : memref<125x128xf32, #tpu.memory_space<vmem>>) dst(%dma_wait3A_234 : memref<5248x128xf32, #tpu.memory_space<vmem_shared>>)
        } else {
        }
        %add3A_217 = arith.constant 4 : i32
        %add3A_218 = arith.addi %add3A_190, %add3A_217 : i32
        %sub3A_219 = arith.constant 1 : i32
        %sub3A_220 = arith.subi %add3A_218, %sub3A_219 : i32
        %dma_start3A_221 = arith.constant 0 : i32
        %dma_start3A_222 = tpu.memref_slice %arg7[%sub3A_220, %dma_start3A_221] : memref<80x125xi32, #tpu.memory_space<vmem>> -> memref<1x125xi32, #tpu.memory_space<vmem>>
        %dma_start3A_223 = tpu.memref_squeeze %dma_start3A_222 : memref<1x125xi32, #tpu.memory_space<vmem>> -> memref<125xi32, #tpu.memory_space<vmem>>
        %dma_start3A_224 = arith.constant 0 : i32
        %dma_start3A_225 = arith.constant 0 : i32
        %dma_start3A_226 = tpu.memref_slice %arg2[%dma_start3A_224, %dma_start3A_225] : memref<30720x128xf32, #tpu.memory_space<hbm>> -> memref<30720x128xf32, #tpu.memory_space<hbm>>
        tpu.enqueue_indirect_dma source(%dma_start3A_226 : memref<30720x128xf32, #tpu.memory_space<hbm>>) target(%arg11 : memref<125x128xf32, #tpu.memory_space<vmem>>) offsets(%dma_start3A_223 : memref<125xi32, #tpu.memory_space<vmem>>) semaphore(%arg16 : memref<!tpu.dma_semaphore, #tpu.memory_space<semaphore_mem>>)
      } else {
      }
      %scan3A_212 = arith.constant 0 : i32
      scf.yield %scan3A_212 : i32
    }
    %scan3A_26 = arith.constant 20 : i32
    %dma_wait3A = arith.constant 76 : i32
    %dma_wait3A_27 = arith.constant 0 : i32
    %dma_wait3A_28 = tpu.memref_slice %arg8[%dma_wait3A, %dma_wait3A_27] : memref<80x125xi32, #tpu.memory_space<vmem>> -> memref<1x125xi32, #tpu.memory_space<vmem>>
    %dma_wait3A_29 = tpu.memref_squeeze %dma_wait3A_28 : memref<1x125xi32, #tpu.memory_space<vmem>> -> memref<125xi32, #tpu.memory_space<vmem>>
    %dma_wait3A_30 = arith.constant 0 : i32
    %dma_wait3A_31 = arith.constant 0 : i32
    %dma_wait3A_32 = tpu.memref_slice %arg13[%dma_wait3A_30, %dma_wait3A_31] : memref<5248x128xf32, #tpu.memory_space<vmem_shared>> -> memref<5248x128xf32, #tpu.memory_space<vmem_shared>>
    tpu.wait_indirect_dma semaphore(%arg18 : memref<!tpu.dma_semaphore, #tpu.memory_space<semaphore_mem>>) src(%arg9 : memref<125x128xf32, #tpu.memory_space<vmem>>) dst(%dma_wait3A_32 : memref<5248x128xf32, #tpu.memory_space<vmem_shared>>)
    %dma_wait3A_33 = arith.constant 77 : i32
    %dma_wait3A_34 = arith.constant 0 : i32
    %dma_wait3A_35 = tpu.memref_slice %arg8[%dma_wait3A_33, %dma_wait3A_34] : memref<80x125xi32, #tpu.memory_space<vmem>> -> memref<1x125xi32, #tpu.memory_space<vmem>>
    %dma_wait3A_36 = tpu.memref_squeeze %dma_wait3A_35 : memref<1x125xi32, #tpu.memory_space<vmem>> -> memref<125xi32, #tpu.memory_space<vmem>>
    %dma_wait3A_37 = arith.constant 0 : i32
    %dma_wait3A_38 = arith.constant 0 : i32
    %dma_wait3A_39 = tpu.memref_slice %arg13[%dma_wait3A_37, %dma_wait3A_38] : memref<5248x128xf32, #tpu.memory_space<vmem_shared>> -> memref<5248x128xf32, #tpu.memory_space<vmem_shared>>
    tpu.wait_indirect_dma semaphore(%arg19 : memref<!tpu.dma_semaphore, #tpu.memory_space<semaphore_mem>>) src(%arg10 : memref<125x128xf32, #tpu.memory_space<vmem>>) dst(%dma_wait3A_39 : memref<5248x128xf32, #tpu.memory_space<vmem_shared>>)
    %dma_wait3A_40 = arith.constant 78 : i32
    %dma_wait3A_41 = arith.constant 0 : i32
    %dma_wait3A_42 = tpu.memref_slice %arg8[%dma_wait3A_40, %dma_wait3A_41] : memref<80x125xi32, #tpu.memory_space<vmem>> -> memref<1x125xi32, #tpu.memory_space<vmem>>
    %dma_wait3A_43 = tpu.memref_squeeze %dma_wait3A_42 : memref<1x125xi32, #tpu.memory_space<vmem>> -> memref<125xi32, #tpu.memory_space<vmem>>
    %dma_wait3A_44 = arith.constant 0 : i32
    %dma_wait3A_45 = arith.constant 0 : i32
    %dma_wait3A_46 = tpu.memref_slice %arg13[%dma_wait3A_44, %dma_wait3A_45] : memref<5248x128xf32, #tpu.memory_space<vmem_shared>> -> memref<5248x128xf32, #tpu.memory_space<vmem_shared>>
    tpu.wait_indirect_dma semaphore(%arg20 : memref<!tpu.dma_semaphore, #tpu.memory_space<semaphore_mem>>) src(%arg11 : memref<125x128xf32, #tpu.memory_space<vmem>>) dst(%dma_wait3A_46 : memref<5248x128xf32, #tpu.memory_space<vmem_shared>>)
    %dma_wait3A_47 = arith.constant 79 : i32
    %dma_wait3A_48 = arith.constant 0 : i32
    %dma_wait3A_49 = tpu.memref_slice %arg8[%dma_wait3A_47, %dma_wait3A_48] : memref<80x125xi32, #tpu.memory_space<vmem>> -> memref<1x125xi32, #tpu.memory_space<vmem>>
    %dma_wait3A_50 = tpu.memref_squeeze %dma_wait3A_49 : memref<1x125xi32, #tpu.memory_space<vmem>> -> memref<125xi32, #tpu.memory_space<vmem>>
    %dma_wait3A_51 = arith.constant 0 : i32
    %dma_wait3A_52 = arith.constant 0 : i32
    %dma_wait3A_53 = tpu.memref_slice %arg13[%dma_wait3A_51, %dma_wait3A_52] : memref<5248x128xf32, #tpu.memory_space<vmem_shared>> -> memref<5248x128xf32, #tpu.memory_space<vmem_shared>>
    tpu.wait_indirect_dma semaphore(%arg21 : memref<!tpu.dma_semaphore, #tpu.memory_space<semaphore_mem>>) src(%arg12 : memref<125x128xf32, #tpu.memory_space<vmem>>) dst(%dma_wait3A_53 : memref<5248x128xf32, #tpu.memory_space<vmem_shared>>)
    "tpu.region"() ({
      %run_scoped3A = tpu.sem_alloc : memref<!tpu.dma_semaphore, #tpu.memory_space<semaphore_mem>>
      %dma_start3A_115 = arith.constant 80 : i32
      %dma_start3A_116 = arith.constant 0 : i32
      %dma_start3A_117 = tpu.memref_slice %arg3[%arg1, %dma_start3A_115, %dma_start3A_116] : memref<16x160x125xi32, #tpu.memory_space<hbm>> -> memref<1x80x125xi32, #tpu.memory_space<hbm>>
      %dma_start3A_118 = tpu.memref_squeeze %dma_start3A_117 : memref<1x80x125xi32, #tpu.memory_space<hbm>> -> memref<80x125xi32, #tpu.memory_space<hbm>>
      %dma_start3A_119 = arith.constant 80 : i32
      %dma_start3A_120 = arith.constant 0 : i32
      %dma_start3A_121 = tpu.memref_slice %arg3[%arg1, %dma_start3A_119, %dma_start3A_120] : memref<16x160x125xi32, #tpu.memory_space<hbm>> -> memref<1x80x125xi32, #tpu.memory_space<hbm>>
      %dma_start3A_122 = tpu.memref_squeeze %dma_start3A_121 : memref<1x80x125xi32, #tpu.memory_space<hbm>> -> memref<80x125xi32, #tpu.memory_space<hbm>>
      tpu.enqueue_dma source(%dma_start3A_122 : memref<80x125xi32, #tpu.memory_space<hbm>>) target(%arg7 : memref<80x125xi32, #tpu.memory_space<vmem>>) target_semaphore(%run_scoped3A : memref<!tpu.dma_semaphore, #tpu.memory_space<semaphore_mem>>)
      %dma_wait3A_123 = arith.constant 80 : i32
      %dma_wait3A_124 = arith.constant 0 : i32
      %dma_wait3A_125 = tpu.memref_slice %arg3[%arg1, %dma_wait3A_123, %dma_wait3A_124] : memref<16x160x125xi32, #tpu.memory_space<hbm>> -> memref<1x80x125xi32, #tpu.memory_space<hbm>>
      %dma_wait3A_126 = tpu.memref_squeeze %dma_wait3A_125 : memref<1x80x125xi32, #tpu.memory_space<hbm>> -> memref<80x125xi32, #tpu.memory_space<hbm>>
      %dma_wait3A_127 = arith.constant 80 : i32
      %dma_wait3A_128 = arith.constant 0 : i32
      %dma_wait3A_129 = tpu.memref_slice %arg3[%arg1, %dma_wait3A_127, %dma_wait3A_128] : memref<16x160x125xi32, #tpu.memory_space<hbm>> -> memref<1x80x125xi32, #tpu.memory_space<hbm>>
      %dma_wait3A_130 = tpu.memref_squeeze %dma_wait3A_129 : memref<1x80x125xi32, #tpu.memory_space<hbm>> -> memref<80x125xi32, #tpu.memory_space<hbm>>
      tpu.wait_dma2 semaphore(%run_scoped3A : memref<!tpu.dma_semaphore, #tpu.memory_space<semaphore_mem>>) src(%dma_wait3A_130 : memref<80x125xi32, #tpu.memory_space<hbm>>) dst(%arg7 : memref<80x125xi32, #tpu.memory_space<vmem>>)
      tpu.yield
    }) : () -> ()
    "tpu.region"() ({
      %run_scoped3A = tpu.sem_alloc : memref<!tpu.dma_semaphore, #tpu.memory_space<semaphore_mem>>
      %dma_start3A_115 = arith.constant 80 : i32
      %dma_start3A_116 = arith.constant 0 : i32
      %dma_start3A_117 = tpu.memref_slice %arg4[%arg0, %arg1, %dma_start3A_115, %dma_start3A_116] : memref<2x16x160x125xi32, #tpu.memory_space<hbm>> -> memref<1x1x80x125xi32, #tpu.memory_space<hbm>>
      %dma_start3A_118 = tpu.memref_squeeze %dma_start3A_117 : memref<1x1x80x125xi32, #tpu.memory_space<hbm>> -> memref<80x125xi32, #tpu.memory_space<hbm>>
      %dma_start3A_119 = arith.constant 80 : i32
      %dma_start3A_120 = arith.constant 0 : i32
      %dma_start3A_121 = tpu.memref_slice %arg4[%arg0, %arg1, %dma_start3A_119, %dma_start3A_120] : memref<2x16x160x125xi32, #tpu.memory_space<hbm>> -> memref<1x1x80x125xi32, #tpu.memory_space<hbm>>
      %dma_start3A_122 = tpu.memref_squeeze %dma_start3A_121 : memref<1x1x80x125xi32, #tpu.memory_space<hbm>> -> memref<80x125xi32, #tpu.memory_space<hbm>>
      tpu.enqueue_dma source(%dma_start3A_122 : memref<80x125xi32, #tpu.memory_space<hbm>>) target(%arg8 : memref<80x125xi32, #tpu.memory_space<vmem>>) target_semaphore(%run_scoped3A : memref<!tpu.dma_semaphore, #tpu.memory_space<semaphore_mem>>)
      %dma_wait3A_123 = arith.constant 80 : i32
      %dma_wait3A_124 = arith.constant 0 : i32
      %dma_wait3A_125 = tpu.memref_slice %arg4[%arg0, %arg1, %dma_wait3A_123, %dma_wait3A_124] : memref<2x16x160x125xi32, #tpu.memory_space<hbm>> -> memref<1x1x80x125xi32, #tpu.memory_space<hbm>>
      %dma_wait3A_126 = tpu.memref_squeeze %dma_wait3A_125 : memref<1x1x80x125xi32, #tpu.memory_space<hbm>> -> memref<80x125xi32, #tpu.memory_space<hbm>>
      %dma_wait3A_127 = arith.constant 80 : i32
      %dma_wait3A_128 = arith.constant 0 : i32
      %dma_wait3A_129 = tpu.memref_slice %arg4[%arg0, %arg1, %dma_wait3A_127, %dma_wait3A_128] : memref<2x16x160x125xi32, #tpu.memory_space<hbm>> -> memref<1x1x80x125xi32, #tpu.memory_space<hbm>>
      %dma_wait3A_130 = tpu.memref_squeeze %dma_wait3A_129 : memref<1x1x80x125xi32, #tpu.memory_space<hbm>> -> memref<80x125xi32, #tpu.memory_space<hbm>>
      tpu.wait_dma2 semaphore(%run_scoped3A : memref<!tpu.dma_semaphore, #tpu.memory_space<semaphore_mem>>) src(%dma_wait3A_130 : memref<80x125xi32, #tpu.memory_space<hbm>>) dst(%arg8 : memref<80x125xi32, #tpu.memory_space<vmem>>)
      tpu.yield
    }) : () -> ()
    %dma_start3A_54 = arith.constant 0 : i32
    %dma_start3A_55 = arith.constant 0 : i32
    %dma_start3A_56 = tpu.memref_slice %arg7[%dma_start3A_54, %dma_start3A_55] : memref<80x125xi32, #tpu.memory_space<vmem>> -> memref<1x125xi32, #tpu.memory_space<vmem>>
    %dma_start3A_57 = tpu.memref_squeeze %dma_start3A_56 : memref<1x125xi32, #tpu.memory_space<vmem>> -> memref<125xi32, #tpu.memory_space<vmem>>
    %dma_start3A_58 = arith.constant 0 : i32
    %dma_start3A_59 = arith.constant 0 : i32
    %dma_start3A_60 = tpu.memref_slice %arg2[%dma_start3A_58, %dma_start3A_59] : memref<30720x128xf32, #tpu.memory_space<hbm>> -> memref<30720x128xf32, #tpu.memory_space<hbm>>
    tpu.enqueue_indirect_dma source(%dma_start3A_60 : memref<30720x128xf32, #tpu.memory_space<hbm>>) target(%arg9 : memref<125x128xf32, #tpu.memory_space<vmem>>) offsets(%dma_start3A_57 : memref<125xi32, #tpu.memory_space<vmem>>) semaphore(%arg14 : memref<!tpu.dma_semaphore, #tpu.memory_space<semaphore_mem>>)
    %dma_start3A_61 = arith.constant 1 : i32
    %dma_start3A_62 = arith.constant 0 : i32
    %dma_start3A_63 = tpu.memref_slice %arg7[%dma_start3A_61, %dma_start3A_62] : memref<80x125xi32, #tpu.memory_space<vmem>> -> memref<1x125xi32, #tpu.memory_space<vmem>>
    %dma_start3A_64 = tpu.memref_squeeze %dma_start3A_63 : memref<1x125xi32, #tpu.memory_space<vmem>> -> memref<125xi32, #tpu.memory_space<vmem>>
    %dma_start3A_65 = arith.constant 0 : i32
    %dma_start3A_66 = arith.constant 0 : i32
    %dma_start3A_67 = tpu.memref_slice %arg2[%dma_start3A_65, %dma_start3A_66] : memref<30720x128xf32, #tpu.memory_space<hbm>> -> memref<30720x128xf32, #tpu.memory_space<hbm>>
    tpu.enqueue_indirect_dma source(%dma_start3A_67 : memref<30720x128xf32, #tpu.memory_space<hbm>>) target(%arg10 : memref<125x128xf32, #tpu.memory_space<vmem>>) offsets(%dma_start3A_64 : memref<125xi32, #tpu.memory_space<vmem>>) semaphore(%arg15 : memref<!tpu.dma_semaphore, #tpu.memory_space<semaphore_mem>>)
    %dma_start3A_68 = arith.constant 2 : i32
    %dma_start3A_69 = arith.constant 0 : i32
    %dma_start3A_70 = tpu.memref_slice %arg7[%dma_start3A_68, %dma_start3A_69] : memref<80x125xi32, #tpu.memory_space<vmem>> -> memref<1x125xi32, #tpu.memory_space<vmem>>
    %dma_start3A_71 = tpu.memref_squeeze %dma_start3A_70 : memref<1x125xi32, #tpu.memory_space<vmem>> -> memref<125xi32, #tpu.memory_space<vmem>>
    %dma_start3A_72 = arith.constant 0 : i32
    %dma_start3A_73 = arith.constant 0 : i32
    %dma_start3A_74 = tpu.memref_slice %arg2[%dma_start3A_72, %dma_start3A_73] : memref<30720x128xf32, #tpu.memory_space<hbm>> -> memref<30720x128xf32, #tpu.memory_space<hbm>>
    tpu.enqueue_indirect_dma source(%dma_start3A_74 : memref<30720x128xf32, #tpu.memory_space<hbm>>) target(%arg11 : memref<125x128xf32, #tpu.memory_space<vmem>>) offsets(%dma_start3A_71 : memref<125xi32, #tpu.memory_space<vmem>>) semaphore(%arg16 : memref<!tpu.dma_semaphore, #tpu.memory_space<semaphore_mem>>)
    %scan3A_75 = arith.constant 0 : i32
    %scan3A_76 = arith.constant 0 : i32
    %scan3A_77 = arith.constant 20 : i32
    %scan3A_78 = arith.addi %scan3A_76, %scan3A_77 : i32
    %scan3A_79 = arith.constant 1 : i32
    %scan3A_80 = scf.for %scan3A_115 = %scan3A_76 to %scan3A_78 step %scan3A_79 iter_args(%scan3A_116 = %scan3A_75) -> (i32)  : i32 {
      %mul3A_117 = arith.constant 4 : i32
      %mul3A_118 = arith.muli %mul3A_117, %scan3A_115 : i32
      %add3A = arith.constant 0 : i32
      %add3A_119 = arith.addi %mul3A_118, %add3A : i32
      %dma_wait3A_120 = arith.constant 0 : i32
      %dma_wait3A_121 = tpu.memref_slice %arg7[%add3A_119, %dma_wait3A_120] : memref<80x125xi32, #tpu.memory_space<vmem>> -> memref<1x125xi32, #tpu.memory_space<vmem>>
      %dma_wait3A_122 = tpu.memref_squeeze %dma_wait3A_121 : memref<1x125xi32, #tpu.memory_space<vmem>> -> memref<125xi32, #tpu.memory_space<vmem>>
      %dma_wait3A_123 = arith.constant 0 : i32
      %dma_wait3A_124 = arith.constant 0 : i32
      %dma_wait3A_125 = tpu.memref_slice %arg2[%dma_wait3A_123, %dma_wait3A_124] : memref<30720x128xf32, #tpu.memory_space<hbm>> -> memref<30720x128xf32, #tpu.memory_space<hbm>>
      tpu.wait_indirect_dma semaphore(%arg14 : memref<!tpu.dma_semaphore, #tpu.memory_space<semaphore_mem>>) src(%dma_wait3A_125 : memref<30720x128xf32, #tpu.memory_space<hbm>>) dst(%arg9 : memref<125x128xf32, #tpu.memory_space<vmem>>)
      %dma_start3A_126 = arith.constant 0 : i32
      %dma_start3A_127 = tpu.memref_slice %arg8[%add3A_119, %dma_start3A_126] : memref<80x125xi32, #tpu.memory_space<vmem>> -> memref<1x125xi32, #tpu.memory_space<vmem>>
      %dma_start3A_128 = tpu.memref_squeeze %dma_start3A_127 : memref<1x125xi32, #tpu.memory_space<vmem>> -> memref<125xi32, #tpu.memory_space<vmem>>
      %dma_start3A_129 = arith.constant 0 : i32
      %dma_start3A_130 = arith.constant 0 : i32
      %dma_start3A_131 = tpu.memref_slice %arg13[%dma_start3A_129, %dma_start3A_130] : memref<5248x128xf32, #tpu.memory_space<vmem_shared>> -> memref<5248x128xf32, #tpu.memory_space<vmem_shared>>
      tpu.enqueue_indirect_dma source(%arg9 : memref<125x128xf32, #tpu.memory_space<vmem>>) target(%dma_start3A_131 : memref<5248x128xf32, #tpu.memory_space<vmem_shared>>) offsets(%dma_start3A_128 : memref<125xi32, #tpu.memory_space<vmem>>) semaphore(%arg18 : memref<!tpu.dma_semaphore, #tpu.memory_space<semaphore_mem>>) {add = true}
      %add3A_132 = arith.constant 4 : i32
      %add3A_133 = arith.addi %add3A_119, %add3A_132 : i32
      %sub3A = arith.constant 1 : i32
      %sub3A_134 = arith.subi %add3A_133, %sub3A : i32
      %lt3A = arith.constant 80 : i32
      %lt3A_135 = arith.cmpi slt, %sub3A_134, %lt3A : i32
      %convert_element_type3A = arith.extui %lt3A_135 : i1 to i32
      %cond3A = arith.constant 0 : i32
      %cond3A_136 = arith.cmpi ne, %convert_element_type3A, %cond3A : i32
      scf.if %cond3A_136 {
        %ge3A = arith.constant 1 : i32
        %ge3A_213 = arith.cmpi sge, %add3A_119, %ge3A : i32
        %convert_element_type3A_214 = arith.extui %ge3A_213 : i1 to i32
        %cond3A_215 = arith.constant 0 : i32
        %cond3A_216 = arith.cmpi ne, %convert_element_type3A_214, %cond3A_215 : i32
        scf.if %cond3A_216 {
          %sub3A_227 = arith.constant 1 : i32
          %sub3A_228 = arith.subi %add3A_119, %sub3A_227 : i32
          %dma_wait3A_229 = arith.constant 0 : i32
          %dma_wait3A_230 = tpu.memref_slice %arg8[%sub3A_228, %dma_wait3A_229] : memref<80x125xi32, #tpu.memory_space<vmem>> -> memref<1x125xi32, #tpu.memory_space<vmem>>
          %dma_wait3A_231 = tpu.memref_squeeze %dma_wait3A_230 : memref<1x125xi32, #tpu.memory_space<vmem>> -> memref<125xi32, #tpu.memory_space<vmem>>
          %dma_wait3A_232 = arith.constant 0 : i32
          %dma_wait3A_233 = arith.constant 0 : i32
          %dma_wait3A_234 = tpu.memref_slice %arg13[%dma_wait3A_232, %dma_wait3A_233] : memref<5248x128xf32, #tpu.memory_space<vmem_shared>> -> memref<5248x128xf32, #tpu.memory_space<vmem_shared>>
          tpu.wait_indirect_dma semaphore(%arg21 : memref<!tpu.dma_semaphore, #tpu.memory_space<semaphore_mem>>) src(%arg12 : memref<125x128xf32, #tpu.memory_space<vmem>>) dst(%dma_wait3A_234 : memref<5248x128xf32, #tpu.memory_space<vmem_shared>>)
        } else {
        }
        %add3A_217 = arith.constant 4 : i32
        %add3A_218 = arith.addi %add3A_119, %add3A_217 : i32
        %sub3A_219 = arith.constant 1 : i32
        %sub3A_220 = arith.subi %add3A_218, %sub3A_219 : i32
        %dma_start3A_221 = arith.constant 0 : i32
        %dma_start3A_222 = tpu.memref_slice %arg7[%sub3A_220, %dma_start3A_221] : memref<80x125xi32, #tpu.memory_space<vmem>> -> memref<1x125xi32, #tpu.memory_space<vmem>>
        %dma_start3A_223 = tpu.memref_squeeze %dma_start3A_222 : memref<1x125xi32, #tpu.memory_space<vmem>> -> memref<125xi32, #tpu.memory_space<vmem>>
        %dma_start3A_224 = arith.constant 0 : i32
        %dma_start3A_225 = arith.constant 0 : i32
        %dma_start3A_226 = tpu.memref_slice %arg2[%dma_start3A_224, %dma_start3A_225] : memref<30720x128xf32, #tpu.memory_space<hbm>> -> memref<30720x128xf32, #tpu.memory_space<hbm>>
        tpu.enqueue_indirect_dma source(%dma_start3A_226 : memref<30720x128xf32, #tpu.memory_space<hbm>>) target(%arg12 : memref<125x128xf32, #tpu.memory_space<vmem>>) offsets(%dma_start3A_223 : memref<125xi32, #tpu.memory_space<vmem>>) semaphore(%arg17 : memref<!tpu.dma_semaphore, #tpu.memory_space<semaphore_mem>>)
      } else {
      }
      %mul3A_137 = arith.constant 4 : i32
      %mul3A_138 = arith.muli %mul3A_137, %scan3A_115 : i32
      %add3A_139 = arith.constant 1 : i32
      %add3A_140 = arith.addi %mul3A_138, %add3A_139 : i32
      %dma_wait3A_141 = arith.constant 0 : i32
      %dma_wait3A_142 = tpu.memref_slice %arg7[%add3A_140, %dma_wait3A_141] : memref<80x125xi32, #tpu.memory_space<vmem>> -> memref<1x125xi32, #tpu.memory_space<vmem>>
      %dma_wait3A_143 = tpu.memref_squeeze %dma_wait3A_142 : memref<1x125xi32, #tpu.memory_space<vmem>> -> memref<125xi32, #tpu.memory_space<vmem>>
      %dma_wait3A_144 = arith.constant 0 : i32
      %dma_wait3A_145 = arith.constant 0 : i32
      %dma_wait3A_146 = tpu.memref_slice %arg2[%dma_wait3A_144, %dma_wait3A_145] : memref<30720x128xf32, #tpu.memory_space<hbm>> -> memref<30720x128xf32, #tpu.memory_space<hbm>>
      tpu.wait_indirect_dma semaphore(%arg15 : memref<!tpu.dma_semaphore, #tpu.memory_space<semaphore_mem>>) src(%dma_wait3A_146 : memref<30720x128xf32, #tpu.memory_space<hbm>>) dst(%arg10 : memref<125x128xf32, #tpu.memory_space<vmem>>)
      %dma_start3A_147 = arith.constant 0 : i32
      %dma_start3A_148 = tpu.memref_slice %arg8[%add3A_140, %dma_start3A_147] : memref<80x125xi32, #tpu.memory_space<vmem>> -> memref<1x125xi32, #tpu.memory_space<vmem>>
      %dma_start3A_149 = tpu.memref_squeeze %dma_start3A_148 : memref<1x125xi32, #tpu.memory_space<vmem>> -> memref<125xi32, #tpu.memory_space<vmem>>
      %dma_start3A_150 = arith.constant 0 : i32
      %dma_start3A_151 = arith.constant 0 : i32
      %dma_start3A_152 = tpu.memref_slice %arg13[%dma_start3A_150, %dma_start3A_151] : memref<5248x128xf32, #tpu.memory_space<vmem_shared>> -> memref<5248x128xf32, #tpu.memory_space<vmem_shared>>
      tpu.enqueue_indirect_dma source(%arg10 : memref<125x128xf32, #tpu.memory_space<vmem>>) target(%dma_start3A_152 : memref<5248x128xf32, #tpu.memory_space<vmem_shared>>) offsets(%dma_start3A_149 : memref<125xi32, #tpu.memory_space<vmem>>) semaphore(%arg19 : memref<!tpu.dma_semaphore, #tpu.memory_space<semaphore_mem>>) {add = true}
      %add3A_153 = arith.constant 4 : i32
      %add3A_154 = arith.addi %add3A_140, %add3A_153 : i32
      %sub3A_155 = arith.constant 1 : i32
      %sub3A_156 = arith.subi %add3A_154, %sub3A_155 : i32
      %lt3A_157 = arith.constant 80 : i32
      %lt3A_158 = arith.cmpi slt, %sub3A_156, %lt3A_157 : i32
      %convert_element_type3A_159 = arith.extui %lt3A_158 : i1 to i32
      %cond3A_160 = arith.constant 0 : i32
      %cond3A_161 = arith.cmpi ne, %convert_element_type3A_159, %cond3A_160 : i32
      scf.if %cond3A_161 {
        %ge3A = arith.constant 1 : i32
        %ge3A_213 = arith.cmpi sge, %add3A_140, %ge3A : i32
        %convert_element_type3A_214 = arith.extui %ge3A_213 : i1 to i32
        %cond3A_215 = arith.constant 0 : i32
        %cond3A_216 = arith.cmpi ne, %convert_element_type3A_214, %cond3A_215 : i32
        scf.if %cond3A_216 {
          %sub3A_227 = arith.constant 1 : i32
          %sub3A_228 = arith.subi %add3A_140, %sub3A_227 : i32
          %dma_wait3A_229 = arith.constant 0 : i32
          %dma_wait3A_230 = tpu.memref_slice %arg8[%sub3A_228, %dma_wait3A_229] : memref<80x125xi32, #tpu.memory_space<vmem>> -> memref<1x125xi32, #tpu.memory_space<vmem>>
          %dma_wait3A_231 = tpu.memref_squeeze %dma_wait3A_230 : memref<1x125xi32, #tpu.memory_space<vmem>> -> memref<125xi32, #tpu.memory_space<vmem>>
          %dma_wait3A_232 = arith.constant 0 : i32
          %dma_wait3A_233 = arith.constant 0 : i32
          %dma_wait3A_234 = tpu.memref_slice %arg13[%dma_wait3A_232, %dma_wait3A_233] : memref<5248x128xf32, #tpu.memory_space<vmem_shared>> -> memref<5248x128xf32, #tpu.memory_space<vmem_shared>>
          tpu.wait_indirect_dma semaphore(%arg18 : memref<!tpu.dma_semaphore, #tpu.memory_space<semaphore_mem>>) src(%arg9 : memref<125x128xf32, #tpu.memory_space<vmem>>) dst(%dma_wait3A_234 : memref<5248x128xf32, #tpu.memory_space<vmem_shared>>)
        } else {
        }
        %add3A_217 = arith.constant 4 : i32
        %add3A_218 = arith.addi %add3A_140, %add3A_217 : i32
        %sub3A_219 = arith.constant 1 : i32
        %sub3A_220 = arith.subi %add3A_218, %sub3A_219 : i32
        %dma_start3A_221 = arith.constant 0 : i32
        %dma_start3A_222 = tpu.memref_slice %arg7[%sub3A_220, %dma_start3A_221] : memref<80x125xi32, #tpu.memory_space<vmem>> -> memref<1x125xi32, #tpu.memory_space<vmem>>
        %dma_start3A_223 = tpu.memref_squeeze %dma_start3A_222 : memref<1x125xi32, #tpu.memory_space<vmem>> -> memref<125xi32, #tpu.memory_space<vmem>>
        %dma_start3A_224 = arith.constant 0 : i32
        %dma_start3A_225 = arith.constant 0 : i32
        %dma_start3A_226 = tpu.memref_slice %arg2[%dma_start3A_224, %dma_start3A_225] : memref<30720x128xf32, #tpu.memory_space<hbm>> -> memref<30720x128xf32, #tpu.memory_space<hbm>>
        tpu.enqueue_indirect_dma source(%dma_start3A_226 : memref<30720x128xf32, #tpu.memory_space<hbm>>) target(%arg9 : memref<125x128xf32, #tpu.memory_space<vmem>>) offsets(%dma_start3A_223 : memref<125xi32, #tpu.memory_space<vmem>>) semaphore(%arg14 : memref<!tpu.dma_semaphore, #tpu.memory_space<semaphore_mem>>)
      } else {
      }
      %mul3A_162 = arith.constant 4 : i32
      %mul3A_163 = arith.muli %mul3A_162, %scan3A_115 : i32
      %add3A_164 = arith.constant 2 : i32
      %add3A_165 = arith.addi %mul3A_163, %add3A_164 : i32
      %dma_wait3A_166 = arith.constant 0 : i32
      %dma_wait3A_167 = tpu.memref_slice %arg7[%add3A_165, %dma_wait3A_166] : memref<80x125xi32, #tpu.memory_space<vmem>> -> memref<1x125xi32, #tpu.memory_space<vmem>>
      %dma_wait3A_168 = tpu.memref_squeeze %dma_wait3A_167 : memref<1x125xi32, #tpu.memory_space<vmem>> -> memref<125xi32, #tpu.memory_space<vmem>>
      %dma_wait3A_169 = arith.constant 0 : i32
      %dma_wait3A_170 = arith.constant 0 : i32
      %dma_wait3A_171 = tpu.memref_slice %arg2[%dma_wait3A_169, %dma_wait3A_170] : memref<30720x128xf32, #tpu.memory_space<hbm>> -> memref<30720x128xf32, #tpu.memory_space<hbm>>
      tpu.wait_indirect_dma semaphore(%arg16 : memref<!tpu.dma_semaphore, #tpu.memory_space<semaphore_mem>>) src(%dma_wait3A_171 : memref<30720x128xf32, #tpu.memory_space<hbm>>) dst(%arg11 : memref<125x128xf32, #tpu.memory_space<vmem>>)
      %dma_start3A_172 = arith.constant 0 : i32
      %dma_start3A_173 = tpu.memref_slice %arg8[%add3A_165, %dma_start3A_172] : memref<80x125xi32, #tpu.memory_space<vmem>> -> memref<1x125xi32, #tpu.memory_space<vmem>>
      %dma_start3A_174 = tpu.memref_squeeze %dma_start3A_173 : memref<1x125xi32, #tpu.memory_space<vmem>> -> memref<125xi32, #tpu.memory_space<vmem>>
      %dma_start3A_175 = arith.constant 0 : i32
      %dma_start3A_176 = arith.constant 0 : i32
      %dma_start3A_177 = tpu.memref_slice %arg13[%dma_start3A_175, %dma_start3A_176] : memref<5248x128xf32, #tpu.memory_space<vmem_shared>> -> memref<5248x128xf32, #tpu.memory_space<vmem_shared>>
      tpu.enqueue_indirect_dma source(%arg11 : memref<125x128xf32, #tpu.memory_space<vmem>>) target(%dma_start3A_177 : memref<5248x128xf32, #tpu.memory_space<vmem_shared>>) offsets(%dma_start3A_174 : memref<125xi32, #tpu.memory_space<vmem>>) semaphore(%arg20 : memref<!tpu.dma_semaphore, #tpu.memory_space<semaphore_mem>>) {add = true}
      %add3A_178 = arith.constant 4 : i32
      %add3A_179 = arith.addi %add3A_165, %add3A_178 : i32
      %sub3A_180 = arith.constant 1 : i32
      %sub3A_181 = arith.subi %add3A_179, %sub3A_180 : i32
      %lt3A_182 = arith.constant 80 : i32
      %lt3A_183 = arith.cmpi slt, %sub3A_181, %lt3A_182 : i32
      %convert_element_type3A_184 = arith.extui %lt3A_183 : i1 to i32
      %cond3A_185 = arith.constant 0 : i32
      %cond3A_186 = arith.cmpi ne, %convert_element_type3A_184, %cond3A_185 : i32
      scf.if %cond3A_186 {
        %ge3A = arith.constant 1 : i32
        %ge3A_213 = arith.cmpi sge, %add3A_165, %ge3A : i32
        %convert_element_type3A_214 = arith.extui %ge3A_213 : i1 to i32
        %cond3A_215 = arith.constant 0 : i32
        %cond3A_216 = arith.cmpi ne, %convert_element_type3A_214, %cond3A_215 : i32
        scf.if %cond3A_216 {
          %sub3A_227 = arith.constant 1 : i32
          %sub3A_228 = arith.subi %add3A_165, %sub3A_227 : i32
          %dma_wait3A_229 = arith.constant 0 : i32
          %dma_wait3A_230 = tpu.memref_slice %arg8[%sub3A_228, %dma_wait3A_229] : memref<80x125xi32, #tpu.memory_space<vmem>> -> memref<1x125xi32, #tpu.memory_space<vmem>>
          %dma_wait3A_231 = tpu.memref_squeeze %dma_wait3A_230 : memref<1x125xi32, #tpu.memory_space<vmem>> -> memref<125xi32, #tpu.memory_space<vmem>>
          %dma_wait3A_232 = arith.constant 0 : i32
          %dma_wait3A_233 = arith.constant 0 : i32
          %dma_wait3A_234 = tpu.memref_slice %arg13[%dma_wait3A_232, %dma_wait3A_233] : memref<5248x128xf32, #tpu.memory_space<vmem_shared>> -> memref<5248x128xf32, #tpu.memory_space<vmem_shared>>
          tpu.wait_indirect_dma semaphore(%arg19 : memref<!tpu.dma_semaphore, #tpu.memory_space<semaphore_mem>>) src(%arg10 : memref<125x128xf32, #tpu.memory_space<vmem>>) dst(%dma_wait3A_234 : memref<5248x128xf32, #tpu.memory_space<vmem_shared>>)
        } else {
        }
        %add3A_217 = arith.constant 4 : i32
        %add3A_218 = arith.addi %add3A_165, %add3A_217 : i32
        %sub3A_219 = arith.constant 1 : i32
        %sub3A_220 = arith.subi %add3A_218, %sub3A_219 : i32
        %dma_start3A_221 = arith.constant 0 : i32
        %dma_start3A_222 = tpu.memref_slice %arg7[%sub3A_220, %dma_start3A_221] : memref<80x125xi32, #tpu.memory_space<vmem>> -> memref<1x125xi32, #tpu.memory_space<vmem>>
        %dma_start3A_223 = tpu.memref_squeeze %dma_start3A_222 : memref<1x125xi32, #tpu.memory_space<vmem>> -> memref<125xi32, #tpu.memory_space<vmem>>
        %dma_start3A_224 = arith.constant 0 : i32
        %dma_start3A_225 = arith.constant 0 : i32
        %dma_start3A_226 = tpu.memref_slice %arg2[%dma_start3A_224, %dma_start3A_225] : memref<30720x128xf32, #tpu.memory_space<hbm>> -> memref<30720x128xf32, #tpu.memory_space<hbm>>
        tpu.enqueue_indirect_dma source(%dma_start3A_226 : memref<30720x128xf32, #tpu.memory_space<hbm>>) target(%arg10 : memref<125x128xf32, #tpu.memory_space<vmem>>) offsets(%dma_start3A_223 : memref<125xi32, #tpu.memory_space<vmem>>) semaphore(%arg15 : memref<!tpu.dma_semaphore, #tpu.memory_space<semaphore_mem>>)
      } else {
      }
      %mul3A_187 = arith.constant 4 : i32
      %mul3A_188 = arith.muli %mul3A_187, %scan3A_115 : i32
      %add3A_189 = arith.constant 3 : i32
      %add3A_190 = arith.addi %mul3A_188, %add3A_189 : i32
      %dma_wait3A_191 = arith.constant 0 : i32
      %dma_wait3A_192 = tpu.memref_slice %arg7[%add3A_190, %dma_wait3A_191] : memref<80x125xi32, #tpu.memory_space<vmem>> -> memref<1x125xi32, #tpu.memory_space<vmem>>
      %dma_wait3A_193 = tpu.memref_squeeze %dma_wait3A_192 : memref<1x125xi32, #tpu.memory_space<vmem>> -> memref<125xi32, #tpu.memory_space<vmem>>
      %dma_wait3A_194 = arith.constant 0 : i32
      %dma_wait3A_195 = arith.constant 0 : i32
      %dma_wait3A_196 = tpu.memref_slice %arg2[%dma_wait3A_194, %dma_wait3A_195] : memref<30720x128xf32, #tpu.memory_space<hbm>> -> memref<30720x128xf32, #tpu.memory_space<hbm>>
      tpu.wait_indirect_dma semaphore(%arg17 : memref<!tpu.dma_semaphore, #tpu.memory_space<semaphore_mem>>) src(%dma_wait3A_196 : memref<30720x128xf32, #tpu.memory_space<hbm>>) dst(%arg12 : memref<125x128xf32, #tpu.memory_space<vmem>>)
      %dma_start3A_197 = arith.constant 0 : i32
      %dma_start3A_198 = tpu.memref_slice %arg8[%add3A_190, %dma_start3A_197] : memref<80x125xi32, #tpu.memory_space<vmem>> -> memref<1x125xi32, #tpu.memory_space<vmem>>
      %dma_start3A_199 = tpu.memref_squeeze %dma_start3A_198 : memref<1x125xi32, #tpu.memory_space<vmem>> -> memref<125xi32, #tpu.memory_space<vmem>>
      %dma_start3A_200 = arith.constant 0 : i32
      %dma_start3A_201 = arith.constant 0 : i32
      %dma_start3A_202 = tpu.memref_slice %arg13[%dma_start3A_200, %dma_start3A_201] : memref<5248x128xf32, #tpu.memory_space<vmem_shared>> -> memref<5248x128xf32, #tpu.memory_space<vmem_shared>>
      tpu.enqueue_indirect_dma source(%arg12 : memref<125x128xf32, #tpu.memory_space<vmem>>) target(%dma_start3A_202 : memref<5248x128xf32, #tpu.memory_space<vmem_shared>>) offsets(%dma_start3A_199 : memref<125xi32, #tpu.memory_space<vmem>>) semaphore(%arg21 : memref<!tpu.dma_semaphore, #tpu.memory_space<semaphore_mem>>) {add = true}
      %add3A_203 = arith.constant 4 : i32
      %add3A_204 = arith.addi %add3A_190, %add3A_203 : i32
      %sub3A_205 = arith.constant 1 : i32
      %sub3A_206 = arith.subi %add3A_204, %sub3A_205 : i32
      %lt3A_207 = arith.constant 80 : i32
      %lt3A_208 = arith.cmpi slt, %sub3A_206, %lt3A_207 : i32
      %convert_element_type3A_209 = arith.extui %lt3A_208 : i1 to i32
      %cond3A_210 = arith.constant 0 : i32
      %cond3A_211 = arith.cmpi ne, %convert_element_type3A_209, %cond3A_210 : i32
      scf.if %cond3A_211 {
        %ge3A = arith.constant 1 : i32
        %ge3A_213 = arith.cmpi sge, %add3A_190, %ge3A : i32
        %convert_element_type3A_214 = arith.extui %ge3A_213 : i1 to i32
        %cond3A_215 = arith.constant 0 : i32
        %cond3A_216 = arith.cmpi ne, %convert_element_type3A_214, %cond3A_215 : i32
        scf.if %cond3A_216 {
          %sub3A_227 = arith.constant 1 : i32
          %sub3A_228 = arith.subi %add3A_190, %sub3A_227 : i32
          %dma_wait3A_229 = arith.constant 0 : i32
          %dma_wait3A_230 = tpu.memref_slice %arg8[%sub3A_228, %dma_wait3A_229] : memref<80x125xi32, #tpu.memory_space<vmem>> -> memref<1x125xi32, #tpu.memory_space<vmem>>
          %dma_wait3A_231 = tpu.memref_squeeze %dma_wait3A_230 : memref<1x125xi32, #tpu.memory_space<vmem>> -> memref<125xi32, #tpu.memory_space<vmem>>
          %dma_wait3A_232 = arith.constant 0 : i32
          %dma_wait3A_233 = arith.constant 0 : i32
          %dma_wait3A_234 = tpu.memref_slice %arg13[%dma_wait3A_232, %dma_wait3A_233] : memref<5248x128xf32, #tpu.memory_space<vmem_shared>> -> memref<5248x128xf32, #tpu.memory_space<vmem_shared>>
          tpu.wait_indirect_dma semaphore(%arg20 : memref<!tpu.dma_semaphore, #tpu.memory_space<semaphore_mem>>) src(%arg11 : memref<125x128xf32, #tpu.memory_space<vmem>>) dst(%dma_wait3A_234 : memref<5248x128xf32, #tpu.memory_space<vmem_shared>>)
        } else {
        }
        %add3A_217 = arith.constant 4 : i32
        %add3A_218 = arith.addi %add3A_190, %add3A_217 : i32
        %sub3A_219 = arith.constant 1 : i32
        %sub3A_220 = arith.subi %add3A_218, %sub3A_219 : i32
        %dma_start3A_221 = arith.constant 0 : i32
        %dma_start3A_222 = tpu.memref_slice %arg7[%sub3A_220, %dma_start3A_221] : memref<80x125xi32, #tpu.memory_space<vmem>> -> memref<1x125xi32, #tpu.memory_space<vmem>>
        %dma_start3A_223 = tpu.memref_squeeze %dma_start3A_222 : memref<1x125xi32, #tpu.memory_space<vmem>> -> memref<125xi32, #tpu.memory_space<vmem>>
        %dma_start3A_224 = arith.constant 0 : i32
        %dma_start3A_225 = arith.constant 0 : i32
        %dma_start3A_226 = tpu.memref_slice %arg2[%dma_start3A_224, %dma_start3A_225] : memref<30720x128xf32, #tpu.memory_space<hbm>> -> memref<30720x128xf32, #tpu.memory_space<hbm>>
        tpu.enqueue_indirect_dma source(%dma_start3A_226 : memref<30720x128xf32, #tpu.memory_space<hbm>>) target(%arg11 : memref<125x128xf32, #tpu.memory_space<vmem>>) offsets(%dma_start3A_223 : memref<125xi32, #tpu.memory_space<vmem>>) semaphore(%arg16 : memref<!tpu.dma_semaphore, #tpu.memory_space<semaphore_mem>>)
      } else {
      }
      %scan3A_212 = arith.constant 0 : i32
      scf.yield %scan3A_212 : i32
    }
    %scan3A_81 = arith.constant 20 : i32
    %dma_wait3A_82 = arith.constant 76 : i32
    %dma_wait3A_83 = arith.constant 0 : i32
    %dma_wait3A_84 = tpu.memref_slice %arg8[%dma_wait3A_82, %dma_wait3A_83] : memref<80x125xi32, #tpu.memory_space<vmem>> -> memref<1x125xi32, #tpu.memory_space<vmem>>
    %dma_wait3A_85 = tpu.memref_squeeze %dma_wait3A_84 : memref<1x125xi32, #tpu.memory_space<vmem>> -> memref<125xi32, #tpu.memory_space<vmem>>
    %dma_wait3A_86 = arith.constant 0 : i32
    %dma_wait3A_87 = arith.constant 0 : i32
    %dma_wait3A_88 = tpu.memref_slice %arg13[%dma_wait3A_86, %dma_wait3A_87] : memref<5248x128xf32, #tpu.memory_space<vmem_shared>> -> memref<5248x128xf32, #tpu.memory_space<vmem_shared>>
    tpu.wait_indirect_dma semaphore(%arg18 : memref<!tpu.dma_semaphore, #tpu.memory_space<semaphore_mem>>) src(%arg9 : memref<125x128xf32, #tpu.memory_space<vmem>>) dst(%dma_wait3A_88 : memref<5248x128xf32, #tpu.memory_space<vmem_shared>>)
    %dma_wait3A_89 = arith.constant 77 : i32
    %dma_wait3A_90 = arith.constant 0 : i32
    %dma_wait3A_91 = tpu.memref_slice %arg8[%dma_wait3A_89, %dma_wait3A_90] : memref<80x125xi32, #tpu.memory_space<vmem>> -> memref<1x125xi32, #tpu.memory_space<vmem>>
    %dma_wait3A_92 = tpu.memref_squeeze %dma_wait3A_91 : memref<1x125xi32, #tpu.memory_space<vmem>> -> memref<125xi32, #tpu.memory_space<vmem>>
    %dma_wait3A_93 = arith.constant 0 : i32
    %dma_wait3A_94 = arith.constant 0 : i32
    %dma_wait3A_95 = tpu.memref_slice %arg13[%dma_wait3A_93, %dma_wait3A_94] : memref<5248x128xf32, #tpu.memory_space<vmem_shared>> -> memref<5248x128xf32, #tpu.memory_space<vmem_shared>>
    tpu.wait_indirect_dma semaphore(%arg19 : memref<!tpu.dma_semaphore, #tpu.memory_space<semaphore_mem>>) src(%arg10 : memref<125x128xf32, #tpu.memory_space<vmem>>) dst(%dma_wait3A_95 : memref<5248x128xf32, #tpu.memory_space<vmem_shared>>)
    %dma_wait3A_96 = arith.constant 78 : i32
    %dma_wait3A_97 = arith.constant 0 : i32
    %dma_wait3A_98 = tpu.memref_slice %arg8[%dma_wait3A_96, %dma_wait3A_97] : memref<80x125xi32, #tpu.memory_space<vmem>> -> memref<1x125xi32, #tpu.memory_space<vmem>>
    %dma_wait3A_99 = tpu.memref_squeeze %dma_wait3A_98 : memref<1x125xi32, #tpu.memory_space<vmem>> -> memref<125xi32, #tpu.memory_space<vmem>>
    %dma_wait3A_100 = arith.constant 0 : i32
    %dma_wait3A_101 = arith.constant 0 : i32
    %dma_wait3A_102 = tpu.memref_slice %arg13[%dma_wait3A_100, %dma_wait3A_101] : memref<5248x128xf32, #tpu.memory_space<vmem_shared>> -> memref<5248x128xf32, #tpu.memory_space<vmem_shared>>
    tpu.wait_indirect_dma semaphore(%arg20 : memref<!tpu.dma_semaphore, #tpu.memory_space<semaphore_mem>>) src(%arg11 : memref<125x128xf32, #tpu.memory_space<vmem>>) dst(%dma_wait3A_102 : memref<5248x128xf32, #tpu.memory_space<vmem_shared>>)
    %dma_wait3A_103 = arith.constant 79 : i32
    %dma_wait3A_104 = arith.constant 0 : i32
    %dma_wait3A_105 = tpu.memref_slice %arg8[%dma_wait3A_103, %dma_wait3A_104] : memref<80x125xi32, #tpu.memory_space<vmem>> -> memref<1x125xi32, #tpu.memory_space<vmem>>
    %dma_wait3A_106 = tpu.memref_squeeze %dma_wait3A_105 : memref<1x125xi32, #tpu.memory_space<vmem>> -> memref<125xi32, #tpu.memory_space<vmem>>
    %dma_wait3A_107 = arith.constant 0 : i32
    %dma_wait3A_108 = arith.constant 0 : i32
    %dma_wait3A_109 = tpu.memref_slice %arg13[%dma_wait3A_107, %dma_wait3A_108] : memref<5248x128xf32, #tpu.memory_space<vmem_shared>> -> memref<5248x128xf32, #tpu.memory_space<vmem_shared>>
    tpu.wait_indirect_dma semaphore(%arg21 : memref<!tpu.dma_semaphore, #tpu.memory_space<semaphore_mem>>) src(%arg12 : memref<125x128xf32, #tpu.memory_space<vmem>>) dst(%dma_wait3A_109 : memref<5248x128xf32, #tpu.memory_space<vmem_shared>>)
    %barrier3A_110 = arith.constant 0 : index
    tpu.barrier barrier_id(%barrier3A_110)
    %mul3A_111 = arith.constant 320 : i32
    %mul3A_112 = arith.muli %arg1, %mul3A_111 : i32
    %mul3A_113 = arith.constant 320 : i32
    %mul3A_114 = arith.muli %arg1, %mul3A_113 : i32
    "tpu.region"() ({
      %run_scoped3A = tpu.sem_alloc : memref<!tpu.dma_semaphore, #tpu.memory_space<semaphore_mem>>
      %dma_start3A_115 = arith.constant 0 : i32
      %dma_start3A_116 = tpu.memref_slice %arg6[%arg0, %mul3A_114, %dma_start3A_115] : memref<2x5120x128xf32, #tpu.memory_space<hbm>> -> memref<1x320x128xf32, #tpu.memory_space<hbm>>
      %dma_start3A_117 = tpu.memref_squeeze %dma_start3A_116 : memref<1x320x128xf32, #tpu.memory_space<hbm>> -> memref<320x128xf32, #tpu.memory_space<hbm>>
      %dma_start3A_118 = arith.constant 0 : i32
      %dma_start3A_119 = tpu.memref_slice %arg13[%mul3A_112, %dma_start3A_118] : memref<5248x128xf32, #tpu.memory_space<vmem_shared>> -> memref<320x128xf32, #tpu.memory_space<vmem_shared>>
      tpu.enqueue_dma source(%dma_start3A_119 : memref<320x128xf32, #tpu.memory_space<vmem_shared>>) target(%dma_start3A_117 : memref<320x128xf32, #tpu.memory_space<hbm>>) target_semaphore(%run_scoped3A : memref<!tpu.dma_semaphore, #tpu.memory_space<semaphore_mem>>)
      %dma_wait3A_120 = arith.constant 0 : i32
      %dma_wait3A_121 = tpu.memref_slice %arg6[%arg0, %mul3A_114, %dma_wait3A_120] : memref<2x5120x128xf32, #tpu.memory_space<hbm>> -> memref<1x320x128xf32, #tpu.memory_space<hbm>>
      %dma_wait3A_122 = tpu.memref_squeeze %dma_wait3A_121 : memref<1x320x128xf32, #tpu.memory_space<hbm>> -> memref<320x128xf32, #tpu.memory_space<hbm>>
      %dma_wait3A_123 = arith.constant 0 : i32
      %dma_wait3A_124 = tpu.memref_slice %arg13[%mul3A_112, %dma_wait3A_123] : memref<5248x128xf32, #tpu.memory_space<vmem_shared>> -> memref<320x128xf32, #tpu.memory_space<vmem_shared>>
      tpu.wait_dma2 semaphore(%run_scoped3A : memref<!tpu.dma_semaphore, #tpu.memory_space<semaphore_mem>>) src(%dma_wait3A_124 : memref<320x128xf32, #tpu.memory_space<vmem_shared>>) dst(%dma_wait3A_122 : memref<320x128xf32, #tpu.memory_space<hbm>>)
      tpu.yield
    }) : () -> ()
    return
  }
}

module attributes {stable_mosaic.version = 14 : i64} {
  func.func @_prep_body(%arg0: i32, %arg1: i32, %arg2: memref<1024x128xf32, #tpu.memory_space<vmem>>, %arg3: memref<2x1x128x128xf32, #tpu.memory_space<vmem>>, %arg4: memref<1x1024x128xf32, #tpu.memory_space<vmem>>, %arg5: memref<1x1024x128xf32, #tpu.memory_space<vmem>>) attributes {dimension_semantics = [#tpu.dimension_semantics<arbitrary>, #tpu.dimension_semantics<arbitrary>], iteration_bounds = array<i64: 3, 10>, scalar_prefetch = 0 : i64, scratch_operands = 0 : i64, tpu.core_type = #tpu.core_type<tc>, window_params = [{transform_indices = @transform_0, window_bounds = array<i64: 1024, 128>}, {transform_indices = @transform_1, window_bounds = array<i64: 2, 1, 128, 128>}, {transform_indices = @transform_2, window_bounds = array<i64: 1, 1024, 128>}, {transform_indices = @transform_3, window_bounds = array<i64: 1, 1024, 128>}]} {
    %get3A = arith.constant 0 : index
    %get3A_0 = arith.constant 0 : index
    %get3A_1 = vector.load %arg2[%get3A, %get3A_0] : memref<1024x128xf32, #tpu.memory_space<vmem>>, vector<1024x128xf32>
    %get3A_2 = arith.constant 0 : index
    %get3A_3 = arith.constant 0 : index
    %get3A_4 = arith.constant 0 : index
    %get3A_5 = arith.constant 0 : index
    %get3A_6 = vector.load %arg3[%get3A_2, %get3A_3, %get3A_4, %get3A_5] : memref<2x1x128x128xf32, #tpu.memory_space<vmem>>, vector<1x1x128x128xf32>
    %get3A_7 = vector.shape_cast %get3A_6 : vector<1x1x128x128xf32> to vector<128x128xf32>
    %dot_general3A = arith.constant dense<0.000000e+00> : vector<1024x128xf32>
    %dot_general3A_8 = tpu.matmul %get3A_1, %get3A_7, %dot_general3A {dimension_numbers = #tpu.dot_dimension_numbers<[1], [0], [0], [1], [0, 0, 1, 1], [], []>, transpose_lhs_hint = false} : vector<1024x128xf32>, vector<128x128xf32>, vector<1024x128xf32> -> vector<1024x128xf32>
    %swap3A = arith.constant 0 : index
    %swap3A_9 = arith.constant 0 : index
    %swap3A_10 = arith.constant 0 : index
    %swap3A_11 = vector.load %arg4[%swap3A, %swap3A_9, %swap3A_10] : memref<1x1024x128xf32, #tpu.memory_space<vmem>>, vector<1x1024x128xf32>
    %swap3A_12 = vector.shape_cast %swap3A_11 : vector<1x1024x128xf32> to vector<1024x128xf32>
    %swap3A_13 = vector.shape_cast %dot_general3A_8 : vector<1024x128xf32> to vector<1x1024x128xf32>
    tpu.vector_store %arg4[%swap3A, %swap3A_9, %swap3A_10], %swap3A_13 {strides = array<i32>} : memref<1x1024x128xf32, #tpu.memory_space<vmem>>, vector<1x1024x128xf32>,
    %get3A_14 = arith.constant 1 : index
    %get3A_15 = arith.constant 0 : index
    %get3A_16 = arith.constant 0 : index
    %get3A_17 = arith.constant 0 : index
    %get3A_18 = vector.load %arg3[%get3A_14, %get3A_15, %get3A_16, %get3A_17] : memref<2x1x128x128xf32, #tpu.memory_space<vmem>>, vector<1x1x128x128xf32>
    %get3A_19 = vector.shape_cast %get3A_18 : vector<1x1x128x128xf32> to vector<128x128xf32>
    %dot_general3A_20 = arith.constant dense<0.000000e+00> : vector<1024x128xf32>
    %dot_general3A_21 = tpu.matmul %get3A_1, %get3A_19, %dot_general3A_20 {dimension_numbers = #tpu.dot_dimension_numbers<[1], [0], [0], [1], [0, 0, 1, 1], [], []>, transpose_lhs_hint = false} : vector<1024x128xf32>, vector<128x128xf32>, vector<1024x128xf32> -> vector<1024x128xf32>
    %swap3A_22 = arith.constant 0 : index
    %swap3A_23 = arith.constant 0 : index
    %swap3A_24 = arith.constant 0 : index
    %swap3A_25 = vector.load %arg5[%swap3A_22, %swap3A_23, %swap3A_24] : memref<1x1024x128xf32, #tpu.memory_space<vmem>>, vector<1x1024x128xf32>
    %swap3A_26 = vector.shape_cast %swap3A_25 : vector<1x1024x128xf32> to vector<1024x128xf32>
    %swap3A_27 = vector.shape_cast %dot_general3A_21 : vector<1024x128xf32> to vector<1x1024x128xf32>
    tpu.vector_store %arg5[%swap3A_22, %swap3A_23, %swap3A_24], %swap3A_27 {strides = array<i32>} : memref<1x1024x128xf32, #tpu.memory_space<vmem>>, vector<1x1024x128xf32>,
    return
  }
  func.func @transform_0(%arg0: i32, %arg1: i32) -> (i32, i32) {
    %c0_i32 = arith.constant 0 : i32
    %c0_i32_0 = arith.constant 0 : i32
    return %arg1, %c0_i32 : i32, i32
  }
  func.func @transform_1(%arg0: i32, %arg1: i32) -> (i32, i32, i32, i32) {
    %c0_i32 = arith.constant 0 : i32
    %c0_i32_0 = arith.constant 0 : i32
    %c0_i32_1 = arith.constant 0 : i32
    %c0_i32_2 = arith.constant 0 : i32
    return %c0_i32, %arg0, %c0_i32_0, %c0_i32_1 : i32, i32, i32, i32
  }
  func.func @transform_2(%arg0: i32, %arg1: i32) -> (i32, i32, i32) {
    %c0_i32 = arith.constant 0 : i32
    %c0_i32_0 = arith.constant 0 : i32
    return %arg0, %arg1, %c0_i32 : i32, i32, i32
  }
  func.func @transform_3(%arg0: i32, %arg1: i32) -> (i32, i32, i32) {
    %c0_i32 = arith.constant 0 : i32
    %c0_i32_0 = arith.constant 0 : i32
    return %arg0, %arg1, %c0_i32 : i32, i32, i32
  }
}

module attributes {stable_mosaic.version = 14 : i64} {
  func.func @_tc_body(%arg0: i32, %arg1: memref<1000x128xf32, #tpu.memory_space<vmem>>, %arg2: memref<1x1000x128xf32, #tpu.memory_space<vmem>>, %arg3: memref<1x1000x128xf32, #tpu.memory_space<vmem>>, %arg4: memref<2x128x128xf32, #tpu.memory_space<vmem>>, %arg5: memref<2x1x128xf32, #tpu.memory_space<vmem>>, %arg6: memref<2x1x128xf32, #tpu.memory_space<vmem>>, %arg7: memref<1x2xf32, #tpu.memory_space<smem>>, %arg8: memref<1000x1xf32, #tpu.memory_space<vmem>>, %arg9: memref<1000x1xi32, #tpu.memory_space<vmem>>, %arg10: memref<1000x1xi32, #tpu.memory_space<vmem>>, %arg11: memref<1000x1xi32, #tpu.memory_space<vmem>>, %arg12: memref<8x128xf32, #tpu.memory_space<vmem>>) attributes {dimension_semantics = [#tpu.dimension_semantics<arbitrary>], iteration_bounds = array<i64: 10>, scalar_prefetch = 0 : i64, scratch_operands = 0 : i64, tpu.core_type = #tpu.core_type<tc>, window_params = [{transform_indices = @transform_0, window_bounds = array<i64: 1000, 128>}, {transform_indices = @transform_1, window_bounds = array<i64: 1, 1000, 128>}, {transform_indices = @transform_2, window_bounds = array<i64: 1, 1000, 128>}, {pipeline_mode = #tpu.pipeline_mode<synchronous>, transform_indices = @transform_3, window_bounds = array<i64: 2, 128, 128>}, {pipeline_mode = #tpu.pipeline_mode<synchronous>, transform_indices = @transform_4, window_bounds = array<i64: 2, 1, 128>}, {pipeline_mode = #tpu.pipeline_mode<synchronous>, transform_indices = @transform_5, window_bounds = array<i64: 2, 1, 128>}, {transform_indices = @transform_6, window_bounds = array<i64: 1, 2>}, {transform_indices = @transform_7, window_bounds = array<i64: 1000, 1>}, {transform_indices = @transform_8, window_bounds = array<i64: 1000, 1>}, {transform_indices = @transform_9, window_bounds = array<i64: 1000, 1>}, {transform_indices = @transform_10, window_bounds = array<i64: 1000, 1>}, {pipeline_mode = #tpu.pipeline_mode<synchronous>, transform_indices = @transform_11, window_bounds = array<i64: 8, 128>}]} {
    %get3A = arith.constant 0 : index
    %get3A_0 = arith.constant 0 : index
    %get3A_1 = vector.load %arg1[%get3A, %get3A_0] : memref<1000x128xf32, #tpu.memory_space<vmem>>, vector<1000x128xf32>
    %get3A_2 = arith.constant 0 : index
    %get3A_3 = arith.constant 0 : index
    %get3A_4 = arith.constant 0 : index
    %get3A_5 = vector.load %arg4[%get3A_2, %get3A_3, %get3A_4] : memref<2x128x128xf32, #tpu.memory_space<vmem>>, vector<1x128x128xf32>
    %get3A_6 = vector.shape_cast %get3A_5 : vector<1x128x128xf32> to vector<128x128xf32>
    %dot_general3A = arith.constant dense<0.000000e+00> : vector<1000x128xf32>
    %dot_general3A_7 = tpu.matmul %get3A_1, %get3A_6, %dot_general3A {dimension_numbers = #tpu.dot_dimension_numbers<[1], [0], [0], [1], [0, 0, 1, 1], [], []>, transpose_lhs_hint = false} : vector<1000x128xf32>, vector<128x128xf32>, vector<1000x128xf32> -> vector<1000x128xf32>
    %get3A_8 = arith.constant 1 : index
    %get3A_9 = arith.constant 0 : index
    %get3A_10 = arith.constant 0 : index
    %get3A_11 = vector.load %arg4[%get3A_8, %get3A_9, %get3A_10] : memref<2x128x128xf32, #tpu.memory_space<vmem>>, vector<1x128x128xf32>
    %get3A_12 = vector.shape_cast %get3A_11 : vector<1x128x128xf32> to vector<128x128xf32>
    %dot_general3A_13 = arith.constant dense<0.000000e+00> : vector<1000x128xf32>
    %dot_general3A_14 = tpu.matmul %get3A_1, %get3A_12, %dot_general3A_13 {dimension_numbers = #tpu.dot_dimension_numbers<[1], [0], [0], [1], [0, 0, 1, 1], [], []>, transpose_lhs_hint = false} : vector<1000x128xf32>, vector<128x128xf32>, vector<1000x128xf32> -> vector<1000x128xf32>
    %get3A_15 = arith.constant 0 : index
    %get3A_16 = arith.constant 0 : index
    %get3A_17 = arith.constant 0 : index
    %get3A_18 = vector.load %arg2[%get3A_15, %get3A_16, %get3A_17] : memref<1x1000x128xf32, #tpu.memory_space<vmem>>, vector<1x1000x128xf32>
    %get3A_19 = vector.shape_cast %get3A_18 : vector<1x1000x128xf32> to vector<1000x128xf32>
    %add3A = arith.addf %dot_general3A_7, %get3A_19 : vector<1000x128xf32>
    %get3A_20 = arith.constant 0 : index
    %get3A_21 = arith.constant 0 : index
    %get3A_22 = arith.constant 0 : index
    %get3A_23 = vector.load %arg5[%get3A_20, %get3A_21, %get3A_22] : memref<2x1x128xf32, #tpu.memory_space<vmem>>, vector<1x1x128xf32>
    %get3A_24 = vector.shape_cast %get3A_23 : vector<1x1x128xf32> to vector<1x128xf32>
    %add3A_25 = vector.broadcast %get3A_24 : vector<1x128xf32> to vector<1000x128xf32>
    %add3A_26 = arith.addf %add3A, %add3A_25 : vector<1000x128xf32>
    %max3A = arith.constant 0.000000e+00 : f32
    %max3A_27 = vector.broadcast %max3A : f32 to vector<1000x128xf32>
    %max3A_28 = arith.maximumf %add3A_26, %max3A_27 : vector<1000x128xf32>
    %get3A_29 = arith.constant 0 : index
    %get3A_30 = arith.constant 0 : index
    %get3A_31 = arith.constant 0 : index
    %get3A_32 = vector.load %arg3[%get3A_29, %get3A_30, %get3A_31] : memref<1x1000x128xf32, #tpu.memory_space<vmem>>, vector<1x1000x128xf32>
    %get3A_33 = vector.shape_cast %get3A_32 : vector<1x1000x128xf32> to vector<1000x128xf32>
    %add3A_34 = arith.addf %dot_general3A_14, %get3A_33 : vector<1000x128xf32>
    %get3A_35 = arith.constant 1 : index
    %get3A_36 = arith.constant 0 : index
    %get3A_37 = arith.constant 0 : index
    %get3A_38 = vector.load %arg5[%get3A_35, %get3A_36, %get3A_37] : memref<2x1x128xf32, #tpu.memory_space<vmem>>, vector<1x1x128xf32>
    %get3A_39 = vector.shape_cast %get3A_38 : vector<1x1x128xf32> to vector<1x128xf32>
    %add3A_40 = vector.broadcast %get3A_39 : vector<1x128xf32> to vector<1000x128xf32>
    %add3A_41 = arith.addf %add3A_34, %add3A_40 : vector<1000x128xf32>
    %max3A_42 = arith.constant 0.000000e+00 : f32
    %max3A_43 = vector.broadcast %max3A_42 : f32 to vector<1000x128xf32>
    %max3A_44 = arith.maximumf %add3A_41, %max3A_43 : vector<1000x128xf32>
    %get3A_45 = arith.constant 0 : index
    %get3A_46 = arith.constant 0 : index
    %get3A_47 = arith.constant 0 : index
    %get3A_48 = vector.load %arg6[%get3A_45, %get3A_46, %get3A_47] : memref<2x1x128xf32, #tpu.memory_space<vmem>>, vector<1x1x128xf32>
    %get3A_49 = vector.shape_cast %get3A_48 : vector<1x1x128xf32> to vector<1x128xf32>
    %mul3A = vector.broadcast %get3A_49 : vector<1x128xf32> to vector<1000x128xf32>
    %mul3A_50 = arith.mulf %max3A_28, %mul3A : vector<1000x128xf32>
    %reduce_sum3A = arith.constant dense<0.000000e+00> : vector<1000xf32>
    %reduce_sum3A_51 = vector.multi_reduction <add>, %mul3A_50, %reduce_sum3A [1] : vector<1000x128xf32> to vector<1000xf32>
    %broadcast_in_dim3A = vector.shape_cast %reduce_sum3A_51 : vector<1000xf32> to vector<1000x1xf32>
    %get3A_52 = arith.constant 0 : index
    %get3A_53 = arith.constant 0 : index
    %get3A_54 = memref.load %arg7[%get3A_52, %get3A_53] : memref<1x2xf32, #tpu.memory_space<smem>>
    %add3A_55 = vector.broadcast %get3A_54 : f32 to vector<1000x1xf32>
    %add3A_56 = arith.addf %broadcast_in_dim3A, %add3A_55 : vector<1000x1xf32>
    %abs3A = math.absf %add3A_56 : vector<1000x1xf32>
    %get3A_57 = arith.constant 1 : index
    %get3A_58 = arith.constant 0 : index
    %get3A_59 = arith.constant 0 : index
    %get3A_60 = vector.load %arg6[%get3A_57, %get3A_58, %get3A_59] : memref<2x1x128xf32, #tpu.memory_space<vmem>>, vector<1x1x128xf32>
    %get3A_61 = vector.shape_cast %get3A_60 : vector<1x1x128xf32> to vector<1x128xf32>
    %mul3A_62 = vector.broadcast %get3A_61 : vector<1x128xf32> to vector<1000x128xf32>
    %mul3A_63 = arith.mulf %max3A_44, %mul3A_62 : vector<1000x128xf32>
    %reduce_sum3A_64 = arith.constant dense<0.000000e+00> : vector<1000xf32>
    %reduce_sum3A_65 = vector.multi_reduction <add>, %mul3A_63, %reduce_sum3A_64 [1] : vector<1000x128xf32> to vector<1000xf32>
    %broadcast_in_dim3A_66 = vector.shape_cast %reduce_sum3A_65 : vector<1000xf32> to vector<1000x1xf32>
    %get3A_67 = arith.constant 0 : index
    %get3A_68 = arith.constant 1 : index
    %get3A_69 = memref.load %arg7[%get3A_67, %get3A_68] : memref<1x2xf32, #tpu.memory_space<smem>>
    %add3A_70 = vector.broadcast %get3A_69 : f32 to vector<1000x1xf32>
    %add3A_71 = arith.addf %broadcast_in_dim3A_66, %add3A_70 : vector<1000x1xf32>
    %get3A_72 = arith.constant 0 : index
    %get3A_73 = arith.constant 0 : index
    %get3A_74 = vector.load %arg9[%get3A_72, %get3A_73] : memref<1000x1xi32, #tpu.memory_space<vmem>>, vector<1000x1xi32>
    %eq3A = arith.constant 1 : i32
    %eq3A_75 = vector.broadcast %eq3A : i32 to vector<1000x1xi32>
    %eq3A_76 = arith.cmpi eq, %get3A_74, %eq3A_75 : vector<1000x1xi32>
    %get3A_77 = arith.constant 0 : index
    %get3A_78 = arith.constant 0 : index
    %get3A_79 = vector.load %arg10[%get3A_77, %get3A_78] : memref<1000x1xi32, #tpu.memory_space<vmem>>, vector<1000x1xi32>
    %eq3A_80 = arith.constant 1 : i32
    %eq3A_81 = vector.broadcast %eq3A_80 : i32 to vector<1000x1xi32>
    %eq3A_82 = arith.cmpi eq, %get3A_79, %eq3A_81 : vector<1000x1xi32>
    %and3A = arith.andi %eq3A_76, %eq3A_82 : vector<1000x1xi1>
    %get3A_83 = arith.constant 0 : index
    %get3A_84 = arith.constant 0 : index
    %get3A_85 = vector.load %arg8[%get3A_83, %get3A_84] : memref<1000x1xf32, #tpu.memory_space<vmem>>, vector<1000x1xf32>
    %mul3A_86 = arith.mulf %abs3A, %get3A_85 : vector<1000x1xf32>
    %add3A_87 = arith.addf %mul3A_86, %add3A_71 : vector<1000x1xf32>
    %jit3A = arith.constant 0.000000e+00 : f32
    %broadcast_in_dim3A_88 = vector.broadcast %jit3A : f32 to vector<1000x1xf32>
    %select_n3A = arith.select %and3A, %add3A_87, %broadcast_in_dim3A_88 : vector<1000x1xi1>, vector<1000x1xf32>
    %iota3A = tpu.iota {dimensions = array<i32: 1>} : vector<1000x128xi32>
    %get3A_89 = arith.constant 0 : index
    %get3A_90 = arith.constant 0 : index
    %get3A_91 = vector.load %arg11[%get3A_89, %get3A_90] : memref<1000x1xi32, #tpu.memory_space<vmem>>, vector<1000x1xi32>
    %eq3A_92 = vector.broadcast %get3A_91 : vector<1000x1xi32> to vector<1000x128xi32>
    %eq3A_93 = arith.cmpi eq, %iota3A, %eq3A_92 : vector<1000x128xi32>
    %jit3A_94 = arith.constant 0.000000e+00 : f32
    %broadcast_in_dim3A_95 = vector.shape_cast %select_n3A : vector<1000x1xf32> to vector<1000x1xf32>
    %broadcast_in_dim3A_96 = vector.broadcast %broadcast_in_dim3A_95 : vector<1000x1xf32> to vector<1000x128xf32>
    %broadcast_in_dim3A_97 = vector.broadcast %jit3A_94 : f32 to vector<1000x128xf32>
    %select_n3A_98 = arith.select %eq3A_93, %broadcast_in_dim3A_96, %broadcast_in_dim3A_97 : vector<1000x128xi1>, vector<1000x128xf32>
    %reduce_sum3A_99 = arith.constant dense<0.000000e+00> : vector<128xf32>
    %reduce_sum3A_100 = vector.multi_reduction <add>, %select_n3A_98, %reduce_sum3A_99 [0] : vector<1000x128xf32> to vector<128xf32>
    %broadcast_in_dim3A_101 = vector.shape_cast %reduce_sum3A_100 : vector<128xf32> to vector<1x128xf32>
    %broadcast_in_dim3A_102 = vector.shape_cast %broadcast_in_dim3A_101 : vector<1x128xf32> to vector<1x128xf32>
    %broadcast_in_dim3A_103 = vector.broadcast %broadcast_in_dim3A_102 : vector<1x128xf32> to vector<8x128xf32>
    %eq3A_104 = arith.constant 0 : i32
    %eq3A_105 = arith.cmpi eq, %arg0, %eq3A_104 : i32
    %convert_element_type3A = arith.extui %eq3A_105 : i1 to i32
    %cond3A = arith.constant 0 : i32
    %cond3A_106 = arith.cmpi ne, %convert_element_type3A, %cond3A : i32
    scf.if %cond3A_106 {
      %swap3A = arith.constant 0 : index
      %swap3A_111 = arith.constant 0 : index
      %swap3A_112 = vector.load %arg12[%swap3A, %swap3A_111] : memref<8x128xf32, #tpu.memory_space<vmem>>, vector<8x128xf32>
      tpu.vector_store %arg12[%swap3A, %swap3A_111], %broadcast_in_dim3A_103 {strides = array<i32>} : memref<8x128xf32, #tpu.memory_space<vmem>>, vector<8x128xf32>,
    } else {
    }
    %gt3A = arith.constant 0 : i32
    %gt3A_107 = arith.cmpi sgt, %arg0, %gt3A : i32
    %convert_element_type3A_108 = arith.extui %gt3A_107 : i1 to i32
    %cond3A_109 = arith.constant 0 : i32
    %cond3A_110 = arith.cmpi ne, %convert_element_type3A_108, %cond3A_109 : i32
    scf.if %cond3A_110 {
      %get3A_111 = arith.constant 0 : index
      %get3A_112 = arith.constant 0 : index
      %get3A_113 = vector.load %arg12[%get3A_111, %get3A_112] : memref<8x128xf32, #tpu.memory_space<vmem>>, vector<8x128xf32>
      %add3A_114 = arith.addf %get3A_113, %broadcast_in_dim3A_103 : vector<8x128xf32>
      %swap3A = arith.constant 0 : index
      %swap3A_115 = arith.constant 0 : index
      %swap3A_116 = vector.load %arg12[%swap3A, %swap3A_115] : memref<8x128xf32, #tpu.memory_space<vmem>>, vector<8x128xf32>
      tpu.vector_store %arg12[%swap3A, %swap3A_115], %add3A_114 {strides = array<i32>} : memref<8x128xf32, #tpu.memory_space<vmem>>, vector<8x128xf32>,
    } else {
    }
    return
  }
  func.func @transform_0(%arg0: i32) -> (i32, i32) {
    %c0_i32 = arith.constant 0 : i32
    %c0_i32_0 = arith.constant 0 : i32
    return %arg0, %c0_i32 : i32, i32
  }
  func.func @transform_1(%arg0: i32) -> (i32, i32, i32) {
    %jit3A = arith.constant 5 : i32
    %div3A = arith.divsi %arg0, %jit3A : i32
    %sign3A = arith.constant 0 : i32
    %sign3A_0 = arith.cmpi sgt, %arg0, %sign3A : i32
    %sign3A_1 = arith.extui %sign3A_0 : i1 to i32
    %sign3A_2 = arith.constant 0 : i32
    %sign3A_3 = arith.cmpi slt, %arg0, %sign3A_2 : i32
    %sign3A_4 = arith.extui %sign3A_3 : i1 to i32
    %sign3A_5 = arith.subi %sign3A_1, %sign3A_4 : i32
    %sign3A_6 = arith.constant 0 : i32
    %sign3A_7 = arith.cmpi sgt, %jit3A, %sign3A_6 : i32
    %sign3A_8 = arith.extui %sign3A_7 : i1 to i32
    %sign3A_9 = arith.constant 0 : i32
    %sign3A_10 = arith.cmpi slt, %jit3A, %sign3A_9 : i32
    %sign3A_11 = arith.extui %sign3A_10 : i1 to i32
    %sign3A_12 = arith.subi %sign3A_8, %sign3A_11 : i32
    %ne3A = arith.cmpi ne, %sign3A_5, %sign3A_12 : i32
    %rem3A = arith.remsi %arg0, %jit3A : i32
    %ne3A_13 = arith.constant 0 : i32
    %ne3A_14 = arith.cmpi ne, %rem3A, %ne3A_13 : i32
    %and3A = arith.andi %ne3A, %ne3A_14 : i1
    %sub3A = arith.constant 1 : i32
    %sub3A_15 = arith.subi %div3A, %sub3A : i32
    %select_n3A = arith.select %and3A, %sub3A_15, %div3A : i32
    %jit3A_16 = arith.constant 5 : i32
    %eq3A = arith.constant 0 : i32
    %eq3A_17 = arith.cmpi eq, %jit3A_16, %eq3A : i32
    %jit3A_18 = arith.constant 1 : i32
    %select_n3A_19 = arith.select %eq3A_17, %jit3A_18, %jit3A_16 : i32
    %rem3A_20 = arith.remsi %arg0, %select_n3A_19 : i32
    %ne3A_21 = arith.constant 0 : i32
    %ne3A_22 = arith.cmpi ne, %rem3A_20, %ne3A_21 : i32
    %lt3A = arith.constant 0 : i32
    %lt3A_23 = arith.cmpi slt, %rem3A_20, %lt3A : i32
    %lt3A_24 = arith.constant 0 : i32
    %lt3A_25 = arith.cmpi slt, %select_n3A_19, %lt3A_24 : i32
    %ne3A_26 = arith.xori %lt3A_23, %lt3A_25 : i1
    %and3A_27 = arith.andi %ne3A_26, %ne3A_22 : i1
    %add3A = arith.addi %rem3A_20, %select_n3A_19 : i32
    %select_n3A_28 = arith.select %and3A_27, %add3A, %rem3A_20 : i32
    %c0_i32 = arith.constant 0 : i32
    %c0_i32_29 = arith.constant 0 : i32
    return %select_n3A, %select_n3A_28, %c0_i32 : i32, i32, i32
  }
  func.func @transform_2(%arg0: i32) -> (i32, i32, i32) {
    %jit3A = arith.constant 5 : i32
    %div3A = arith.divsi %arg0, %jit3A : i32
    %sign3A = arith.constant 0 : i32
    %sign3A_0 = arith.cmpi sgt, %arg0, %sign3A : i32
    %sign3A_1 = arith.extui %sign3A_0 : i1 to i32
    %sign3A_2 = arith.constant 0 : i32
    %sign3A_3 = arith.cmpi slt, %arg0, %sign3A_2 : i32
    %sign3A_4 = arith.extui %sign3A_3 : i1 to i32
    %sign3A_5 = arith.subi %sign3A_1, %sign3A_4 : i32
    %sign3A_6 = arith.constant 0 : i32
    %sign3A_7 = arith.cmpi sgt, %jit3A, %sign3A_6 : i32
    %sign3A_8 = arith.extui %sign3A_7 : i1 to i32
    %sign3A_9 = arith.constant 0 : i32
    %sign3A_10 = arith.cmpi slt, %jit3A, %sign3A_9 : i32
    %sign3A_11 = arith.extui %sign3A_10 : i1 to i32
    %sign3A_12 = arith.subi %sign3A_8, %sign3A_11 : i32
    %ne3A = arith.cmpi ne, %sign3A_5, %sign3A_12 : i32
    %rem3A = arith.remsi %arg0, %jit3A : i32
    %ne3A_13 = arith.constant 0 : i32
    %ne3A_14 = arith.cmpi ne, %rem3A, %ne3A_13 : i32
    %and3A = arith.andi %ne3A, %ne3A_14 : i1
    %sub3A = arith.constant 1 : i32
    %sub3A_15 = arith.subi %div3A, %sub3A : i32
    %select_n3A = arith.select %and3A, %sub3A_15, %div3A : i32
    %jit3A_16 = arith.constant 5 : i32
    %eq3A = arith.constant 0 : i32
    %eq3A_17 = arith.cmpi eq, %jit3A_16, %eq3A : i32
    %jit3A_18 = arith.constant 1 : i32
    %select_n3A_19 = arith.select %eq3A_17, %jit3A_18, %jit3A_16 : i32
    %rem3A_20 = arith.remsi %arg0, %select_n3A_19 : i32
    %ne3A_21 = arith.constant 0 : i32
    %ne3A_22 = arith.cmpi ne, %rem3A_20, %ne3A_21 : i32
    %lt3A = arith.constant 0 : i32
    %lt3A_23 = arith.cmpi slt, %rem3A_20, %lt3A : i32
    %lt3A_24 = arith.constant 0 : i32
    %lt3A_25 = arith.cmpi slt, %select_n3A_19, %lt3A_24 : i32
    %ne3A_26 = arith.xori %lt3A_23, %lt3A_25 : i1
    %and3A_27 = arith.andi %ne3A_26, %ne3A_22 : i1
    %add3A = arith.addi %rem3A_20, %select_n3A_19 : i32
    %select_n3A_28 = arith.select %and3A_27, %add3A, %rem3A_20 : i32
    %c0_i32 = arith.constant 0 : i32
    %c0_i32_29 = arith.constant 0 : i32
    return %select_n3A, %select_n3A_28, %c0_i32 : i32, i32, i32
  }
  func.func @transform_3(%arg0: i32) -> (i32, i32, i32) {
    %c0_i32 = arith.constant 0 : i32
    %c0_i32_0 = arith.constant 0 : i32
    %c0_i32_1 = arith.constant 0 : i32
    %c0_i32_2 = arith.constant 0 : i32
    return %c0_i32, %c0_i32_0, %c0_i32_1 : i32, i32, i32
  }
  func.func @transform_4(%arg0: i32) -> (i32, i32, i32) {
    %c0_i32 = arith.constant 0 : i32
    %c0_i32_0 = arith.constant 0 : i32
    %c0_i32_1 = arith.constant 0 : i32
    %c0_i32_2 = arith.constant 0 : i32
    return %c0_i32, %c0_i32_0, %c0_i32_1 : i32, i32, i32
  }
  func.func @transform_5(%arg0: i32) -> (i32, i32, i32) {
    %c0_i32 = arith.constant 0 : i32
    %c0_i32_0 = arith.constant 0 : i32
    %c0_i32_1 = arith.constant 0 : i32
    %c0_i32_2 = arith.constant 0 : i32
    return %c0_i32, %c0_i32_0, %c0_i32_1 : i32, i32, i32
  }
  func.func @transform_6(%arg0: i32) -> (i32, i32) {
    %c0_i32 = arith.constant 0 : i32
    %c0_i32_0 = arith.constant 0 : i32
    %c0_i32_1 = arith.constant 0 : i32
    return %c0_i32, %c0_i32_0 : i32, i32
  }
  func.func @transform_7(%arg0: i32) -> (i32, i32) {
    %c0_i32 = arith.constant 0 : i32
    %c0_i32_0 = arith.constant 0 : i32
    return %arg0, %c0_i32 : i32, i32
  }
  func.func @transform_8(%arg0: i32) -> (i32, i32) {
    %c0_i32 = arith.constant 0 : i32
    %c0_i32_0 = arith.constant 0 : i32
    return %arg0, %c0_i32 : i32, i32
  }
  func.func @transform_9(%arg0: i32) -> (i32, i32) {
    %c0_i32 = arith.constant 0 : i32
    %c0_i32_0 = arith.constant 0 : i32
    return %arg0, %c0_i32 : i32, i32
  }
  func.func @transform_10(%arg0: i32) -> (i32, i32) {
    %c0_i32 = arith.constant 0 : i32
    %c0_i32_0 = arith.constant 0 : i32
    return %arg0, %c0_i32 : i32, i32
  }
  func.func @transform_11(%arg0: i32) -> (i32, i32) {
    %c0_i32 = arith.constant 0 : i32
    %c0_i32_0 = arith.constant 0 : i32
    %c0_i32_1 = arith.constant 0 : i32
    return %c0_i32, %c0_i32_0 : i32, i32
  }
}

</mosaic_0001>

<sc_bundles>
// kernel: kernel.6.cloned.1.call-start
scs
__scs_entry_jumppad:
0x0: {  	(pc) =	sbr.rel $0x88, $3  }
0x1: {  	(tag) =	ssettag $0x0;
	lr =	simm.s32 $0x1  }
0x2: {  	[smem:$0x3F90] =	sst lr;
	_ =	strace $0xD0000000  }
0x3: {  	_ = 	snop  }
0x4: {  	_ = 	snop  }
0x5: {  	_ = 	snop  }
0x6: {  	_ = 	snop  }
0x7: {  	_ = 	snop  }
__scs_overlays_trampoline_lowered:
0x8: {  	[smem:$0x3F9F] =	sst s0  }
0x9: {  	[smem:$0x3FA0] =	sst s1  }
0xa: {  	[smem:$0x3FA1] =	sst s2  }
0xb: {  	[smem:$0x3FA2] =	sst s3  }
0xc: {  	[smem:$0x3FA3] =	sst s4  }
0xd: {  	[smem:$0x3FA4] =	sst s5  }
0xe: {  	[smem:$0x3FA5] =	sst s6  }
0xf: {  	[smem:$0x3FA6] =	sst s7  }
0x10: {  	[smem:$0x3FA7] =	sst s8  }
0x11: {  	[smem:$0x3FA8] =	sst s9;
	s0 =	simm.s32 @!p0 $0x0  }
0x12: {  	s1 =	sld [smem:$0x3F8E];
	s0 =	simm.s32 @p0 $0x1  }
0x13: {  	[smem:$0x3FA9] =	sst s0;
	s0 =	simm.s32 @!p1 $0x0  }
0x14: {  	s2 =	sld [smem:$0x3F8D];
	s0 =	simm.s32 @p1 $0x1  }
0x15: {  	[smem:$0x3FAA] =	sst s0;
	s0 =	simm.s32 @!p2 $0x0  }
0x16: {  	s3 =	sld [smem:$0x3FDB];
	s0 =	simm.s32 @p2 $0x1  }
0x17: {  	s4 =	simm.s32 $0x1BF5;
	[smem:$0x3FAC] =	sst s0  }
0x18: {  	s0 =	sld [smem:$0x3F8F];
	_ =	swait.ge [sflag:s4], $0x0  }
0x19: {  	s7 =	sld [smem:$0x3F90]  }
0x1a: {  	s8 =	sadd.s32 $0xFFFFE003, lr  }
0x1b: {  	s9 =	sadd.s32 $0xFFFFFEF7, lr;
	s5 =	simm.s32 $0xFFFFFFFF;
	p2 =	slt.u32 s8, $0xFFFFF086  }
0x1c: {  	p1 =	slt.u32 s9, $0xF7A;
	s5 =	simm.s32 @!p2 $0x0  }
0x1d: {  	s5 =	simm.s32 @p1 $0x1;
	p0 =	seq.s32 s7, s2  }
0x1e: {  	s7 =	smul.u32 @!p0 $0xF7A, s2;
	p2 =	seq.s32 @!p0 s5, $0x0  }
0x1f: {  	s9 =	smul.u32 $0xF7A, s1;
	s8 =	simm.s32 @!p0 $0x1BF5;
	p2 =	por !p2, p0  }
0x20: {  	[sflag:s8] =	ssyncset.s32 @!p0 $0xFFFFF086;
	s6 =	sadd.s32 @!p0 s3, s7;
	s7 =	simm.s32 @!p0 $0x108  }
0x21: {  	s3 =	sadd.s32 s3, s9;
	s6 =	sadd.s32 @!p0 $0x88, s6;
	s7 =	simm.s32 @p2 $0x1082  }
0x22: {  	[simem:s7], [sflag:s8] =	dma.local @!p0 [hbm:s6], $0xF7A  }
0x23: {  	s9 =	sor.u32 $0xD0000000, s2;
	s6 =	simm.s32 $0x108;
	_ =	swait.ge @!p0 [sflag:s8], $0x0  }
0x24: {  	s3 =	sadd.s32 $0x88, s3;
	s6 =	simm.s32 @!p1 $0x1082;
	[sflag:s4] =	ssyncset.s32 $0xFFFFF086  }
0x25: {  	[simem:s6], [sflag:s4] =	dma.local [hbm:s3], $0xF7A  }
0x26: {  	[smem:$0x3F90] =	sst s1;
	(tag) =	ssettag s2;
	_ =	strace s9  }
0x27: {  	s1 =	sld [smem:$0x3FA0]  }
0x28: {  	s2 =	sld [smem:$0x3FA1]  }
0x29: {  	s4 =	sld [smem:$0x3FA3]  }
0x2a: {  	p0 =	seq.s32 s5, $0x0;
	s5 =	sld [smem:$0x3FA4]  }
0x2b: {  	s6 =	sld [smem:$0x3FA5]  }
0x2c: {  	s7 =	sld [smem:$0x3FA6]  }
0x2d: {  	s3 =	simm.s32 $0x108;
	s8 =	sld [smem:$0x3FA7]  }
0x2e: {  	s3 =	simm.s32 @!p0 $0x1082;
	s9 =	sld [smem:$0x3FA8]  }
0x2f: {  	lr =	sadd.s32 s0, s3;
	s0 =	sld [smem:$0x3F9F]  }
0x30: {  	s3 =	sld [smem:$0x3FA2]  }
0x31: {  	[smem:$0x3FAB] =	sst s10  }
0x32: {  	s10 =	sld [smem:$0x3FA9];
	_ =	sdelay $0x3  }
0x33: {  	p0 =	seq.s32 s10, $0x1;
	s10 =	sld [smem:$0x3FAB];
	_ =	sdelay $0x3  }
0x34: {  	[smem:$0x3FAB] =	sst s10  }
0x35: {  	s10 =	sld [smem:$0x3FAA];
	_ =	sdelay $0x3  }
0x36: {  	p1 =	seq.s32 s10, $0x1;
	s10 =	sld [smem:$0x3FAB];
	_ =	sdelay $0x3  }
0x37: {  	[smem:$0x3FAB] =	sst s10  }
0x38: {  	s10 =	sld [smem:$0x3FAC]  }
0x39: {  	_ = 	snop;
	(pc) =	sbr.ind lr, $3  }
0x3a: {  	_ = 	snop  }
0x3b: {  	_ = 	snop  }
0x3c: {  	p2 =	seq.s32 s10, $0x1;
	s10 =	sld [smem:$0x3FAB]  }
0x3d: {  	_ =	shalt  }
0x3e: {  	_ =	shalt  }
0x3f: {  	_ =	shalt  }
0x40: {  	_ =	shalt  }
0x41: {  	_ =	shalt  }
0x42: {  	_ =	shalt  }
0x43: {  	_ =	shalt  }
0x44: {  	_ =	shalt  }
0x45: {  	_ =	shalt  }
0x46: {  	_ =	shalt  }
0x47: {  	_ =	shalt  }
0x48: {  	_ =	shalt  }
0x49: {  	_ =	shalt  }
0x4a: {  	_ =	shalt  }
0x4b: {  	_ =	shalt  }
0x4c: {  	_ =	shalt  }
0x4d: {  	_ =	shalt  }
0x4e: {  	_ =	shalt  }
0x4f: {  	_ =	shalt  }
0x50: {  	_ =	shalt  }
0x51: {  	_ =	shalt  }
0x52: {  	_ =	shalt  }
0x53: {  	_ =	shalt  }
0x54: {  	_ =	shalt  }
0x55: {  	_ =	shalt  }
0x56: {  	_ =	shalt  }
0x57: {  	_ =	shalt  }
0x58: {  	_ =	shalt  }
0x59: {  	_ =	shalt  }
0x5a: {  	_ =	shalt  }
0x5b: {  	_ =	shalt  }
0x5c: {  	_ =	shalt  }
0x5d: {  	_ =	shalt  }
0x5e: {  	_ =	shalt  }
0x5f: {  	_ =	shalt  }
0x60: {  	_ =	shalt  }
0x61: {  	_ =	shalt  }
0x62: {  	_ =	shalt  }
0x63: {  	_ =	shalt  }
0x64: {  	_ =	shalt  }
0x65: {  	_ =	shalt  }
0x66: {  	_ =	shalt  }
0x67: {  	_ =	shalt  }
0x68: {  	_ =	shalt  }
0x69: {  	_ =	shalt  }
0x6a: {  	_ =	shalt  }
0x6b: {  	_ =	shalt  }
0x6c: {  	_ =	shalt  }
0x6d: {  	_ =	shalt  }
0x6e: {  	_ =	shalt  }
0x6f: {  	_ =	shalt  }
0x70: {  	_ =	shalt  }
0x71: {  	_ =	shalt  }
0x72: {  	_ =	shalt  }
0x73: {  	_ =	shalt  }
0x74: {  	_ =	shalt  }
0x75: {  	_ =	shalt  }
0x76: {  	_ =	shalt  }
0x77: {  	_ =	shalt  }
0x78: {  	_ =	shalt  }
0x79: {  	_ =	shalt  }
0x7a: {  	_ =	shalt  }
0x7b: {  	_ =	shalt  }
0x7c: {  	_ =	shalt  }
0x7d: {  	_ =	shalt  }
0x7e: {  	_ =	shalt  }
0x7f: {  	_ =	shalt  }
0x80: {  	_ =	shalt  }
0x81: {  	_ =	shalt  }
0x82: {  	_ =	shalt  }
0x83: {  	_ =	shalt  }
0x84: {  	_ =	shalt  }
0x85: {  	_ =	shalt  }
0x86: {  	_ =	shalt  }
0x87: {  	_ =	shalt  }
.Lfunc_end0:
.L_simem_size_0:
called_computation_lowered:
.L_overlay_start_0:
0x88: {  	s2 =	sld [smem:$0x3FD9]  }
0x89: {  	s3 =	sld [smem:$0x3FFE];
	_ =	sdelay $0x1  }
0x8a: {  	s1 =	srdreg.scid  }
0x8b: {  	s0 =	sand.u32 $0x1, s1  }
0x8c: {  	s17 =	sshll.u32 s0, $0xA;
	s2 =	sadd.s32 s3, s2  }
0x8d: {  	s2 =	sadd.s32 s2, s17  }
0x8e: {  	[smem:$0x3FB7] =	sst s2  }
0x8f: {  	_ = 	snop  }
0x90: {  	(tm) =	ssettm $0x1  }
0x91: {  	s18 =	sld [smem:$0x3FFB];
	_ =	sdelay $0x3  }
0x92: {  	_ =	strace s18  }
0x93: {  	s2 =	sld [smem:$0x3FFC];
	_ =	sdelay $0x3  }
0x94: {  	_ =	strace s2  }
0x95: {  	s2 =	sld [smem:$0x3FFD];
	_ =	sdelay $0x3  }
0x96: {  	_ =	strace s2  }
0x97: {  	_ =	strace $0x8FFFFFFF  }
0x98: {  	s19 =	sld [smem:$0x3FDB];
	_ =	sdelay $0x1  }
0x99: {  	s20 =	simm.s32 $_scs_section_size  }
0x9a: {  	s4 =	simm.s32 $_size__tile_overlayer_lowered;
	s5 =	simm.s32 $_tile_overlayer_lowered  }
0x9b: {  	s6 =	simm.s32 $0x1BFF;
	s21 =	sshll.u32 s5, $0x1;
	s3 =	sadd.s32 s20, s19  }
0x9c: {  	s22 =	simm.s32 $0x0;
	s4 =	sshll.u32 s4, $0x1;
	s5 =	sadd.s32 s21, s3  }
0x9d: {  	[timem:s22], [sflag:s6] =	dma.local [hbm:s5], s4  }
0x9e: {  	_ =	swait.ge [sflag:s6], s4  }
0x9f: {  	s4 =	ssub.s32 $0x0, s4;
	[sflag:s6] =	ssyncset.done $0x0  }
0xa0: {  	[sflag:s6] =	ssyncadd.s32 s4;
	_ =	sdelay $0x1  }
0xa1: {  	s23 =	simm.s32 $0x1B8B  }
0xa2: {  	_ =	swait.ge [sflag:s23], $0x1  }
0xa3: {  	[sflag:s23] =	ssyncset.done $0x0  }
0xa4: {  	[sflag:s23] =	ssyncadd.s32 $0xFFFFFFFF  }
0xa5: {  	s4 =	sld [smem:$0x0]  }
0xa6: {  	s5 =	sand.u32 $0xFFFFFFFE, s1  }
0xa7: {  	p0 =	sne.s32 s1, s5  }
0xa8: {  	s5 =	sshll.u32 @p0 s5, $0xE  }
0xa9: {  	s5 =	sadd.s32 @p0 $0x11B8D, s5;
	s6 =	sshll.u32 @p0 s4, $0x11  }
0xaa: {  	s5 =	sor.u32 @p0 s6, s5  }
0xab: {  	[sflag:s5] =	ssyncadd.remote.s32 @p0 $0x1;
	_ =	sdelay $0x1  }
0xac: {  	s5 =	simm.s32 @p0 $0x1B8D  }
0xad: {  	_ =	swait.eq @p0 [sflag:s5], $0x1  }
0xae: {  	[sflag:s5] =	ssyncadd.s32 @p0 $0xFFFFFFFF  }
0xaf: {  	s6 =	sshll.u32 @!p0 s1, $0xE  }
0xb0: {  	s6 =	sor.u32 @!p0 $0x4000, s6;
	s5 =	simm.s32 @!p0 $0x1B8D  }
0xb1: {  	s4 =	sshll.u32 @!p0 s4, $0x11;
	s6 =	sadd.s32 @!p0 $0x11B8D, s6;
	_ =	swait.eq @!p0 [sflag:s5], $0x1  }
0xb2: {  	s4 =	sor.u32 @!p0 s4, s6;
	[sflag:s5] =	ssyncadd.s32 @!p0 $0xFFFFFFFF  }
0xb3: {  	s25 =	simm.s32 $0x1B8E;
	s24 =	sld [smem:$0x3FFE];
	[sflag:s4] =	ssyncadd.remote.s32 @!p0 $0x1  }
0xb4: {  	s26 =	simm.s32 $execute0_lowered;
	[smem:$0x3FD2] =	sst s25  }
0xb5: {  	s5 =	sshll.u32 s26, $0x1;
	_ =	strace $0x80000049;
	[dreg:$0x1] =	wrdreg $0xFFFFFFFF  }
0xb6: {  	s28 =	simm.s32 $_size_execute0_lowered;
	s3 =	sadd.s32 s3, s5;
	[dreg:$0x0] =	wrdreg $0x0  }
0xb7: {  	s5 =	sshll.u32 s28, $0x1;
	[dreg:$0x2] =	wrdreg s3  }
0xb8: {  	[dreg:$0x3] =	wrdreg s5  }
0xb9: {  	[dreg:$0x4] =	wrdreg $0xC0  }
0xba: {  	_ =	task [dreg:s22], $0x5FFFF  }
0xbb: {  	[dreg:$0x1] =	wrdreg $0xFFFFFFFF  }
0xbc: {  	[dreg:$0x0] =	wrdreg $0x60  }
0xbd: {  	[dreg:$0x2] =	wrdreg s24  }
0xbe: {  	[dreg:$0x3] =	wrdreg $0x150000  }
0xbf: {  	[dreg:$0x4] =	wrdreg $0x9  }
0xc0: {  	_ =	task.clear_ibuf [dreg:s22], $0x5FFFF;
	_ =	strace $0x90000049  }
0xc1: {  	s29 =	simm.s32 $0x9;
	_ =	strace $0x8000004B  }
0xc2: {  	_ =	swait.ge [sflag:s29], $0x1  }
0xc3: {  	[sflag:s29] =	ssyncadd.s32 $0xFFFFFFFF  }
0xc4: {  	_ =	strace $0x9000004B  }
0xc5: {  	_ =	sfence  }
0xc6: {  	s30 =	sld [smem:$0x0];
	_ =	sdelay $0x2  }
0xc7: {  	s31 =	sshll.u32 s1, $0xD;
	s1 =	sshrl.u32 s1, $0x2  }
0xc8: {  	s4 =	sand.u32 $0x4000, s31;
	s1 =	sadd.s32 s1, s30  }
0xc9: {  	s0 =	sor.u32 s4, s0;
	s1 =	sshll.u32 s1, $0x11  }
0xca: {  	s0 =	sor.u32 s1, s0  }
0xcb: {  	s0 =	sadd.s32 $0x8F2B, s0  }
0xcc: {  	[sflag:s0] =	ssyncadd.remote.s32 $0x1  }
0xcd: {  	_ =	sfence.sel $0xFFFF  }
0xce: {  	[dreg:$0x0] =	wrdreg $0xFFFFFFFF;
	(pc) =	sbr.abs _section_cstart, $3  }
0xcf: {  	[dreg:$0x1] =	wrdreg $0xFFFFFFFF  }
0xd0: {  	_ =	task.clear_ibuf [dreg:s22], $0x2FFFF;
	_ =	strace $0x9FFFFFFF  }
0xd1: {  	(tm) =	ssettm $0x7FFFFFFF  }
tec
execute0_lowered:
.L_overlay_start_1:
0x0: {  	(tag) =	ssettag $0x1  }
0x1: {  	s0 =	rddreg [dreg:$0x0];
	s10 =	stileid.u32  }
0x2: {  	s1 =	srdreg.scid;
	s2 =	rddreg [dreg:$0x1]  }
0x3: {  	s3 =	simm.s32 $0x0;
	s14 =	simm.s32 $0x9;
	s15 =	simm.s32 $0x2800  }
0x4: {  	s16 =	simm.s32 $0x7D;
	s17 =	simm.s32 $0x5000;
	s4 =	smul.u32 $0x5000, s10  }
0x5: {  	s29 =	simm.s32 $0x5;
	s31 =	simm.s32 $0x3;
	s8 =	smul.u32 $0xA000, s10  }
0x6: {  	s11 =	simm.s32 $0x8;
	s12 =	simm.s32 $0x0;
	s19 =	smul.u32 $0x29000, s10  }
0x7: {  	s1 =	sand.u32 $0x1, s1;
	[smem:$0x7FF] =	sst s3;
	s23 =	smul.u32 $0x28000, s10  }
0x8: {  	s9 =	sadd.s32 $0x110600, s0;
	s22 =	sshll.u32 s10, $0x6;
	s5 =	smul.u32 $0x50000, s1  }
0x9: {  	s10 =	simm.s32 $0x300;
	_ =	strace $0x8000004A;
	s6 =	smul.u32 $0xA0000, s1  }
0xa: {  	s1 =	ssub.s32 $0x2, s1;
	[dreg:$0x3] =	wrdreg s9;
	s9 =	simm.s32 $0x7  }
0xb: {  	s7 =	sshrl.u32 s4, $0x3;
	s20 =	sshrl.u32 s1, $0x1;
	s21 =	sshrl.u32 s19, $0x2  }
0xc: {  	s26 =	sshrl.u32 s23, $0x2;
	s19 =	simm.s32 $0x9000;
	s5 =	sadd.s32 s4, s5  }
0xd: {  	s4 =	sadd.s32 $0x98600, s0;
	s7 =	sadd.s32 s7, s0;
	s6 =	sadd.s32 s8, s6  }
0xe: {  	s1 =	ssub.s32 s1, s20;
	s8 =	sadd.s32 s21, s2;
	s28 =	sadd.s32 s26, s2  }
0xf: {  	s21 =	simm.s32 $0xD000;
	s26 =	simm.s32 $0x2;
	s5 =	sshrl.u32 s5, $0x3  }
0x10: {  	s6 =	sshrl.u32 s6, $0x3;
	s24 =	sadd.s32 $0x2600, s7;
	s7 =	sadd.s32 $0x2B00, s7  }
0x11: {  	s1 =	smax.u32 s1, $0x1;
	s30 =	sshrl.u32 s8, $0x3;
	[dreg:$0x4] =	wrdreg s24  }
0x12: {  	s8 =	simm.s32 $0x2980;
	s5 =	sadd.s32 s5, s0;
	[dreg:$0x6] =	wrdreg s7  }
0x13: {  	s0 =	sadd.s32 s6, s0;
	s6 =	sor.u32 $0x1C09, s22;
	[dreg:$0x9] =	wrdreg s1  }
.Ltmp0:
0x14: {  	[dreg:$0xa] =	wrdreg s30;
	s25 =	sadd.s32 $0xC600, s5;
	(pc) =	sbr.rel .LBB2_1-.Ltmp0, $4  }
0x15: {  	s22 =	simm.s32 $0x1;
	s5 =	sadd.s32 $0xCB00, s5;
	[dreg:$0x5] =	wrdreg s25  }
0x16: {  	s24 =	simm.s32 $0x11000;
	s0 =	sadd.s32 $0x139C00, s0;
	[dreg:$0x7] =	wrdreg s5  }
0x17: {  	s1 =	simm.s32 $0x2900;
	s7 =	simm.s32 $0x4;
	[dreg:$0x8] =	wrdreg s0  }
0x18: {  	s25 =	sshrl.u32 s28, $0x3;
	s0 =	simm.s32 $0x6;
	s5 =	simm.s32 $0x280  }
.LBB2_7:
0x19: {  	_ =	swait.ge [sflag:s29], $0x3E80  }
0x1a: {  	[sflag:s29] =	ssyncset.done $0x0  }
0x1b: {  	[sflag:s29] =	ssyncadd.s32 $0xFFFFC180  }
0x1c: {  	_ =	swait.ge [sflag:s0], $0x3E80  }
0x1d: {  	[sflag:s0] =	ssyncset.done $0x0  }
0x1e: {  	[sflag:s0] =	ssyncadd.s32 $0xFFFFC180  }
0x1f: {  	_ =	swait.ge [sflag:s9], $0x3E80  }
0x20: {  	[sflag:s9] =	ssyncset.done $0x0  }
0x21: {  	[sflag:s9] =	ssyncadd.s32 $0xFFFFC180  }
0x22: {  	_ =	swait.ge [sflag:s11], $0x3E80  }
0x23: {  	[sflag:s11] =	ssyncset.done $0x0  }
0x24: {  	[sflag:s11] =	ssyncadd.s32 $0xFFFFC180  }
0x25: {  	[bflag:$0x0] =	sbarrier.arrive $0xFFFF  }
0x26: {  	s13 =	rddreg [dreg:$0x8]  }
0x27: {  	[hbm:s13], [sflag:s6] =	dma.local [spmem:s25], $0x1400  }
0x28: {  	_ =	swait.ge [sflag:s14], $0x1400  }
0x29: {  	s12 =	sadd.s32 $0x1, s12;
	s30 =	rddreg [dreg:$0x9]  }
0x2a: {  	p0 =	sne.s32 s12, s30  }
.Ltmp1:
0x2b: {  	_ = 	snop;
	(pc) =	sbr.rel @!p0 .LBB2_8-.Ltmp1, $3  }
0x2c: {  	_ =	sdelay $0x1  }
0x2d: {  	[sflag:s14] =	ssyncset.done $0x0  }
0x2e: {  	[sflag:s14] =	ssyncadd.s32 $0xFFFFEC00  }
.LBB2_1:
0x2f: {  	s13 =	rddreg [dreg:$0x3]  }
0x30: {  	s18 =	rddreg [dreg:$0xa]  }
0x31: {  	[spmem:s18], [sflag:s6] =	dma.local [hbm:s13], $0x1480  }
0x32: {  	_ =	swait.ge [sflag:s14], $0x1480  }
0x33: {  	[sflag:s14] =	ssyncset.done $0x0  }
0x34: {  	[sflag:s14] =	ssyncadd.s32 $0xFFFFEB80  }
0x35: {  	[bflag:$0x0] =	sbarrier.arrive $0xFFFF  }
0x36: {  	s28 =	rddreg [dreg:$0x4]  }
0x37: {  	[tilespmem:s3], [sflag:$0x9] =	stream.linear.gather [hbm4b:s28+s3], $0x2800, $0x38;
	[tilespmem:$0x1F400] =	vst v63  }
0x38: {  	_ =	swait.ge [sflag:s14], $0x2800  }
0x39: {  	[sflag:s14] =	ssyncset.done $0x0  }
0x3a: {  	s30 =	rddreg [dreg:$0x5];
	[sflag:s14] =	ssyncadd.s32 $0xFFFFD800  }
0x3b: {  	[tilespmem:s15], [sflag:$0x9] =	stream.linear.gather [hbm4b:s30+s3], $0x2800, $0x38;
	[tilespmem:$0x1F400] =	vst v63  }
0x3c: {  	_ =	swait.ge [sflag:s14], $0x2800  }
0x3d: {  	[sflag:s14] =	ssyncset.done $0x0  }
0x3e: {  	[sflag:s14] =	ssyncadd.s32 $0xFFFFD800  }
0x3f: {  	[tilespmem:s17], [sflag:$0x1] =	stream.indirect.gather [hbm4b:s4+s16], $0x80, s3, s16, $0xb8;
	[tilespmem:$0x1F400] =	vst v63  }
0x40: {  	s18 =	simm.s32 $0x80  }
0x41: {  	[tilespmem:s19], [sflag:$0x2] =	stream.indirect.gather [hbm4b:s4+s16], $0x80, s18, s16, $0xb8;
	[tilespmem:$0x1F400] =	vst v63  }
0x42: {  	s20 =	simm.s32 $0x100  }
0x43: {  	[tilespmem:s21], [sflag:$0x3] =	stream.indirect.gather [hbm4b:s4+s16], $0x80, s20, s16, $0xb8;
	[tilespmem:$0x1F400] =	vst v63  }
0x44: {  	_ =	swait.ge [sflag:s22], $0x3E80  }
0x45: {  	[sflag:s22] =	ssyncset.done $0x0  }
0x46: {  	[sflag:s22] =	ssyncadd.s32 $0xFFFFC180  }
0x47: {  	[spmem:s2] =	stream.indirect.scatter.add.f32 [tilespmem:s17], [sflag:$0x5], $0x80, s15, s16, $0xb8;
	[tilespmem:$0x1F400] =	vst v63  }
0x48: {  	s23 =	simm.s32 $0x180  }
0x49: {  	[tilespmem:s24], [sflag:$0x4] =	stream.indirect.gather [hbm4b:s4+s16], $0x80, s23, s16, $0xb8;
	[tilespmem:$0x1F400] =	vst v63  }
0x4a: {  	_ =	swait.ge [sflag:s26], $0x3E80  }
0x4b: {  	[sflag:s26] =	ssyncset.done $0x0  }
0x4c: {  	s28 =	simm.s32 $0x2880;
	[sflag:s26] =	ssyncadd.s32 $0xFFFFC180  }
0x4d: {  	[spmem:s2] =	stream.indirect.scatter.add.f32 [tilespmem:s19], [sflag:$0x6], $0x80, s28, s16, $0xb8;
	[tilespmem:$0x1F400] =	vst v63  }
0x4e: {  	_ =	swait.ge [sflag:s29], $0x3E80  }
0x4f: {  	[sflag:s29] =	ssyncset.done $0x0  }
0x50: {  	s30 =	simm.s32 $0x200;
	[sflag:s29] =	ssyncadd.s32 $0xFFFFC180  }
0x51: {  	[tilespmem:s17], [sflag:$0x1] =	stream.indirect.gather [hbm4b:s4+s16], $0x80, s30, s16, $0xb8;
	[tilespmem:$0x1F400] =	vst v63  }
0x52: {  	_ =	swait.ge [sflag:s31], $0x3E80  }
0x53: {  	[sflag:s31] =	ssyncset.done $0x0  }
0x54: {  	[sflag:s31] =	ssyncadd.s32 $0xFFFFC180  }
0x55: {  	[spmem:s2] =	stream.indirect.scatter.add.f32 [tilespmem:s21], [sflag:$0x7], $0x80, s1, s16, $0xb8;
	[tilespmem:$0x1F400] =	vst v63  }
0x56: {  	_ =	swait.ge [sflag:s0], $0x3E80  }
0x57: {  	[sflag:s0] =	ssyncset.done $0x0  }
0x58: {  	[sflag:s0] =	ssyncadd.s32 $0xFFFFC180  }
0x59: {  	[tilespmem:s19], [sflag:$0x2] =	stream.indirect.gather [hbm4b:s4+s16], $0x80, s5, s16, $0xb8;
	[tilespmem:$0x1F400] =	vst v63  }
0x5a: {  	_ =	swait.ge [sflag:s7], $0x3E80  }
0x5b: {  	[sflag:s7] =	ssyncset.done $0x0  }
0x5c: {  	[sflag:s7] =	ssyncadd.s32 $0xFFFFC180  }
0x5d: {  	[spmem:s2] =	stream.indirect.scatter.add.f32 [tilespmem:s24], [sflag:$0x8], $0x80, s8, s16, $0xb8;
	[tilespmem:$0x1F400] =	vst v63  }
0x5e: {  	_ =	swait.ge [sflag:s9], $0x3E80  }
0x5f: {  	[sflag:s9] =	ssyncset.done $0x0  }
0x60: {  	s13 =	simm.s32 $0x0;
	[sflag:s9] =	ssyncadd.s32 $0xFFFFC180  }
0x61: {  	[tilespmem:s21], [sflag:$0x3] =	stream.indirect.gather [hbm4b:s4+s16], $0x80, s10, s16, $0xb8;
	[tilespmem:$0x1F400] =	vst v63  }
.LBB2_2:
0x62: {  	_ =	swait.ge [sflag:s22], $0x3E80  }
0x63: {  	s18 =	sshra.s32 s13, $0x2;
	[sflag:s22] =	ssyncset.done $0x0  }
0x64: {  	s20 =	sadd.s32 $0x2A00, s18;
	[sflag:s22] =	ssyncadd.s32 $0xFFFFC180  }
0x65: {  	[spmem:s2] =	stream.indirect.scatter.add.f32 [tilespmem:s17], [sflag:$0x5], $0x80, s20, s16, $0xb8;
	[tilespmem:$0x1F400] =	vst v63  }
0x66: {  	_ =	swait.ge [sflag:s11], $0x3E80  }
0x67: {  	[sflag:s11] =	ssyncset.done $0x0  }
0x68: {  	s23 =	sadd.s32 $0x380, s18;
	[sflag:s11] =	ssyncadd.s32 $0xFFFFC180  }
0x69: {  	[tilespmem:s24], [sflag:$0x4] =	stream.indirect.gather [hbm4b:s4+s16], $0x80, s23, s16, $0xb8;
	[tilespmem:$0x1F400] =	vst v63  }
0x6a: {  	_ =	swait.ge [sflag:s26], $0x3E80  }
0x6b: {  	p0 =	seq.s32 s13, $0x9000;
	[sflag:s26] =	ssyncset.done $0x0  }
0x6c: {  	s28 =	sadd.s32 $0x2A80, s18;
	s20 =	simm.s32 @p0 $0x3;
	[sflag:s26] =	ssyncadd.s32 $0xFFFFC180  }
0x6d: {  	[spmem:s2] =	stream.indirect.scatter.add.f32 [tilespmem:s19], [sflag:$0x6], $0x80, s28, s16, $0xb8;
	[tilespmem:$0x1F400] =	vst v63  }
0x6e: {  	_ =	swait.ge @p0 [sflag:s20], $0x3E80  }
0x6f: {  	[sflag:s20] =	ssyncset.done @p0 $0x0  }
0x70: {  	[sflag:s20] =	ssyncadd.s32 @p0 $0xFFFFC180;
	s20 =	sshra.s32 @p0 s13, $0x2  }
0x71: {  	s23 =	simm.s32 @p0 $0x7D;
	s28 =	simm.s32 @p0 $0xD000;
	s20 =	sadd.s32 @p0 $0x2B00, s20  }
0x72: {  	[spmem:s2] =	stream.indirect.scatter.add.f32 @p0 [tilespmem:s28], [sflag:$0x7], $0x80, s20, s23, $0xb8;
	[tilespmem:$0x1F400] =	vst v63  }
0x73: {  	s20 =	simm.s32 @!p0 $0x5  }
0x74: {  	_ =	swait.ge @!p0 [sflag:s20], $0x3E80  }
0x75: {  	[sflag:s20] =	ssyncset.done @!p0 $0x0  }
0x76: {  	[sflag:s20] =	ssyncadd.s32 @!p0 $0xFFFFC180;
	s20 =	sshra.s32 @!p0 s13, $0x2  }
0x77: {  	s30 =	simm.s32 @!p0 $0x5000;
	s28 =	simm.s32 @!p0 $0x7D;
	s23 =	sadd.s32 @!p0 $0x400, s20  }
0x78: {  	[tilespmem:s30], [sflag:$0x1] =	stream.indirect.gather @!p0 [hbm4b:s4+s28], $0x80, s23, s28, $0xb8;
	[tilespmem:$0x1F400] =	vst v63  }
0x79: {  	s23 =	simm.s32 @!p0 $0x3  }
0x7a: {  	_ =	swait.ge @!p0 [sflag:s23], $0x3E80  }
0x7b: {  	[sflag:s23] =	ssyncset.done @!p0 $0x0  }
0x7c: {  	s30 =	simm.s32 @!p0 $0xD000;
	[sflag:s23] =	ssyncadd.s32 @!p0 $0xFFFFC180;
	s23 =	sadd.s32 @!p0 $0x2B00, s20  }
0x7d: {  	[spmem:s2] =	stream.indirect.scatter.add.f32 @!p0 [tilespmem:s30], [sflag:$0x7], $0x80, s23, s28, $0xb8;
	[tilespmem:$0x1F400] =	vst v63  }
0x7e: {  	s23 =	simm.s32 @!p0 $0x6  }
0x7f: {  	_ =	swait.ge @!p0 [sflag:s23], $0x3E80  }
0x80: {  	[sflag:s23] =	ssyncset.done @!p0 $0x0  }
0x81: {  	s20 =	sadd.s32 @!p0 $0x480, s20;
	[sflag:s23] =	ssyncadd.s32 @!p0 $0xFFFFC180;
	s23 =	simm.s32 @!p0 $0x9000  }
0x82: {  	[tilespmem:s23], [sflag:$0x2] =	stream.indirect.gather @!p0 [hbm4b:s4+s28], $0x80, s20, s28, $0xb8;
	[tilespmem:$0x1F400] =	vst v63  }
.Ltmp2:
0x83: {  	_ = 	snop;
	(pc) =	sbr.rel @p0 .LBB2_4-.Ltmp2, $4  }
0x84: {  	_ =	swait.ge [sflag:s7], $0x3E80  }
0x85: {  	[sflag:s7] =	ssyncset.done $0x0  }
0x86: {  	s30 =	sadd.s32 $0x2B80, s18;
	[sflag:s7] =	ssyncadd.s32 $0xFFFFC180  }
0x87: {  	[spmem:s2] =	stream.indirect.scatter.add.f32 [tilespmem:s24], [sflag:$0x8], $0x80, s30, s16, $0xb8;
	[tilespmem:$0x1F400] =	vst v63  }
.Ltmp3:
0x88: {  	(pc) =	sbr.rel .LBB2_2-.Ltmp3, $4  }
0x89: {  	_ =	swait.ge [sflag:s9], $0x3E80  }
0x8a: {  	[sflag:s9] =	ssyncset.done $0x0  }
0x8b: {  	s18 =	sadd.s32 $0x500, s18;
	s13 =	sadd.s32 $0x800, s13;
	[sflag:s9] =	ssyncadd.s32 $0xFFFFC180  }
0x8c: {  	[tilespmem:s21], [sflag:$0x3] =	stream.indirect.gather [hbm4b:s4+s16], $0x80, s18, s16, $0xb8;
	[tilespmem:$0x1F400] =	vst v63  }
.LBB2_4:
0x8d: {  	_ =	swait.ge [sflag:s29], $0x3E80  }
0x8e: {  	[sflag:s29] =	ssyncset.done $0x0  }
0x8f: {  	[sflag:s29] =	ssyncadd.s32 $0xFFFFC180  }
0x90: {  	_ =	swait.ge [sflag:s0], $0x3E80  }
0x91: {  	[sflag:s0] =	ssyncset.done $0x0  }
0x92: {  	[sflag:s0] =	ssyncadd.s32 $0xFFFFC180  }
0x93: {  	_ =	swait.ge [sflag:s9], $0x3E80  }
0x94: {  	[sflag:s9] =	ssyncset.done $0x0  }
0x95: {  	[sflag:s9] =	ssyncadd.s32 $0xFFFFC180  }
0x96: {  	_ =	swait.ge [sflag:s11], $0x3E80  }
0x97: {  	[sflag:s11] =	ssyncset.done $0x0  }
0x98: {  	s13 =	simm.s32 $0x0;
	s18 =	rddreg [dreg:$0x6];
	[sflag:s11] =	ssyncadd.s32 $0xFFFFC180  }
0x99: {  	[tilespmem:s13], [sflag:$0x9] =	stream.linear.gather [hbm4b:s18+s13], $0x2800, $0x38;
	[tilespmem:$0x1F400] =	vst v63  }
0x9a: {  	_ =	swait.ge [sflag:s14], $0x2800  }
0x9b: {  	[sflag:s14] =	ssyncset.done $0x0  }
0x9c: {  	s28 =	rddreg [dreg:$0x7];
	[sflag:s14] =	ssyncadd.s32 $0xFFFFD800  }
0x9d: {  	[tilespmem:s15], [sflag:$0x9] =	stream.linear.gather [hbm4b:s28+s13], $0x2800, $0x38;
	[tilespmem:$0x1F400] =	vst v63  }
0x9e: {  	_ =	swait.ge [sflag:s14], $0x2800  }
0x9f: {  	[sflag:s14] =	ssyncset.done $0x0  }
0xa0: {  	[sflag:s14] =	ssyncadd.s32 $0xFFFFD800  }
0xa1: {  	[tilespmem:s17], [sflag:$0x1] =	stream.indirect.gather [hbm4b:s4+s16], $0x80, s13, s16, $0xb8;
	[tilespmem:$0x1F400] =	vst v63  }
0xa2: {  	s30 =	simm.s32 $0x80  }
0xa3: {  	[tilespmem:s19], [sflag:$0x2] =	stream.indirect.gather [hbm4b:s4+s16], $0x80, s30, s16, $0xb8;
	[tilespmem:$0x1F400] =	vst v63  }
0xa4: {  	s20 =	simm.s32 $0x100  }
0xa5: {  	[tilespmem:s21], [sflag:$0x3] =	stream.indirect.gather [hbm4b:s4+s16], $0x80, s20, s16, $0xb8;
	[tilespmem:$0x1F400] =	vst v63  }
0xa6: {  	_ =	swait.ge [sflag:s22], $0x3E80  }
0xa7: {  	[sflag:s22] =	ssyncset.done $0x0  }
0xa8: {  	[sflag:s22] =	ssyncadd.s32 $0xFFFFC180  }
0xa9: {  	[spmem:s2] =	stream.indirect.scatter.add.f32 [tilespmem:s17], [sflag:$0x5], $0x80, s15, s16, $0xb8;
	[tilespmem:$0x1F400] =	vst v63  }
0xaa: {  	s23 =	simm.s32 $0x180  }
0xab: {  	[tilespmem:s24], [sflag:$0x4] =	stream.indirect.gather [hbm4b:s4+s16], $0x80, s23, s16, $0xb8;
	[tilespmem:$0x1F400] =	vst v63  }
0xac: {  	_ =	swait.ge [sflag:s26], $0x3E80  }
0xad: {  	[sflag:s26] =	ssyncset.done $0x0  }
0xae: {  	s28 =	simm.s32 $0x2880;
	[sflag:s26] =	ssyncadd.s32 $0xFFFFC180  }
0xaf: {  	[spmem:s2] =	stream.indirect.scatter.add.f32 [tilespmem:s19], [sflag:$0x6], $0x80, s28, s16, $0xb8;
	[tilespmem:$0x1F400] =	vst v63  }
0xb0: {  	_ =	swait.ge [sflag:s29], $0x3E80  }
0xb1: {  	[sflag:s29] =	ssyncset.done $0x0  }
0xb2: {  	s30 =	simm.s32 $0x200;
	[sflag:s29] =	ssyncadd.s32 $0xFFFFC180  }
0xb3: {  	[tilespmem:s17], [sflag:$0x1] =	stream.indirect.gather [hbm4b:s4+s16], $0x80, s30, s16, $0xb8;
	[tilespmem:$0x1F400] =	vst v63  }
0xb4: {  	_ =	swait.ge [sflag:s31], $0x3E80  }
0xb5: {  	[sflag:s31] =	ssyncset.done $0x0  }
0xb6: {  	[sflag:s31] =	ssyncadd.s32 $0xFFFFC180  }
0xb7: {  	[spmem:s2] =	stream.indirect.scatter.add.f32 [tilespmem:s21], [sflag:$0x7], $0x80, s1, s16, $0xb8;
	[tilespmem:$0x1F400] =	vst v63  }
0xb8: {  	_ =	swait.ge [sflag:s0], $0x3E80  }
0xb9: {  	[sflag:s0] =	ssyncset.done $0x0  }
0xba: {  	[sflag:s0] =	ssyncadd.s32 $0xFFFFC180  }
0xbb: {  	[tilespmem:s19], [sflag:$0x2] =	stream.indirect.gather [hbm4b:s4+s16], $0x80, s5, s16, $0xb8;
	[tilespmem:$0x1F400] =	vst v63  }
0xbc: {  	_ =	swait.ge [sflag:s7], $0x3E80  }
0xbd: {  	[sflag:s7] =	ssyncset.done $0x0  }
0xbe: {  	[sflag:s7] =	ssyncadd.s32 $0xFFFFC180  }
0xbf: {  	[spmem:s2] =	stream.indirect.scatter.add.f32 [tilespmem:s24], [sflag:$0x8], $0x80, s8, s16, $0xb8;
	[tilespmem:$0x1F400] =	vst v63  }
0xc0: {  	_ =	swait.ge [sflag:s9], $0x3E80  }
0xc1: {  	[sflag:s9] =	ssyncset.done $0x0  }
0xc2: {  	[sflag:s9] =	ssyncadd.s32 $0xFFFFC180  }
0xc3: {  	[tilespmem:s21], [sflag:$0x3] =	stream.indirect.gather [hbm4b:s4+s16], $0x80, s10, s16, $0xb8;
	[tilespmem:$0x1F400] =	vst v63  }
.LBB2_5:
0xc4: {  	_ =	swait.ge [sflag:s22], $0x3E80  }
0xc5: {  	s18 =	sshra.s32 s13, $0x2;
	[sflag:s22] =	ssyncset.done $0x0  }
0xc6: {  	s20 =	sadd.s32 $0x2A00, s18;
	[sflag:s22] =	ssyncadd.s32 $0xFFFFC180  }
0xc7: {  	[spmem:s2] =	stream.indirect.scatter.add.f32 [tilespmem:s17], [sflag:$0x5], $0x80, s20, s16, $0xb8;
	[tilespmem:$0x1F400] =	vst v63  }
0xc8: {  	_ =	swait.ge [sflag:s11], $0x3E80  }
0xc9: {  	[sflag:s11] =	ssyncset.done $0x0  }
0xca: {  	s23 =	sadd.s32 $0x380, s18;
	[sflag:s11] =	ssyncadd.s32 $0xFFFFC180  }
0xcb: {  	[tilespmem:s24], [sflag:$0x4] =	stream.indirect.gather [hbm4b:s4+s16], $0x80, s23, s16, $0xb8;
	[tilespmem:$0x1F400] =	vst v63  }
0xcc: {  	_ =	swait.ge [sflag:s26], $0x3E80  }
0xcd: {  	p0 =	seq.s32 s13, $0x9000;
	[sflag:s26] =	ssyncset.done $0x0  }
0xce: {  	s28 =	sadd.s32 $0x2A80, s18;
	s20 =	simm.s32 @p0 $0x3;
	[sflag:s26] =	ssyncadd.s32 $0xFFFFC180  }
0xcf: {  	[spmem:s2] =	stream.indirect.scatter.add.f32 [tilespmem:s19], [sflag:$0x6], $0x80, s28, s16, $0xb8;
	[tilespmem:$0x1F400] =	vst v63  }
0xd0: {  	_ =	swait.ge @p0 [sflag:s20], $0x3E80  }
0xd1: {  	[sflag:s20] =	ssyncset.done @p0 $0x0  }
0xd2: {  	[sflag:s20] =	ssyncadd.s32 @p0 $0xFFFFC180;
	s20 =	sshra.s32 @p0 s13, $0x2  }
0xd3: {  	s23 =	simm.s32 @p0 $0x7D;
	s28 =	simm.s32 @p0 $0xD000;
	s20 =	sadd.s32 @p0 $0x2B00, s20  }
0xd4: {  	[spmem:s2] =	stream.indirect.scatter.add.f32 @p0 [tilespmem:s28], [sflag:$0x7], $0x80, s20, s23, $0xb8;
	[tilespmem:$0x1F400] =	vst v63  }
0xd5: {  	s20 =	simm.s32 @!p0 $0x5  }
0xd6: {  	_ =	swait.ge @!p0 [sflag:s20], $0x3E80  }
0xd7: {  	[sflag:s20] =	ssyncset.done @!p0 $0x0  }
0xd8: {  	[sflag:s20] =	ssyncadd.s32 @!p0 $0xFFFFC180;
	s20 =	sshra.s32 @!p0 s13, $0x2  }
0xd9: {  	s30 =	simm.s32 @!p0 $0x5000;
	s28 =	simm.s32 @!p0 $0x7D;
	s23 =	sadd.s32 @!p0 $0x400, s20  }
0xda: {  	[tilespmem:s30], [sflag:$0x1] =	stream.indirect.gather @!p0 [hbm4b:s4+s28], $0x80, s23, s28, $0xb8;
	[tilespmem:$0x1F400] =	vst v63  }
0xdb: {  	s23 =	simm.s32 @!p0 $0x3  }
0xdc: {  	_ =	swait.ge @!p0 [sflag:s23], $0x3E80  }
0xdd: {  	[sflag:s23] =	ssyncset.done @!p0 $0x0  }
0xde: {  	s30 =	simm.s32 @!p0 $0xD000;
	[sflag:s23] =	ssyncadd.s32 @!p0 $0xFFFFC180;
	s23 =	sadd.s32 @!p0 $0x2B00, s20  }
0xdf: {  	[spmem:s2] =	stream.indirect.scatter.add.f32 @!p0 [tilespmem:s30], [sflag:$0x7], $0x80, s23, s28, $0xb8;
	[tilespmem:$0x1F400] =	vst v63  }
0xe0: {  	s23 =	simm.s32 @!p0 $0x6  }
0xe1: {  	_ =	swait.ge @!p0 [sflag:s23], $0x3E80  }
0xe2: {  	[sflag:s23] =	ssyncset.done @!p0 $0x0  }
0xe3: {  	s20 =	sadd.s32 @!p0 $0x480, s20;
	[sflag:s23] =	ssyncadd.s32 @!p0 $0xFFFFC180;
	s23 =	simm.s32 @!p0 $0x9000  }
0xe4: {  	[tilespmem:s23], [sflag:$0x2] =	stream.indirect.gather @!p0 [hbm4b:s4+s28], $0x80, s20, s28, $0xb8;
	[tilespmem:$0x1F400] =	vst v63  }
.Ltmp4:
0xe5: {  	_ = 	snop;
	(pc) =	sbr.rel @p0 .LBB2_7-.Ltmp4, $4  }
0xe6: {  	_ =	swait.ge [sflag:s7], $0x3E80  }
0xe7: {  	[sflag:s7] =	ssyncset.done $0x0  }
0xe8: {  	s30 =	sadd.s32 $0x2B80, s18;
	[sflag:s7] =	ssyncadd.s32 $0xFFFFC180  }
0xe9: {  	[spmem:s2] =	stream.indirect.scatter.add.f32 [tilespmem:s24], [sflag:$0x8], $0x80, s30, s16, $0xb8;
	[tilespmem:$0x1F400] =	vst v63  }
.Ltmp5:
0xea: {  	(pc) =	sbr.rel .LBB2_5-.Ltmp5, $4  }
0xeb: {  	_ =	swait.ge [sflag:s9], $0x3E80  }
0xec: {  	[sflag:s9] =	ssyncset.done $0x0  }
0xed: {  	s18 =	sadd.s32 $0x500, s18;
	s13 =	sadd.s32 $0x800, s13;
	[sflag:s9] =	ssyncadd.s32 $0xFFFFC180  }
0xee: {  	[tilespmem:s21], [sflag:$0x3] =	stream.indirect.gather [hbm4b:s4+s16], $0x80, s18, s16, $0xb8;
	[tilespmem:$0x1F400] =	vst v63  }
.LBB2_8:
0xef: {  	_ =	sfence.sel $0x180000  }
0xf0: {  	[bflag:$0x0] =	sbarrier.arrive $0xFFFF  }
0xf1: {  	_ =	strace $0x9000004A  }
0xf2: {  	s0 =	stileid.u32;
	[bflag:$0x2] =	sbarrier.arrive $0xFFFF  }
0xf3: {  	p0 =	sne.s32 s0, $0x0;
	s0 =	rddreg [dreg:$0x2]  }
0xf4: {  	s0 =	sadd.s32 @!p0 $0x100000, s0  }
0xf5: {  	[sflag:s0] =	ssyncadd.tile.s32 @!p0 $0x1;
	_ =	shalt  }
.Lfunc_end2:
_tile_overlayer_lowered:
.L_overlay_start_2:
0xf6: {  	(tag) =	ssettag $0x2  }
0xf7: {  	s0 =	rddreg [dreg:$0x0];
	s2 =	stileid.u32  }
0xf8: {  	s1 =	rddreg [dreg:$0x1];
	p0 =	sne.s32 s2, $0x0  }
0xf9: {  	s3 =	rddreg [dreg:$0x2];
	[bflag:$0x3] =	sbarrier.arrive $0xFFFF;
	s2 =	simm.s32 @!p0 $0x1C09  }
0xfa: {  	[timem:s3], [sflag:s2] =	dma.local @!p0 [hbm:s0], s1  }
0xfb: {  	s0 =	simm.s32 @!p0 $0x9  }
0xfc: {  	_ =	swait.ge @!p0 [sflag:s0], s1  }
0xfd: {  	s1 =	ssub.s32 @!p0 $0x0, s1;
	[sflag:s0] =	ssyncset.done @!p0 $0x0  }
0xfe: {  	[sflag:s0] =	ssyncadd.s32 @!p0 s1  }
0xff: {  	[bflag:$0x3] =	sbarrier.arrive $0xFFFF  }
0x100: {  	_ =	shalt  }

// kernel: kernel.9.cloned.1.call-start
scs
__scs_entry_jumppad:
0x0: {  	(pc) =	sbr.rel $0x88, $3  }
0x1: {  	(tag) =	ssettag $0x0;
	lr =	simm.s32 $0x1  }
0x2: {  	[smem:$0x3F90] =	sst lr;
	_ =	strace $0xD0000000  }
0x3: {  	_ = 	snop  }
0x4: {  	_ = 	snop  }
0x5: {  	_ = 	snop  }
0x6: {  	_ = 	snop  }
0x7: {  	_ = 	snop  }
__scs_overlays_trampoline_lowered:
0x8: {  	[smem:$0x3F9F] =	sst s0  }
0x9: {  	[smem:$0x3FA0] =	sst s1  }
0xa: {  	[smem:$0x3FA1] =	sst s2  }
0xb: {  	[smem:$0x3FA2] =	sst s3  }
0xc: {  	[smem:$0x3FA3] =	sst s4  }
0xd: {  	[smem:$0x3FA4] =	sst s5  }
0xe: {  	[smem:$0x3FA5] =	sst s6  }
0xf: {  	[smem:$0x3FA6] =	sst s7  }
0x10: {  	[smem:$0x3FA7] =	sst s8  }
0x11: {  	[smem:$0x3FA8] =	sst s9;
	s0 =	simm.s32 @!p0 $0x0  }
0x12: {  	s1 =	sld [smem:$0x3F8E];
	s0 =	simm.s32 @p0 $0x1  }
0x13: {  	[smem:$0x3FA9] =	sst s0;
	s0 =	simm.s32 @!p1 $0x0  }
0x14: {  	s2 =	sld [smem:$0x3F8D];
	s0 =	simm.s32 @p1 $0x1  }
0x15: {  	[smem:$0x3FAA] =	sst s0;
	s0 =	simm.s32 @!p2 $0x0  }
0x16: {  	s3 =	sld [smem:$0x3FDB];
	s0 =	simm.s32 @p2 $0x1  }
0x17: {  	s4 =	simm.s32 $0x1BF5;
	[smem:$0x3FAC] =	sst s0  }
0x18: {  	s0 =	sld [smem:$0x3F8F];
	_ =	swait.ge [sflag:s4], $0x0  }
0x19: {  	s7 =	sld [smem:$0x3F90]  }
0x1a: {  	s8 =	sadd.s32 $0xFFFFE003, lr  }
0x1b: {  	s9 =	sadd.s32 $0xFFFFFEF7, lr;
	s5 =	simm.s32 $0xFFFFFFFF;
	p2 =	slt.u32 s8, $0xFFFFF086  }
0x1c: {  	p1 =	slt.u32 s9, $0xF7A;
	s5 =	simm.s32 @!p2 $0x0  }
0x1d: {  	s5 =	simm.s32 @p1 $0x1;
	p0 =	seq.s32 s7, s2  }
0x1e: {  	s7 =	smul.u32 @!p0 $0xF7A, s2;
	p2 =	seq.s32 @!p0 s5, $0x0  }
0x1f: {  	s9 =	smul.u32 $0xF7A, s1;
	s8 =	simm.s32 @!p0 $0x1BF5;
	p2 =	por !p2, p0  }
0x20: {  	[sflag:s8] =	ssyncset.s32 @!p0 $0xFFFFF086;
	s6 =	sadd.s32 @!p0 s3, s7;
	s7 =	simm.s32 @!p0 $0x108  }
0x21: {  	s3 =	sadd.s32 s3, s9;
	s6 =	sadd.s32 @!p0 $0x88, s6;
	s7 =	simm.s32 @p2 $0x1082  }
0x22: {  	[simem:s7], [sflag:s8] =	dma.local @!p0 [hbm:s6], $0xF7A  }
0x23: {  	s9 =	sor.u32 $0xD0000000, s2;
	s6 =	simm.s32 $0x108;
	_ =	swait.ge @!p0 [sflag:s8], $0x0  }
0x24: {  	s3 =	sadd.s32 $0x88, s3;
	s6 =	simm.s32 @!p1 $0x1082;
	[sflag:s4] =	ssyncset.s32 $0xFFFFF086  }
0x25: {  	[simem:s6], [sflag:s4] =	dma.local [hbm:s3], $0xF7A  }
0x26: {  	[smem:$0x3F90] =	sst s1;
	(tag) =	ssettag s2;
	_ =	strace s9  }
0x27: {  	s1 =	sld [smem:$0x3FA0]  }
0x28: {  	s2 =	sld [smem:$0x3FA1]  }
0x29: {  	s4 =	sld [smem:$0x3FA3]  }
0x2a: {  	p0 =	seq.s32 s5, $0x0;
	s5 =	sld [smem:$0x3FA4]  }
0x2b: {  	s6 =	sld [smem:$0x3FA5]  }
0x2c: {  	s7 =	sld [smem:$0x3FA6]  }
0x2d: {  	s3 =	simm.s32 $0x108;
	s8 =	sld [smem:$0x3FA7]  }
0x2e: {  	s3 =	simm.s32 @!p0 $0x1082;
	s9 =	sld [smem:$0x3FA8]  }
0x2f: {  	lr =	sadd.s32 s0, s3;
	s0 =	sld [smem:$0x3F9F]  }
0x30: {  	s3 =	sld [smem:$0x3FA2]  }
0x31: {  	[smem:$0x3FAB] =	sst s10  }
0x32: {  	s10 =	sld [smem:$0x3FA9];
	_ =	sdelay $0x3  }
0x33: {  	p0 =	seq.s32 s10, $0x1;
	s10 =	sld [smem:$0x3FAB];
	_ =	sdelay $0x3  }
0x34: {  	[smem:$0x3FAB] =	sst s10  }
0x35: {  	s10 =	sld [smem:$0x3FAA];
	_ =	sdelay $0x3  }
0x36: {  	p1 =	seq.s32 s10, $0x1;
	s10 =	sld [smem:$0x3FAB];
	_ =	sdelay $0x3  }
0x37: {  	[smem:$0x3FAB] =	sst s10  }
0x38: {  	s10 =	sld [smem:$0x3FAC]  }
0x39: {  	_ = 	snop;
	(pc) =	sbr.ind lr, $3  }
0x3a: {  	_ = 	snop  }
0x3b: {  	_ = 	snop  }
0x3c: {  	p2 =	seq.s32 s10, $0x1;
	s10 =	sld [smem:$0x3FAB]  }
0x3d: {  	_ =	shalt  }
0x3e: {  	_ =	shalt  }
0x3f: {  	_ =	shalt  }
0x40: {  	_ =	shalt  }
0x41: {  	_ =	shalt  }
0x42: {  	_ =	shalt  }
0x43: {  	_ =	shalt  }
0x44: {  	_ =	shalt  }
0x45: {  	_ =	shalt  }
0x46: {  	_ =	shalt  }
0x47: {  	_ =	shalt  }
0x48: {  	_ =	shalt  }
0x49: {  	_ =	shalt  }
0x4a: {  	_ =	shalt  }
0x4b: {  	_ =	shalt  }
0x4c: {  	_ =	shalt  }
0x4d: {  	_ =	shalt  }
0x4e: {  	_ =	shalt  }
0x4f: {  	_ =	shalt  }
0x50: {  	_ =	shalt  }
0x51: {  	_ =	shalt  }
0x52: {  	_ =	shalt  }
0x53: {  	_ =	shalt  }
0x54: {  	_ =	shalt  }
0x55: {  	_ =	shalt  }
0x56: {  	_ =	shalt  }
0x57: {  	_ =	shalt  }
0x58: {  	_ =	shalt  }
0x59: {  	_ =	shalt  }
0x5a: {  	_ =	shalt  }
0x5b: {  	_ =	shalt  }
0x5c: {  	_ =	shalt  }
0x5d: {  	_ =	shalt  }
0x5e: {  	_ =	shalt  }
0x5f: {  	_ =	shalt  }
0x60: {  	_ =	shalt  }
0x61: {  	_ =	shalt  }
0x62: {  	_ =	shalt  }
0x63: {  	_ =	shalt  }
0x64: {  	_ =	shalt  }
0x65: {  	_ =	shalt  }
0x66: {  	_ =	shalt  }
0x67: {  	_ =	shalt  }
0x68: {  	_ =	shalt  }
0x69: {  	_ =	shalt  }
0x6a: {  	_ =	shalt  }
0x6b: {  	_ =	shalt  }
0x6c: {  	_ =	shalt  }
0x6d: {  	_ =	shalt  }
0x6e: {  	_ =	shalt  }
0x6f: {  	_ =	shalt  }
0x70: {  	_ =	shalt  }
0x71: {  	_ =	shalt  }
0x72: {  	_ =	shalt  }
0x73: {  	_ =	shalt  }
0x74: {  	_ =	shalt  }
0x75: {  	_ =	shalt  }
0x76: {  	_ =	shalt  }
0x77: {  	_ =	shalt  }
0x78: {  	_ =	shalt  }
0x79: {  	_ =	shalt  }
0x7a: {  	_ =	shalt  }
0x7b: {  	_ =	shalt  }
0x7c: {  	_ =	shalt  }
0x7d: {  	_ =	shalt  }
0x7e: {  	_ =	shalt  }
0x7f: {  	_ =	shalt  }
0x80: {  	_ =	shalt  }
0x81: {  	_ =	shalt  }
0x82: {  	_ =	shalt  }
0x83: {  	_ =	shalt  }
0x84: {  	_ =	shalt  }
0x85: {  	_ =	shalt  }
0x86: {  	_ =	shalt  }
0x87: {  	_ =	shalt  }
.Lfunc_end0:
.L_simem_size_0:
called_computation.1_lowered:
.L_overlay_start_0:
0x88: {  	s2 =	sld [smem:$0x3FD9]  }
0x89: {  	s3 =	sld [smem:$0x3FFE];
	_ =	sdelay $0x1  }
0x8a: {  	s1 =	srdreg.scid  }
0x8b: {  	s0 =	sand.u32 $0x1, s1  }
0x8c: {  	s16 =	sshll.u32 s0, $0xA;
	s2 =	sadd.s32 s3, s2  }
0x8d: {  	s2 =	sadd.s32 s2, s16  }
0x8e: {  	[smem:$0x3FB7] =	sst s2  }
0x8f: {  	_ = 	snop  }
0x90: {  	(tm) =	ssettm $0x1  }
0x91: {  	s17 =	sld [smem:$0x3FFB];
	_ =	sdelay $0x3  }
0x92: {  	_ =	strace s17  }
0x93: {  	s2 =	sld [smem:$0x3FFC];
	_ =	sdelay $0x3  }
0x94: {  	_ =	strace s2  }
0x95: {  	s2 =	sld [smem:$0x3FFD];
	_ =	sdelay $0x3  }
0x96: {  	_ =	strace s2  }
0x97: {  	_ =	strace $0x8FFFFFFF  }
0x98: {  	s18 =	sld [smem:$0x3FDB];
	_ =	sdelay $0x1  }
0x99: {  	s19 =	simm.s32 $_scs_section_size  }
0x9a: {  	s4 =	simm.s32 $_size__tile_overlayer_lowered;
	s5 =	simm.s32 $_tile_overlayer_lowered  }
0x9b: {  	s22 =	simm.s32 $0x1BFF;
	s21 =	sshll.u32 s5, $0x1;
	s2 =	sadd.s32 s19, s18  }
0x9c: {  	s6 =	simm.s32 $0x0;
	s20 =	sshll.u32 s4, $0x1;
	s4 =	sadd.s32 s21, s2  }
0x9d: {  	[timem:s6], [sflag:s22] =	dma.local [hbm:s4], s20  }
0x9e: {  	_ =	swait.ge [sflag:s22], s20  }
0x9f: {  	s3 =	ssub.s32 $0x0, s20;
	[sflag:s22] =	ssyncset.done $0x0  }
0xa0: {  	[sflag:s22] =	ssyncadd.s32 s3;
	_ =	sdelay $0x1  }
0xa1: {  	s23 =	simm.s32 $0x1B8B  }
0xa2: {  	_ =	swait.ge [sflag:s23], $0x1  }
0xa3: {  	[sflag:s23] =	ssyncset.done $0x0  }
0xa4: {  	s25 =	simm.s32 $0x1B8E;
	s24 =	sld [smem:$0x3FFE];
	[sflag:s23] =	ssyncadd.s32 $0xFFFFFFFF  }
0xa5: {  	s26 =	simm.s32 $execute0_lowered;
	[smem:$0x3FD2] =	sst s25  }
0xa6: {  	s4 =	sshll.u32 s26, $0x1;
	_ =	strace $0x80000046;
	[dreg:$0x1] =	wrdreg $0xFFFFFFFF  }
0xa7: {  	s28 =	simm.s32 $_size_execute0_lowered;
	s2 =	sadd.s32 s2, s4;
	[dreg:$0x0] =	wrdreg $0x0  }
0xa8: {  	s4 =	sshll.u32 s28, $0x1;
	[dreg:$0x2] =	wrdreg s2  }
0xa9: {  	[dreg:$0x3] =	wrdreg s4  }
0xaa: {  	[dreg:$0x4] =	wrdreg $0xC0  }
0xab: {  	_ =	task [dreg:s6], $0x5FFFF  }
0xac: {  	[dreg:$0x1] =	wrdreg $0xFFFFFFFF  }
0xad: {  	[dreg:$0x0] =	wrdreg $0x60  }
0xae: {  	[dreg:$0x2] =	wrdreg s24  }
0xaf: {  	[dreg:$0x3] =	wrdreg $0x150000  }
0xb0: {  	[dreg:$0x4] =	wrdreg $0xA  }
0xb1: {  	_ =	task.clear_ibuf [dreg:s6], $0x5FFFF;
	_ =	strace $0x90000046  }
0xb2: {  	s29 =	simm.s32 $0xA;
	_ =	strace $0x80000048  }
0xb3: {  	_ =	swait.ge [sflag:s29], $0x1  }
0xb4: {  	[sflag:s29] =	ssyncadd.s32 $0xFFFFFFFF  }
0xb5: {  	_ =	strace $0x90000048  }
0xb6: {  	_ =	sfence  }
0xb7: {  	s30 =	sld [smem:$0x0];
	_ =	sdelay $0x2  }
0xb8: {  	s31 =	sshll.u32 s1, $0xD;
	s1 =	sshrl.u32 s1, $0x2  }
0xb9: {  	s3 =	sand.u32 $0x4000, s31;
	s1 =	sadd.s32 s1, s30  }
0xba: {  	s0 =	sor.u32 s3, s0;
	s1 =	sshll.u32 s1, $0x11  }
0xbb: {  	s0 =	sor.u32 s1, s0  }
0xbc: {  	s0 =	sadd.s32 $0x8F2B, s0  }
0xbd: {  	[sflag:s0] =	ssyncadd.remote.s32 $0x1  }
0xbe: {  	_ =	sfence.sel $0xFFFF  }
0xbf: {  	[dreg:$0x0] =	wrdreg $0xFFFFFFFF;
	(pc) =	sbr.abs _section_cstart, $3  }
0xc0: {  	[dreg:$0x1] =	wrdreg $0xFFFFFFFF  }
0xc1: {  	_ =	task.clear_ibuf [dreg:s6], $0x2FFFF;
	_ =	strace $0x9FFFFFFF  }
0xc2: {  	(tm) =	ssettm $0x7FFFFFFF  }
0xc3: {  	_ =	shalt  }
tec
execute0_lowered:
.L_overlay_start_1:
0x0: {  	(tag) =	ssettag $0x1  }
0x1: {  	s0 =	rddreg [dreg:$0x0];
	s10 =	stileid.u32  }
0x2: {  	s1 =	srdreg.scid;
	s2 =	rddreg [dreg:$0x1]  }
0x3: {  	s3 =	simm.s32 $0x0;
	s14 =	simm.s32 $0x9;
	s15 =	simm.s32 $0x2800  }
0x4: {  	s16 =	simm.s32 $0x7D;
	s17 =	simm.s32 $0x5000;
	s4 =	smul.u32 $0x5000, s10  }
0x5: {  	s29 =	simm.s32 $0x5;
	s31 =	simm.s32 $0x3;
	s8 =	smul.u32 $0xA000, s10  }
0x6: {  	s11 =	simm.s32 $0x8;
	s12 =	simm.s32 $0x0;
	s19 =	smul.u32 $0x29000, s10  }
0x7: {  	s1 =	sand.u32 $0x1, s1;
	[smem:$0x7FF] =	sst s3;
	s23 =	smul.u32 $0x28000, s10  }
0x8: {  	s9 =	sadd.s32 $0x110600, s0;
	s22 =	sshll.u32 s10, $0x6;
	s5 =	smul.u32 $0x50000, s1  }
0x9: {  	s10 =	simm.s32 $0x300;
	_ =	strace $0x80000047;
	s6 =	smul.u32 $0xA0000, s1  }
0xa: {  	s1 =	ssub.s32 $0x2, s1;
	[dreg:$0x3] =	wrdreg s9;
	s9 =	simm.s32 $0x7  }
0xb: {  	s7 =	sshrl.u32 s4, $0x3;
	s20 =	sshrl.u32 s1, $0x1;
	s21 =	sshrl.u32 s19, $0x2  }
0xc: {  	s26 =	sshrl.u32 s23, $0x2;
	s19 =	simm.s32 $0x9000;
	s5 =	sadd.s32 s4, s5  }
0xd: {  	s4 =	sadd.s32 $0x20600, s0;
	s7 =	sadd.s32 s7, s0;
	s6 =	sadd.s32 s8, s6  }
0xe: {  	s1 =	ssub.s32 s1, s20;
	s8 =	sadd.s32 s21, s2;
	s28 =	sadd.s32 s26, s2  }
0xf: {  	s21 =	simm.s32 $0xD000;
	s26 =	simm.s32 $0x2;
	s5 =	sshrl.u32 s5, $0x3  }
0x10: {  	s6 =	sshrl.u32 s6, $0x3;
	s24 =	sadd.s32 $0x2600, s7;
	s7 =	sadd.s32 $0x2B00, s7  }
0x11: {  	s1 =	smax.u32 s1, $0x1;
	s30 =	sshrl.u32 s8, $0x3;
	[dreg:$0x4] =	wrdreg s24  }
0x12: {  	s8 =	simm.s32 $0x2980;
	s5 =	sadd.s32 s5, s0;
	[dreg:$0x6] =	wrdreg s7  }
0x13: {  	s0 =	sadd.s32 s6, s0;
	s6 =	sor.u32 $0x1C09, s22;
	[dreg:$0x9] =	wrdreg s1  }
.Ltmp0:
0x14: {  	[dreg:$0xa] =	wrdreg s30;
	s25 =	sadd.s32 $0xC600, s5;
	(pc) =	sbr.rel .LBB2_1-.Ltmp0, $4  }
0x15: {  	s22 =	simm.s32 $0x1;
	s5 =	sadd.s32 $0xCB00, s5;
	[dreg:$0x5] =	wrdreg s25  }
0x16: {  	s24 =	simm.s32 $0x11000;
	s0 =	sadd.s32 $0x111C00, s0;
	[dreg:$0x7] =	wrdreg s5  }
0x17: {  	s1 =	simm.s32 $0x2900;
	s7 =	simm.s32 $0x4;
	[dreg:$0x8] =	wrdreg s0  }
0x18: {  	s25 =	sshrl.u32 s28, $0x3;
	s0 =	simm.s32 $0x6;
	s5 =	simm.s32 $0x280  }
.LBB2_7:
0x19: {  	_ =	swait.ge [sflag:s29], $0x3E80  }
0x1a: {  	[sflag:s29] =	ssyncset.done $0x0  }
0x1b: {  	[sflag:s29] =	ssyncadd.s32 $0xFFFFC180  }
0x1c: {  	_ =	swait.ge [sflag:s0], $0x3E80  }
0x1d: {  	[sflag:s0] =	ssyncset.done $0x0  }
0x1e: {  	[sflag:s0] =	ssyncadd.s32 $0xFFFFC180  }
0x1f: {  	_ =	swait.ge [sflag:s9], $0x3E80  }
0x20: {  	[sflag:s9] =	ssyncset.done $0x0  }
0x21: {  	[sflag:s9] =	ssyncadd.s32 $0xFFFFC180  }
0x22: {  	_ =	swait.ge [sflag:s11], $0x3E80  }
0x23: {  	[sflag:s11] =	ssyncset.done $0x0  }
0x24: {  	[sflag:s11] =	ssyncadd.s32 $0xFFFFC180  }
0x25: {  	[bflag:$0x0] =	sbarrier.arrive $0xFFFF  }
0x26: {  	s13 =	rddreg [dreg:$0x8]  }
0x27: {  	[hbm:s13], [sflag:s6] =	dma.local [spmem:s25], $0x1400  }
0x28: {  	_ =	swait.ge [sflag:s14], $0x1400  }
0x29: {  	s12 =	sadd.s32 $0x1, s12;
	s30 =	rddreg [dreg:$0x9]  }
0x2a: {  	p0 =	sne.s32 s12, s30  }
.Ltmp1:
0x2b: {  	_ = 	snop;
	(pc) =	sbr.rel @!p0 .LBB2_8-.Ltmp1, $3  }
0x2c: {  	_ =	sdelay $0x1  }
0x2d: {  	[sflag:s14] =	ssyncset.done $0x0  }
0x2e: {  	[sflag:s14] =	ssyncadd.s32 $0xFFFFEC00  }
.LBB2_1:
0x2f: {  	s13 =	rddreg [dreg:$0x3]  }
0x30: {  	s18 =	rddreg [dreg:$0xa]  }
0x31: {  	[spmem:s18], [sflag:s6] =	dma.local [hbm:s13], $0x1480  }
0x32: {  	_ =	swait.ge [sflag:s14], $0x1480  }
0x33: {  	[sflag:s14] =	ssyncset.done $0x0  }
0x34: {  	[sflag:s14] =	ssyncadd.s32 $0xFFFFEB80  }
0x35: {  	[bflag:$0x0] =	sbarrier.arrive $0xFFFF  }
0x36: {  	s28 =	rddreg [dreg:$0x4]  }
0x37: {  	[tilespmem:s3], [sflag:$0x9] =	stream.linear.gather [hbm4b:s28+s3], $0x2800, $0x38;
	[tilespmem:$0x1F400] =	vst v63  }
0x38: {  	_ =	swait.ge [sflag:s14], $0x2800  }
0x39: {  	[sflag:s14] =	ssyncset.done $0x0  }
0x3a: {  	s30 =	rddreg [dreg:$0x5];
	[sflag:s14] =	ssyncadd.s32 $0xFFFFD800  }
0x3b: {  	[tilespmem:s15], [sflag:$0x9] =	stream.linear.gather [hbm4b:s30+s3], $0x2800, $0x38;
	[tilespmem:$0x1F400] =	vst v63  }
0x3c: {  	_ =	swait.ge [sflag:s14], $0x2800  }
0x3d: {  	[sflag:s14] =	ssyncset.done $0x0  }
0x3e: {  	[sflag:s14] =	ssyncadd.s32 $0xFFFFD800  }
0x3f: {  	[tilespmem:s17], [sflag:$0x1] =	stream.indirect.gather [hbm4b:s4+s16], $0x80, s3, s16, $0xb8;
	[tilespmem:$0x1F400] =	vst v63  }
0x40: {  	s18 =	simm.s32 $0x80  }
0x41: {  	[tilespmem:s19], [sflag:$0x2] =	stream.indirect.gather [hbm4b:s4+s16], $0x80, s18, s16, $0xb8;
	[tilespmem:$0x1F400] =	vst v63  }
0x42: {  	s20 =	simm.s32 $0x100  }
0x43: {  	[tilespmem:s21], [sflag:$0x3] =	stream.indirect.gather [hbm4b:s4+s16], $0x80, s20, s16, $0xb8;
	[tilespmem:$0x1F400] =	vst v63  }
0x44: {  	_ =	swait.ge [sflag:s22], $0x3E80  }
0x45: {  	[sflag:s22] =	ssyncset.done $0x0  }
0x46: {  	[sflag:s22] =	ssyncadd.s32 $0xFFFFC180  }
0x47: {  	[spmem:s2] =	stream.indirect.scatter.add.f32 [tilespmem:s17], [sflag:$0x5], $0x80, s15, s16, $0xb8;
	[tilespmem:$0x1F400] =	vst v63  }
0x48: {  	s23 =	simm.s32 $0x180  }
0x49: {  	[tilespmem:s24], [sflag:$0x4] =	stream.indirect.gather [hbm4b:s4+s16], $0x80, s23, s16, $0xb8;
	[tilespmem:$0x1F400] =	vst v63  }
0x4a: {  	_ =	swait.ge [sflag:s26], $0x3E80  }
0x4b: {  	[sflag:s26] =	ssyncset.done $0x0  }
0x4c: {  	s28 =	simm.s32 $0x2880;
	[sflag:s26] =	ssyncadd.s32 $0xFFFFC180  }
0x4d: {  	[spmem:s2] =	stream.indirect.scatter.add.f32 [tilespmem:s19], [sflag:$0x6], $0x80, s28, s16, $0xb8;
	[tilespmem:$0x1F400] =	vst v63  }
0x4e: {  	_ =	swait.ge [sflag:s29], $0x3E80  }
0x4f: {  	[sflag:s29] =	ssyncset.done $0x0  }
0x50: {  	s30 =	simm.s32 $0x200;
	[sflag:s29] =	ssyncadd.s32 $0xFFFFC180  }
0x51: {  	[tilespmem:s17], [sflag:$0x1] =	stream.indirect.gather [hbm4b:s4+s16], $0x80, s30, s16, $0xb8;
	[tilespmem:$0x1F400] =	vst v63  }
0x52: {  	_ =	swait.ge [sflag:s31], $0x3E80  }
0x53: {  	[sflag:s31] =	ssyncset.done $0x0  }
0x54: {  	[sflag:s31] =	ssyncadd.s32 $0xFFFFC180  }
0x55: {  	[spmem:s2] =	stream.indirect.scatter.add.f32 [tilespmem:s21], [sflag:$0x7], $0x80, s1, s16, $0xb8;
	[tilespmem:$0x1F400] =	vst v63  }
0x56: {  	_ =	swait.ge [sflag:s0], $0x3E80  }
0x57: {  	[sflag:s0] =	ssyncset.done $0x0  }
0x58: {  	[sflag:s0] =	ssyncadd.s32 $0xFFFFC180  }
0x59: {  	[tilespmem:s19], [sflag:$0x2] =	stream.indirect.gather [hbm4b:s4+s16], $0x80, s5, s16, $0xb8;
	[tilespmem:$0x1F400] =	vst v63  }
0x5a: {  	_ =	swait.ge [sflag:s7], $0x3E80  }
0x5b: {  	[sflag:s7] =	ssyncset.done $0x0  }
0x5c: {  	[sflag:s7] =	ssyncadd.s32 $0xFFFFC180  }
0x5d: {  	[spmem:s2] =	stream.indirect.scatter.add.f32 [tilespmem:s24], [sflag:$0x8], $0x80, s8, s16, $0xb8;
	[tilespmem:$0x1F400] =	vst v63  }
0x5e: {  	_ =	swait.ge [sflag:s9], $0x3E80  }
0x5f: {  	[sflag:s9] =	ssyncset.done $0x0  }
0x60: {  	s13 =	simm.s32 $0x0;
	[sflag:s9] =	ssyncadd.s32 $0xFFFFC180  }
0x61: {  	[tilespmem:s21], [sflag:$0x3] =	stream.indirect.gather [hbm4b:s4+s16], $0x80, s10, s16, $0xb8;
	[tilespmem:$0x1F400] =	vst v63  }
.LBB2_2:
0x62: {  	_ =	swait.ge [sflag:s22], $0x3E80  }
0x63: {  	s18 =	sshra.s32 s13, $0x2;
	[sflag:s22] =	ssyncset.done $0x0  }
0x64: {  	s20 =	sadd.s32 $0x2A00, s18;
	[sflag:s22] =	ssyncadd.s32 $0xFFFFC180  }
0x65: {  	[spmem:s2] =	stream.indirect.scatter.add.f32 [tilespmem:s17], [sflag:$0x5], $0x80, s20, s16, $0xb8;
	[tilespmem:$0x1F400] =	vst v63  }
0x66: {  	_ =	swait.ge [sflag:s11], $0x3E80  }
0x67: {  	[sflag:s11] =	ssyncset.done $0x0  }
0x68: {  	s23 =	sadd.s32 $0x380, s18;
	[sflag:s11] =	ssyncadd.s32 $0xFFFFC180  }
0x69: {  	[tilespmem:s24], [sflag:$0x4] =	stream.indirect.gather [hbm4b:s4+s16], $0x80, s23, s16, $0xb8;
	[tilespmem:$0x1F400] =	vst v63  }
0x6a: {  	_ =	swait.ge [sflag:s26], $0x3E80  }
0x6b: {  	p0 =	seq.s32 s13, $0x9000;
	[sflag:s26] =	ssyncset.done $0x0  }
0x6c: {  	s28 =	sadd.s32 $0x2A80, s18;
	s20 =	simm.s32 @p0 $0x3;
	[sflag:s26] =	ssyncadd.s32 $0xFFFFC180  }
0x6d: {  	[spmem:s2] =	stream.indirect.scatter.add.f32 [tilespmem:s19], [sflag:$0x6], $0x80, s28, s16, $0xb8;
	[tilespmem:$0x1F400] =	vst v63  }
0x6e: {  	_ =	swait.ge @p0 [sflag:s20], $0x3E80  }
0x6f: {  	[sflag:s20] =	ssyncset.done @p0 $0x0  }
0x70: {  	[sflag:s20] =	ssyncadd.s32 @p0 $0xFFFFC180;
	s20 =	sshra.s32 @p0 s13, $0x2  }
0x71: {  	s23 =	simm.s32 @p0 $0x7D;
	s28 =	simm.s32 @p0 $0xD000;
	s20 =	sadd.s32 @p0 $0x2B00, s20  }
0x72: {  	[spmem:s2] =	stream.indirect.scatter.add.f32 @p0 [tilespmem:s28], [sflag:$0x7], $0x80, s20, s23, $0xb8;
	[tilespmem:$0x1F400] =	vst v63  }
0x73: {  	s20 =	simm.s32 @!p0 $0x5  }
0x74: {  	_ =	swait.ge @!p0 [sflag:s20], $0x3E80  }
0x75: {  	[sflag:s20] =	ssyncset.done @!p0 $0x0  }
0x76: {  	[sflag:s20] =	ssyncadd.s32 @!p0 $0xFFFFC180;
	s20 =	sshra.s32 @!p0 s13, $0x2  }
0x77: {  	s30 =	simm.s32 @!p0 $0x5000;
	s28 =	simm.s32 @!p0 $0x7D;
	s23 =	sadd.s32 @!p0 $0x400, s20  }
0x78: {  	[tilespmem:s30], [sflag:$0x1] =	stream.indirect.gather @!p0 [hbm4b:s4+s28], $0x80, s23, s28, $0xb8;
	[tilespmem:$0x1F400] =	vst v63  }
0x79: {  	s23 =	simm.s32 @!p0 $0x3  }
0x7a: {  	_ =	swait.ge @!p0 [sflag:s23], $0x3E80  }
0x7b: {  	[sflag:s23] =	ssyncset.done @!p0 $0x0  }
0x7c: {  	s30 =	simm.s32 @!p0 $0xD000;
	[sflag:s23] =	ssyncadd.s32 @!p0 $0xFFFFC180;
	s23 =	sadd.s32 @!p0 $0x2B00, s20  }
0x7d: {  	[spmem:s2] =	stream.indirect.scatter.add.f32 @!p0 [tilespmem:s30], [sflag:$0x7], $0x80, s23, s28, $0xb8;
	[tilespmem:$0x1F400] =	vst v63  }
0x7e: {  	s23 =	simm.s32 @!p0 $0x6  }
0x7f: {  	_ =	swait.ge @!p0 [sflag:s23], $0x3E80  }
0x80: {  	[sflag:s23] =	ssyncset.done @!p0 $0x0  }
0x81: {  	s20 =	sadd.s32 @!p0 $0x480, s20;
	[sflag:s23] =	ssyncadd.s32 @!p0 $0xFFFFC180;
	s23 =	simm.s32 @!p0 $0x9000  }
0x82: {  	[tilespmem:s23], [sflag:$0x2] =	stream.indirect.gather @!p0 [hbm4b:s4+s28], $0x80, s20, s28, $0xb8;
	[tilespmem:$0x1F400] =	vst v63  }
.Ltmp2:
0x83: {  	_ = 	snop;
	(pc) =	sbr.rel @p0 .LBB2_4-.Ltmp2, $4  }
0x84: {  	_ =	swait.ge [sflag:s7], $0x3E80  }
0x85: {  	[sflag:s7] =	ssyncset.done $0x0  }
0x86: {  	s30 =	sadd.s32 $0x2B80, s18;
	[sflag:s7] =	ssyncadd.s32 $0xFFFFC180  }
0x87: {  	[spmem:s2] =	stream.indirect.scatter.add.f32 [tilespmem:s24], [sflag:$0x8], $0x80, s30, s16, $0xb8;
	[tilespmem:$0x1F400] =	vst v63  }
.Ltmp3:
0x88: {  	(pc) =	sbr.rel .LBB2_2-.Ltmp3, $4  }
0x89: {  	_ =	swait.ge [sflag:s9], $0x3E80  }
0x8a: {  	[sflag:s9] =	ssyncset.done $0x0  }
0x8b: {  	s18 =	sadd.s32 $0x500, s18;
	s13 =	sadd.s32 $0x800, s13;
	[sflag:s9] =	ssyncadd.s32 $0xFFFFC180  }
0x8c: {  	[tilespmem:s21], [sflag:$0x3] =	stream.indirect.gather [hbm4b:s4+s16], $0x80, s18, s16, $0xb8;
	[tilespmem:$0x1F400] =	vst v63  }
.LBB2_4:
0x8d: {  	_ =	swait.ge [sflag:s29], $0x3E80  }
0x8e: {  	[sflag:s29] =	ssyncset.done $0x0  }
0x8f: {  	[sflag:s29] =	ssyncadd.s32 $0xFFFFC180  }
0x90: {  	_ =	swait.ge [sflag:s0], $0x3E80  }
0x91: {  	[sflag:s0] =	ssyncset.done $0x0  }
0x92: {  	[sflag:s0] =	ssyncadd.s32 $0xFFFFC180  }
0x93: {  	_ =	swait.ge [sflag:s9], $0x3E80  }
0x94: {  	[sflag:s9] =	ssyncset.done $0x0  }
0x95: {  	[sflag:s9] =	ssyncadd.s32 $0xFFFFC180  }
0x96: {  	_ =	swait.ge [sflag:s11], $0x3E80  }
0x97: {  	[sflag:s11] =	ssyncset.done $0x0  }
0x98: {  	s13 =	simm.s32 $0x0;
	s18 =	rddreg [dreg:$0x6];
	[sflag:s11] =	ssyncadd.s32 $0xFFFFC180  }
0x99: {  	[tilespmem:s13], [sflag:$0x9] =	stream.linear.gather [hbm4b:s18+s13], $0x2800, $0x38;
	[tilespmem:$0x1F400] =	vst v63  }
0x9a: {  	_ =	swait.ge [sflag:s14], $0x2800  }
0x9b: {  	[sflag:s14] =	ssyncset.done $0x0  }
0x9c: {  	s28 =	rddreg [dreg:$0x7];
	[sflag:s14] =	ssyncadd.s32 $0xFFFFD800  }
0x9d: {  	[tilespmem:s15], [sflag:$0x9] =	stream.linear.gather [hbm4b:s28+s13], $0x2800, $0x38;
	[tilespmem:$0x1F400] =	vst v63  }
0x9e: {  	_ =	swait.ge [sflag:s14], $0x2800  }
0x9f: {  	[sflag:s14] =	ssyncset.done $0x0  }
0xa0: {  	[sflag:s14] =	ssyncadd.s32 $0xFFFFD800  }
0xa1: {  	[tilespmem:s17], [sflag:$0x1] =	stream.indirect.gather [hbm4b:s4+s16], $0x80, s13, s16, $0xb8;
	[tilespmem:$0x1F400] =	vst v63  }
0xa2: {  	s30 =	simm.s32 $0x80  }
0xa3: {  	[tilespmem:s19], [sflag:$0x2] =	stream.indirect.gather [hbm4b:s4+s16], $0x80, s30, s16, $0xb8;
	[tilespmem:$0x1F400] =	vst v63  }
0xa4: {  	s20 =	simm.s32 $0x100  }
0xa5: {  	[tilespmem:s21], [sflag:$0x3] =	stream.indirect.gather [hbm4b:s4+s16], $0x80, s20, s16, $0xb8;
	[tilespmem:$0x1F400] =	vst v63  }
0xa6: {  	_ =	swait.ge [sflag:s22], $0x3E80  }
0xa7: {  	[sflag:s22] =	ssyncset.done $0x0  }
0xa8: {  	[sflag:s22] =	ssyncadd.s32 $0xFFFFC180  }
0xa9: {  	[spmem:s2] =	stream.indirect.scatter.add.f32 [tilespmem:s17], [sflag:$0x5], $0x80, s15, s16, $0xb8;
	[tilespmem:$0x1F400] =	vst v63  }
0xaa: {  	s23 =	simm.s32 $0x180  }
0xab: {  	[tilespmem:s24], [sflag:$0x4] =	stream.indirect.gather [hbm4b:s4+s16], $0x80, s23, s16, $0xb8;
	[tilespmem:$0x1F400] =	vst v63  }
0xac: {  	_ =	swait.ge [sflag:s26], $0x3E80  }
0xad: {  	[sflag:s26] =	ssyncset.done $0x0  }
0xae: {  	s28 =	simm.s32 $0x2880;
	[sflag:s26] =	ssyncadd.s32 $0xFFFFC180  }
0xaf: {  	[spmem:s2] =	stream.indirect.scatter.add.f32 [tilespmem:s19], [sflag:$0x6], $0x80, s28, s16, $0xb8;
	[tilespmem:$0x1F400] =	vst v63  }
0xb0: {  	_ =	swait.ge [sflag:s29], $0x3E80  }
0xb1: {  	[sflag:s29] =	ssyncset.done $0x0  }
0xb2: {  	s30 =	simm.s32 $0x200;
	[sflag:s29] =	ssyncadd.s32 $0xFFFFC180  }
0xb3: {  	[tilespmem:s17], [sflag:$0x1] =	stream.indirect.gather [hbm4b:s4+s16], $0x80, s30, s16, $0xb8;
	[tilespmem:$0x1F400] =	vst v63  }
0xb4: {  	_ =	swait.ge [sflag:s31], $0x3E80  }
0xb5: {  	[sflag:s31] =	ssyncset.done $0x0  }
0xb6: {  	[sflag:s31] =	ssyncadd.s32 $0xFFFFC180  }
0xb7: {  	[spmem:s2] =	stream.indirect.scatter.add.f32 [tilespmem:s21], [sflag:$0x7], $0x80, s1, s16, $0xb8;
	[tilespmem:$0x1F400] =	vst v63  }
0xb8: {  	_ =	swait.ge [sflag:s0], $0x3E80  }
0xb9: {  	[sflag:s0] =	ssyncset.done $0x0  }
0xba: {  	[sflag:s0] =	ssyncadd.s32 $0xFFFFC180  }
0xbb: {  	[tilespmem:s19], [sflag:$0x2] =	stream.indirect.gather [hbm4b:s4+s16], $0x80, s5, s16, $0xb8;
	[tilespmem:$0x1F400] =	vst v63  }
0xbc: {  	_ =	swait.ge [sflag:s7], $0x3E80  }
0xbd: {  	[sflag:s7] =	ssyncset.done $0x0  }
0xbe: {  	[sflag:s7] =	ssyncadd.s32 $0xFFFFC180  }
0xbf: {  	[spmem:s2] =	stream.indirect.scatter.add.f32 [tilespmem:s24], [sflag:$0x8], $0x80, s8, s16, $0xb8;
	[tilespmem:$0x1F400] =	vst v63  }
0xc0: {  	_ =	swait.ge [sflag:s9], $0x3E80  }
0xc1: {  	[sflag:s9] =	ssyncset.done $0x0  }
0xc2: {  	[sflag:s9] =	ssyncadd.s32 $0xFFFFC180  }
0xc3: {  	[tilespmem:s21], [sflag:$0x3] =	stream.indirect.gather [hbm4b:s4+s16], $0x80, s10, s16, $0xb8;
	[tilespmem:$0x1F400] =	vst v63  }
.LBB2_5:
0xc4: {  	_ =	swait.ge [sflag:s22], $0x3E80  }
0xc5: {  	s18 =	sshra.s32 s13, $0x2;
	[sflag:s22] =	ssyncset.done $0x0  }
0xc6: {  	s20 =	sadd.s32 $0x2A00, s18;
	[sflag:s22] =	ssyncadd.s32 $0xFFFFC180  }
0xc7: {  	[spmem:s2] =	stream.indirect.scatter.add.f32 [tilespmem:s17], [sflag:$0x5], $0x80, s20, s16, $0xb8;
	[tilespmem:$0x1F400] =	vst v63  }
0xc8: {  	_ =	swait.ge [sflag:s11], $0x3E80  }
0xc9: {  	[sflag:s11] =	ssyncset.done $0x0  }
0xca: {  	s23 =	sadd.s32 $0x380, s18;
	[sflag:s11] =	ssyncadd.s32 $0xFFFFC180  }
0xcb: {  	[tilespmem:s24], [sflag:$0x4] =	stream.indirect.gather [hbm4b:s4+s16], $0x80, s23, s16, $0xb8;
	[tilespmem:$0x1F400] =	vst v63  }
0xcc: {  	_ =	swait.ge [sflag:s26], $0x3E80  }
0xcd: {  	p0 =	seq.s32 s13, $0x9000;
	[sflag:s26] =	ssyncset.done $0x0  }
0xce: {  	s28 =	sadd.s32 $0x2A80, s18;
	s20 =	simm.s32 @p0 $0x3;
	[sflag:s26] =	ssyncadd.s32 $0xFFFFC180  }
0xcf: {  	[spmem:s2] =	stream.indirect.scatter.add.f32 [tilespmem:s19], [sflag:$0x6], $0x80, s28, s16, $0xb8;
	[tilespmem:$0x1F400] =	vst v63  }
0xd0: {  	_ =	swait.ge @p0 [sflag:s20], $0x3E80  }
0xd1: {  	[sflag:s20] =	ssyncset.done @p0 $0x0  }
0xd2: {  	[sflag:s20] =	ssyncadd.s32 @p0 $0xFFFFC180;
	s20 =	sshra.s32 @p0 s13, $0x2  }
0xd3: {  	s23 =	simm.s32 @p0 $0x7D;
	s28 =	simm.s32 @p0 $0xD000;
	s20 =	sadd.s32 @p0 $0x2B00, s20  }
0xd4: {  	[spmem:s2] =	stream.indirect.scatter.add.f32 @p0 [tilespmem:s28], [sflag:$0x7], $0x80, s20, s23, $0xb8;
	[tilespmem:$0x1F400] =	vst v63  }
0xd5: {  	s20 =	simm.s32 @!p0 $0x5  }
0xd6: {  	_ =	swait.ge @!p0 [sflag:s20], $0x3E80  }
0xd7: {  	[sflag:s20] =	ssyncset.done @!p0 $0x0  }
0xd8: {  	[sflag:s20] =	ssyncadd.s32 @!p0 $0xFFFFC180;
	s20 =	sshra.s32 @!p0 s13, $0x2  }
0xd9: {  	s30 =	simm.s32 @!p0 $0x5000;
	s28 =	simm.s32 @!p0 $0x7D;
	s23 =	sadd.s32 @!p0 $0x400, s20  }
0xda: {  	[tilespmem:s30], [sflag:$0x1] =	stream.indirect.gather @!p0 [hbm4b:s4+s28], $0x80, s23, s28, $0xb8;
	[tilespmem:$0x1F400] =	vst v63  }
0xdb: {  	s23 =	simm.s32 @!p0 $0x3  }
0xdc: {  	_ =	swait.ge @!p0 [sflag:s23], $0x3E80  }
0xdd: {  	[sflag:s23] =	ssyncset.done @!p0 $0x0  }
0xde: {  	s30 =	simm.s32 @!p0 $0xD000;
	[sflag:s23] =	ssyncadd.s32 @!p0 $0xFFFFC180;
	s23 =	sadd.s32 @!p0 $0x2B00, s20  }
0xdf: {  	[spmem:s2] =	stream.indirect.scatter.add.f32 @!p0 [tilespmem:s30], [sflag:$0x7], $0x80, s23, s28, $0xb8;
	[tilespmem:$0x1F400] =	vst v63  }
0xe0: {  	s23 =	simm.s32 @!p0 $0x6  }
0xe1: {  	_ =	swait.ge @!p0 [sflag:s23], $0x3E80  }
0xe2: {  	[sflag:s23] =	ssyncset.done @!p0 $0x0  }
0xe3: {  	s20 =	sadd.s32 @!p0 $0x480, s20;
	[sflag:s23] =	ssyncadd.s32 @!p0 $0xFFFFC180;
	s23 =	simm.s32 @!p0 $0x9000  }
0xe4: {  	[tilespmem:s23], [sflag:$0x2] =	stream.indirect.gather @!p0 [hbm4b:s4+s28], $0x80, s20, s28, $0xb8;
	[tilespmem:$0x1F400] =	vst v63  }
.Ltmp4:
0xe5: {  	_ = 	snop;
	(pc) =	sbr.rel @p0 .LBB2_7-.Ltmp4, $4  }
0xe6: {  	_ =	swait.ge [sflag:s7], $0x3E80  }
0xe7: {  	[sflag:s7] =	ssyncset.done $0x0  }
0xe8: {  	s30 =	sadd.s32 $0x2B80, s18;
	[sflag:s7] =	ssyncadd.s32 $0xFFFFC180  }
0xe9: {  	[spmem:s2] =	stream.indirect.scatter.add.f32 [tilespmem:s24], [sflag:$0x8], $0x80, s30, s16, $0xb8;
	[tilespmem:$0x1F400] =	vst v63  }
.Ltmp5:
0xea: {  	(pc) =	sbr.rel .LBB2_5-.Ltmp5, $4  }
0xeb: {  	_ =	swait.ge [sflag:s9], $0x3E80  }
0xec: {  	[sflag:s9] =	ssyncset.done $0x0  }
0xed: {  	s18 =	sadd.s32 $0x500, s18;
	s13 =	sadd.s32 $0x800, s13;
	[sflag:s9] =	ssyncadd.s32 $0xFFFFC180  }
0xee: {  	[tilespmem:s21], [sflag:$0x3] =	stream.indirect.gather [hbm4b:s4+s16], $0x80, s18, s16, $0xb8;
	[tilespmem:$0x1F400] =	vst v63  }
.LBB2_8:
0xef: {  	_ =	sfence.sel $0x180000  }
0xf0: {  	[bflag:$0x0] =	sbarrier.arrive $0xFFFF  }
0xf1: {  	_ =	strace $0x90000047  }
0xf2: {  	s0 =	stileid.u32;
	[bflag:$0x2] =	sbarrier.arrive $0xFFFF  }
0xf3: {  	p0 =	sne.s32 s0, $0x0;
	s0 =	rddreg [dreg:$0x2]  }
0xf4: {  	s0 =	sadd.s32 @!p0 $0x100000, s0  }
0xf5: {  	[sflag:s0] =	ssyncadd.tile.s32 @!p0 $0x1;
	_ =	shalt  }
.Lfunc_end2:
_tile_overlayer_lowered:
.L_overlay_start_2:
0xf6: {  	(tag) =	ssettag $0x2  }
0xf7: {  	s0 =	rddreg [dreg:$0x0];
	s2 =	stileid.u32  }
0xf8: {  	s1 =	rddreg [dreg:$0x1];
	p0 =	sne.s32 s2, $0x0  }
0xf9: {  	s3 =	rddreg [dreg:$0x2];
	[bflag:$0x3] =	sbarrier.arrive $0xFFFF;
	s2 =	simm.s32 @!p0 $0x1C09  }
0xfa: {  	[timem:s3], [sflag:s2] =	dma.local @!p0 [hbm:s0], s1  }
0xfb: {  	s0 =	simm.s32 @!p0 $0x9  }
0xfc: {  	_ =	swait.ge @!p0 [sflag:s0], s1  }
0xfd: {  	s1 =	ssub.s32 @!p0 $0x0, s1;
	[sflag:s0] =	ssyncset.done @!p0 $0x0  }
0xfe: {  	[sflag:s0] =	ssyncadd.s32 @!p0 s1  }
0xff: {  	[bflag:$0x3] =	sbarrier.arrive $0xFFFF  }
0x100: {  	_ =	shalt  }

</sc_bundles>
